<compile_context>
chip_gen: v7x
topology: tpu7x:2x2x1
jax: 0.10.2.dev20260603
libtpu: 0.0.44.dev20260713+nightly
codegen_flags: <defaults>
</compile_context>

<pallas_src>
import jax
import jax.numpy as jnp
from jax import lax
from jax.experimental import pallas as pl
from jax.experimental.pallas import tpu as pltpu
from jax.experimental.pallas import tpu_sc as plsc

B, C, H, W = 8, 19, 512, 512
NC, NS = 2, 16
NW = NC * NS
SC_B = 4
TC_B = B - SC_B
RB = 8
WC = 256
CH = RB * WC
ROWS_PER_TILE = (SC_B * H) // NW
NWH = W // WC
NCHUNK = (ROWS_PER_TILE // RB) * NWH
NVREG = CH // 16
VPR = WC // 16
HB = 128


def _sc_body(mask_hbm, att_hbm, outg_hbm, outl_hbm,
             att_v, g_v, l_v, in0, in1, og0, og1, ol0, ol1,
             sin0, sin1, sog0, sog1, sol0, sol1):
  wid = lax.axis_index("s") * NC + lax.axis_index("c")
  row_base = wid * ROWS_PER_TILE

  pltpu.sync_copy(att_hbm, att_v)
  for i in (0, 16):
    rows = jnp.minimum(lax.iota(jnp.int32, 16) + i, C - 1)
    a0 = plsc.load_gather(att_v, [rows, jnp.zeros((16,), jnp.int32)])
    a1 = plsc.load_gather(att_v, [rows, jnp.ones((16,), jnp.int32)])
    m = jnp.maximum(a0, a1)
    e0 = jnp.exp(a0 - m)
    e1 = jnp.exp(a1 - m)
    s = e0 + e1
    g_v[pl.ds(i, 16)] = e0 / s
    l_v[pl.ds(i, 16)] = e1 / s

  inbuf = (in0, in1)
  ogbuf = (og0, og1)
  olbuf = (ol0, ol1)
  isem = (sin0, sin1)
  gsem = (sog0, sog1)
  lsem = (sol0, sol1)

  def chunk_addr(k):
    g = row_base + (k // NWH) * RB
    wcol = (k % NWH) * WC
    return g >> 9, pl.multiple_of(g & (H - 1), RB), pl.multiple_of(wcol, WC)

  def start_in(k, p):
    b, r, wcol = chunk_addr(k)
    pltpu.async_copy(
        mask_hbm.at[b, :, pl.ds(r, RB), pl.ds(wcol, WC)], inbuf[p], isem[p])

  def wait_in(p):
    pltpu.make_async_copy(
        mask_hbm.at[0, :, pl.ds(0, RB), pl.ds(0, WC)], inbuf[p], isem[p]).wait()

  def compute(k, p):
    b, r0, wcol = chunk_addr(k)
    buf, og, ol = inbuf[p], ogbuf[p], olbuf[p]

    @plsc.parallel_loop(0, NVREG, 1, unroll=2)
    def vbody(i):
      r = i // VPR
      col = (i % VPR) * 16

      def tree(lo, hi):
        if hi - lo == 1:
          return buf[lo, r, pl.ds(col, 16)], jnp.full((16,), lo, jnp.int32)
        mid = (lo + hi) // 2
        va, ia = tree(lo, mid)
        vb, ib = tree(mid, hi)
        upd = vb > va
        return jnp.where(upd, vb, va), jnp.where(upd, ib, ia)

      _, idx = tree(0, C)
      og[r, pl.ds(col, 16)] = plsc.load_gather(g_v, [idx])
      ol[r, pl.ds(col, 16)] = plsc.load_gather(l_v, [idx])

    pltpu.async_copy(
        og, outg_hbm.at[b, 0, pl.ds(r0, RB), pl.ds(wcol, WC)], gsem[p])
    pltpu.async_copy(
        ol, outl_hbm.at[b, 0, pl.ds(r0, RB), pl.ds(wcol, WC)], lsem[p])

  def wait_out(p):
    pltpu.make_async_copy(
        ogbuf[p], outg_hbm.at[0, 0, pl.ds(0, RB), pl.ds(0, WC)], gsem[p]).wait()
    pltpu.make_async_copy(
        olbuf[p], outl_hbm.at[0, 0, pl.ds(0, RB), pl.ds(0, WC)], lsem[p]).wait()

  start_in(0, 0)

  def pair(j, carry):
    k0 = j * 2
    start_in(k0 + 1, 1)
    wait_in(0)
    lax.cond(j >= 1, lambda: wait_out(0), lambda: None)
    compute(k0, 0)

    lax.cond(j < NCHUNK // 2 - 1, lambda: start_in(k0 + 2, 0), lambda: None)
    wait_in(1)
    lax.cond(j >= 1, lambda: wait_out(1), lambda: None)
    compute(k0 + 1, 1)
    return carry

  lax.fori_loop(0, NCHUNK // 2, pair, 0)
  wait_out(0)
  wait_out(1)


def _tc_body(att_ref, mask_ref, og_ref, ol_ref):
  best = mask_ref[0, 0]
  bd = jnp.full((HB, W), att_ref[0, 0] - att_ref[0, 1], jnp.float32)
  for c in range(1, C):
    x = mask_ref[0, c]
    upd = x > best
    best = jnp.where(upd, x, best)
    bd = jnp.where(upd, att_ref[c, 0] - att_ref[c, 1], bd)
  og_ref[0, 0] = 1.0 / (1.0 + jnp.exp(-bd))
  ol_ref[0, 0] = 1.0 / (1.0 + jnp.exp(bd))


@jax.jit
def _run(mask, attention):
  mesh = plsc.VectorSubcoreMesh(
      core_axis_name="c", subcore_axis_name="s",
      num_cores=NC, num_subcores=NS)
  sc = pl.kernel(
      _sc_body,
      out_type=(jax.ShapeDtypeStruct((B, 1, H, W), jnp.float32),
                jax.ShapeDtypeStruct((B, 1, H, W), jnp.float32)),
      mesh=mesh,
      scratch_types=[
          pltpu.VMEM((C, 2), jnp.float32),
          pltpu.VMEM((32,), jnp.float32),
          pltpu.VMEM((32,), jnp.float32),
          pltpu.VMEM((C, RB, WC), jnp.float32),
          pltpu.VMEM((C, RB, WC), jnp.float32),
          pltpu.VMEM((RB, WC), jnp.float32),
          pltpu.VMEM((RB, WC), jnp.float32),
          pltpu.VMEM((RB, WC), jnp.float32),
          pltpu.VMEM((RB, WC), jnp.float32),
          pltpu.SemaphoreType.DMA,
          pltpu.SemaphoreType.DMA,
          pltpu.SemaphoreType.DMA,
          pltpu.SemaphoreType.DMA,
          pltpu.SemaphoreType.DMA,
          pltpu.SemaphoreType.DMA,
      ],
      compiler_params=pltpu.CompilerParams(needs_layout_passes=False),
      name="attention_affine_sc",
  )
  sc_g, sc_l = sc(mask, attention)

  tc = pl.pallas_call(
      _tc_body,
      grid=(TC_B, H // HB),
      in_specs=[
          pl.BlockSpec(memory_space=pltpu.SMEM),
          pl.BlockSpec((1, C, HB, W), lambda b, h: (SC_B + b, 0, h, 0)),
      ],
      out_specs=[
          pl.BlockSpec((1, 1, HB, W), lambda b, h: (b, 0, h, 0)),
          pl.BlockSpec((1, 1, HB, W), lambda b, h: (b, 0, h, 0)),
      ],
      out_shape=(jax.ShapeDtypeStruct((TC_B, 1, H, W), jnp.float32),
                 jax.ShapeDtypeStruct((TC_B, 1, H, W), jnp.float32)),
      name="attention_affine_tc",
  )
  tc_g, tc_l = tc(attention, mask)

  return (lax.dynamic_update_slice(sc_g, tc_g, (SC_B, 0, 0, 0)),
          lax.dynamic_update_slice(sc_l, tc_l, (SC_B, 0, 0, 0)))


def kernel(mask, attention):
  return _run(mask, attention)

# --- scband reference (transcript-rebuilt; emitter-appended) ---
"""Pipeline reference for scband-attention-affine-42717744726482 (READ-ONLY COPY).

The authoritative reference and input builder live on the scoring server;
editing this copy changes nothing except your own understanding.
"""

import jax, jax.numpy as jnp
import numpy as np


def setup_inputs(seed: int = 0) -> dict:
    key = jax.random.key(seed)
    k1, k2 = jax.random.split(key)
    mask = jax.random.normal(k1, (8, 19, 512, 512), dtype=jnp.float32)
    attention = jax.random.normal(k2, (19, 2), dtype=jnp.float32)
    return {"mask": mask, "attention": attention}


def reference(mask, attention):
    # arg_mask = argmax over channel dim -> int indices [B, H, W]
    arg_mask = jnp.argmax(mask, axis=1)
    # embedding lookup: attention[arg_mask] -> [B, H, W, 2]
    att = jnp.take(attention, arg_mask, axis=0)
    # permute(0, 3, 1, 2) -> [B, 2, H, W]
    att = jnp.transpose(att, (0, 3, 1, 2))
    result_attention = jax.nn.softmax(att, axis=1)
    attention_global = result_attention[:, 0:1, :, :]
    attention_local = result_attention[:, 1:2, :, :]
    return (attention_global, attention_local)

if __name__ == "__main__":
    import jax
    _d = setup_inputs()
    print(jax.jit(kernel)(*tuple(_d.values())))

</pallas_src>

<mosaic_0001>
#map = affine_map<(d0, d1) -> (0, 0, 0, 0)>
#map1 = affine_map<(d0, d1) -> (0, 0)>
module attributes {stable_mosaic.version = 14 : i64} {
  func.func @attention_affine_sc(%arg0: i32, %arg1: i32, %arg2: memref<8x19x512x512xf32, #tpu.memory_space<hbm>>, %arg3: memref<19x2xf32, #tpu.memory_space<hbm>>, %arg4: memref<8x1x512x512xf32, #tpu.memory_space<hbm>>, %arg5: memref<8x1x512x512xf32, #tpu.memory_space<hbm>>, %arg6: memref<19x2xf32, #tpu.memory_space<vmem>>, %arg7: memref<32xf32, #tpu.memory_space<vmem>>, %arg8: memref<32xf32, #tpu.memory_space<vmem>>, %arg9: memref<19x8x256xf32, #tpu.memory_space<vmem>>, %arg10: memref<19x8x256xf32, #tpu.memory_space<vmem>>, %arg11: memref<8x256xf32, #tpu.memory_space<vmem>>, %arg12: memref<8x256xf32, #tpu.memory_space<vmem>>, %arg13: memref<8x256xf32, #tpu.memory_space<vmem>>, %arg14: memref<8x256xf32, #tpu.memory_space<vmem>>, %arg15: memref<!tpu.dma_semaphore, #tpu.memory_space<semaphore_mem>>, %arg16: memref<!tpu.dma_semaphore, #tpu.memory_space<semaphore_mem>>, %arg17: memref<!tpu.dma_semaphore, #tpu.memory_space<semaphore_mem>>, %arg18: memref<!tpu.dma_semaphore, #tpu.memory_space<semaphore_mem>>, %arg19: memref<!tpu.dma_semaphore, #tpu.memory_space<semaphore_mem>>, %arg20: memref<!tpu.dma_semaphore, #tpu.memory_space<semaphore_mem>>) attributes {dimension_semantics = [#tpu.dimension_semantics<core_parallel>, #tpu.dimension_semantics<subcore_parallel>], iteration_bounds = array<i64: 2, 16>, scalar_prefetch = 0 : i64, scratch_operands = 15 : i64, tpu.core_type = #tpu.core_type<sc_vector_subcore>, window_params = [{transform_indices = #map}, {transform_indices = #map1}, {transform_indices = #map}, {transform_indices = #map}]} {
    %mul3A = arith.constant 2 : i32
    %mul3A_0 = arith.muli %arg1, %mul3A : i32
    %add3A = arith.addi %mul3A_0, %arg0 : i32
    %mul3A_1 = arith.constant 64 : i32
    %mul3A_2 = arith.muli %add3A, %mul3A_1 : i32
    "tpu.region"() ({
      %run_scoped3A = tpu.sem_alloc : memref<!tpu.dma_semaphore, #tpu.memory_space<semaphore_mem>>
      tpu.enqueue_dma source(%arg3 : memref<19x2xf32, #tpu.memory_space<hbm>>) target(%arg6 : memref<19x2xf32, #tpu.memory_space<vmem>>) target_semaphore(%run_scoped3A : memref<!tpu.dma_semaphore, #tpu.memory_space<semaphore_mem>>)
      tpu.wait_dma2 semaphore(%run_scoped3A : memref<!tpu.dma_semaphore, #tpu.memory_space<semaphore_mem>>) src(%arg3 : memref<19x2xf32, #tpu.memory_space<hbm>>) dst(%arg6 : memref<19x2xf32, #tpu.memory_space<vmem>>)
      tpu.yield
    }) : () -> ()
    %iota3A = tpu.iota {dimensions = array<i32: 0>} : vector<16xi32>
    %add3A_3 = arith.constant 0 : i32
    %add3A_4 = vector.broadcast %add3A_3 : i32 to vector<16xi32>
    %add3A_5 = arith.addi %iota3A, %add3A_4 : vector<16xi32>
    %min3A = arith.constant 18 : i32
    %min3A_6 = vector.broadcast %min3A : i32 to vector<16xi32>
    %min3A_7 = arith.minsi %add3A_5, %min3A_6 : vector<16xi32>
    %broadcast_in_dim3A = arith.constant 0 : i32
    %broadcast_in_dim3A_8 = vector.broadcast %broadcast_in_dim3A : i32 to vector<16xi32>
    %gather3A = tpu.vector_load_idx %arg6[%min3A_7, %broadcast_in_dim3A_8] : memref<19x2xf32, #tpu.memory_space<vmem>>[vector<16xi32>, vector<16xi32>], vector<16xf32>,
    %broadcast_in_dim3A_9 = arith.constant 1 : i32
    %broadcast_in_dim3A_10 = vector.broadcast %broadcast_in_dim3A_9 : i32 to vector<16xi32>
    %gather3A_11 = tpu.vector_load_idx %arg6[%min3A_7, %broadcast_in_dim3A_10] : memref<19x2xf32, #tpu.memory_space<vmem>>[vector<16xi32>, vector<16xi32>], vector<16xf32>,
    %max3A = arith.maximumf %gather3A, %gather3A_11 : vector<16xf32>
    %sub3A = arith.subf %gather3A, %max3A : vector<16xf32>
    %exp3A = math.exp %sub3A : vector<16xf32>
    %sub3A_12 = arith.subf %gather3A_11, %max3A : vector<16xf32>
    %exp3A_13 = math.exp %sub3A_12 : vector<16xf32>
    %add3A_14 = arith.addf %exp3A, %exp3A_13 : vector<16xf32>
    %div3A = arith.divf %exp3A, %add3A_14 : vector<16xf32>
    %swap3A = arith.constant 0 : index
    %swap3A_15 = tpu.vector_load %arg7[%swap3A] {strides = array<i32>} : memref<32xf32, #tpu.memory_space<vmem>>, vector<16xf32>,
    tpu.vector_store %arg7[%swap3A], %div3A {strides = array<i32>} : memref<32xf32, #tpu.memory_space<vmem>>, vector<16xf32>,
    %div3A_16 = arith.divf %exp3A_13, %add3A_14 : vector<16xf32>
    %swap3A_17 = arith.constant 0 : index
    %swap3A_18 = tpu.vector_load %arg8[%swap3A_17] {strides = array<i32>} : memref<32xf32, #tpu.memory_space<vmem>>, vector<16xf32>,
    tpu.vector_store %arg8[%swap3A_17], %div3A_16 {strides = array<i32>} : memref<32xf32, #tpu.memory_space<vmem>>, vector<16xf32>,
    %iota3A_19 = tpu.iota {dimensions = array<i32: 0>} : vector<16xi32>
    %add3A_20 = arith.constant 16 : i32
    %add3A_21 = vector.broadcast %add3A_20 : i32 to vector<16xi32>
    %add3A_22 = arith.addi %iota3A_19, %add3A_21 : vector<16xi32>
    %min3A_23 = arith.constant 18 : i32
    %min3A_24 = vector.broadcast %min3A_23 : i32 to vector<16xi32>
    %min3A_25 = arith.minsi %add3A_22, %min3A_24 : vector<16xi32>
    %broadcast_in_dim3A_26 = arith.constant 0 : i32
    %broadcast_in_dim3A_27 = vector.broadcast %broadcast_in_dim3A_26 : i32 to vector<16xi32>
    %gather3A_28 = tpu.vector_load_idx %arg6[%min3A_25, %broadcast_in_dim3A_27] : memref<19x2xf32, #tpu.memory_space<vmem>>[vector<16xi32>, vector<16xi32>], vector<16xf32>,
    %broadcast_in_dim3A_29 = arith.constant 1 : i32
    %broadcast_in_dim3A_30 = vector.broadcast %broadcast_in_dim3A_29 : i32 to vector<16xi32>
    %gather3A_31 = tpu.vector_load_idx %arg6[%min3A_25, %broadcast_in_dim3A_30] : memref<19x2xf32, #tpu.memory_space<vmem>>[vector<16xi32>, vector<16xi32>], vector<16xf32>,
    %max3A_32 = arith.maximumf %gather3A_28, %gather3A_31 : vector<16xf32>
    %sub3A_33 = arith.subf %gather3A_28, %max3A_32 : vector<16xf32>
    %exp3A_34 = math.exp %sub3A_33 : vector<16xf32>
    %sub3A_35 = arith.subf %gather3A_31, %max3A_32 : vector<16xf32>
    %exp3A_36 = math.exp %sub3A_35 : vector<16xf32>
    %add3A_37 = arith.addf %exp3A_34, %exp3A_36 : vector<16xf32>
    %div3A_38 = arith.divf %exp3A_34, %add3A_37 : vector<16xf32>
    %swap3A_39 = arith.constant 16 : index
    %swap3A_40 = tpu.vector_load %arg7[%swap3A_39] {strides = array<i32>} : memref<32xf32, #tpu.memory_space<vmem>>, vector<16xf32>,
    tpu.vector_store %arg7[%swap3A_39], %div3A_38 {strides = array<i32>} : memref<32xf32, #tpu.memory_space<vmem>>, vector<16xf32>,
    %div3A_41 = arith.divf %exp3A_36, %add3A_37 : vector<16xf32>
    %swap3A_42 = arith.constant 16 : index
    %swap3A_43 = tpu.vector_load %arg8[%swap3A_42] {strides = array<i32>} : memref<32xf32, #tpu.memory_space<vmem>>, vector<16xf32>,
    tpu.vector_store %arg8[%swap3A_42], %div3A_41 {strides = array<i32>} : memref<32xf32, #tpu.memory_space<vmem>>, vector<16xf32>,
    %add3A_44 = arith.constant 0 : i32
    %add3A_45 = arith.addi %mul3A_2, %add3A_44 : i32
    %shift_right_arithmetic3A = arith.constant 9 : i32
    %shift_right_arithmetic3A_46 = arith.shrsi %add3A_45, %shift_right_arithmetic3A : i32
    %and3A = arith.constant 511 : i32
    %and3A_47 = arith.andi %add3A_45, %and3A : i32
    %multiple_of3A = tpu.assume_multiple %and3A_47, 8 : i32
    %multiple_of3A_48 = arith.constant 0 : i32
    %multiple_of3A_49 = tpu.assume_multiple %multiple_of3A_48, 256 : i32
    %dma_start3A = arith.constant 0 : i32
    %dma_start3A_50 = tpu.memref_slice %arg2[%shift_right_arithmetic3A_46, %dma_start3A, %multiple_of3A, %multiple_of3A_49] : memref<8x19x512x512xf32, #tpu.memory_space<hbm>> -> memref<1x19x8x256xf32, #tpu.memory_space<hbm>>
    %dma_start3A_51 = tpu.memref_squeeze %dma_start3A_50 : memref<1x19x8x256xf32, #tpu.memory_space<hbm>> -> memref<19x8x256xf32, #tpu.memory_space<hbm>>
    %dma_start3A_52 = arith.constant 0 : i32
    %dma_start3A_53 = tpu.memref_slice %arg2[%shift_right_arithmetic3A_46, %dma_start3A_52, %multiple_of3A, %multiple_of3A_49] : memref<8x19x512x512xf32, #tpu.memory_space<hbm>> -> memref<1x19x8x256xf32, #tpu.memory_space<hbm>>
    %dma_start3A_54 = tpu.memref_squeeze %dma_start3A_53 : memref<1x19x8x256xf32, #tpu.memory_space<hbm>> -> memref<19x8x256xf32, #tpu.memory_space<hbm>>
    tpu.enqueue_dma source(%dma_start3A_54 : memref<19x8x256xf32, #tpu.memory_space<hbm>>) target(%arg9 : memref<19x8x256xf32, #tpu.memory_space<vmem>>) target_semaphore(%arg15 : memref<!tpu.dma_semaphore, #tpu.memory_space<semaphore_mem>>)
    %scan3A = arith.constant 0 : i32
    %scan3A_55 = arith.constant 0 : i32
    %scan3A_56 = arith.constant 8 : i32
    %scan3A_57 = arith.addi %scan3A_55, %scan3A_56 : i32
    %scan3A_58 = arith.constant 1 : i32
    scf.for %scan3A_99 = %scan3A_55 to %scan3A_57 step %scan3A_58  : i32 {
      %mul3A_100 = arith.constant 2 : i32
      %mul3A_101 = arith.muli %scan3A_99, %mul3A_100 : i32
      %add3A_102 = arith.constant 1 : i32
      %add3A_103 = arith.addi %mul3A_101, %add3A_102 : i32
      %jit3A = arith.constant 2 : i32
      %div3A_104 = arith.divsi %add3A_103, %jit3A : i32
      %sign3A = arith.constant 0 : i32
      %sign3A_105 = arith.cmpi sgt, %add3A_103, %sign3A : i32
      %sign3A_106 = arith.extui %sign3A_105 : i1 to i32
      %sign3A_107 = arith.constant 0 : i32
      %sign3A_108 = arith.cmpi slt, %add3A_103, %sign3A_107 : i32
      %sign3A_109 = arith.extui %sign3A_108 : i1 to i32
      %sign3A_110 = arith.subi %sign3A_106, %sign3A_109 : i32
      %sign3A_111 = arith.constant 0 : i32
      %sign3A_112 = arith.cmpi sgt, %jit3A, %sign3A_111 : i32
      %sign3A_113 = arith.extui %sign3A_112 : i1 to i32
      %sign3A_114 = arith.constant 0 : i32
      %sign3A_115 = arith.cmpi slt, %jit3A, %sign3A_114 : i32
      %sign3A_116 = arith.extui %sign3A_115 : i1 to i32
      %sign3A_117 = arith.subi %sign3A_113, %sign3A_116 : i32
      %ne3A = arith.cmpi ne, %sign3A_110, %sign3A_117 : i32
      %rem3A = arith.remsi %add3A_103, %jit3A : i32
      %ne3A_118 = arith.constant 0 : i32
      %ne3A_119 = arith.cmpi ne, %rem3A, %ne3A_118 : i32
      %and3A_120 = arith.andi %ne3A, %ne3A_119 : i1
      %sub3A_121 = arith.constant 1 : i32
      %sub3A_122 = arith.subi %div3A_104, %sub3A_121 : i32
      %select_n3A = arith.select %and3A_120, %sub3A_122, %div3A_104 : i32
      %mul3A_123 = arith.constant 8 : i32
      %mul3A_124 = arith.muli %select_n3A, %mul3A_123 : i32
      %add3A_125 = arith.addi %mul3A_2, %mul3A_124 : i32
      %jit3A_126 = arith.constant 2 : i32
      %eq3A = arith.constant 0 : i32
      %eq3A_127 = arith.cmpi eq, %jit3A_126, %eq3A : i32
      %jit3A_128 = arith.constant 1 : i32
      %select_n3A_129 = arith.select %eq3A_127, %jit3A_128, %jit3A_126 : i32
      %rem3A_130 = arith.remsi %add3A_103, %select_n3A_129 : i32
      %ne3A_131 = arith.constant 0 : i32
      %ne3A_132 = arith.cmpi ne, %rem3A_130, %ne3A_131 : i32
      %lt3A = arith.constant 0 : i32
      %lt3A_133 = arith.cmpi slt, %rem3A_130, %lt3A : i32
      %lt3A_134 = arith.constant 0 : i32
      %lt3A_135 = arith.cmpi slt, %select_n3A_129, %lt3A_134 : i32
      %ne3A_136 = arith.xori %lt3A_133, %lt3A_135 : i1
      %and3A_137 = arith.andi %ne3A_136, %ne3A_132 : i1
      %add3A_138 = arith.addi %rem3A_130, %select_n3A_129 : i32
      %select_n3A_139 = arith.select %and3A_137, %add3A_138, %rem3A_130 : i32
      %mul3A_140 = arith.constant 256 : i32
      %mul3A_141 = arith.muli %select_n3A_139, %mul3A_140 : i32
      %shift_right_arithmetic3A_142 = arith.constant 9 : i32
      %shift_right_arithmetic3A_143 = arith.shrsi %add3A_125, %shift_right_arithmetic3A_142 : i32
      %and3A_144 = arith.constant 511 : i32
      %and3A_145 = arith.andi %add3A_125, %and3A_144 : i32
      %multiple_of3A_146 = tpu.assume_multiple %and3A_145, 8 : i32
      %multiple_of3A_147 = tpu.assume_multiple %mul3A_141, 256 : i32
      %dma_start3A_148 = arith.constant 0 : i32
      %dma_start3A_149 = tpu.memref_slice %arg2[%shift_right_arithmetic3A_143, %dma_start3A_148, %multiple_of3A_146, %multiple_of3A_147] : memref<8x19x512x512xf32, #tpu.memory_space<hbm>> -> memref<1x19x8x256xf32, #tpu.memory_space<hbm>>
      %dma_start3A_150 = tpu.memref_squeeze %dma_start3A_149 : memref<1x19x8x256xf32, #tpu.memory_space<hbm>> -> memref<19x8x256xf32, #tpu.memory_space<hbm>>
      %dma_start3A_151 = arith.constant 0 : i32
      %dma_start3A_152 = tpu.memref_slice %arg2[%shift_right_arithmetic3A_143, %dma_start3A_151, %multiple_of3A_146, %multiple_of3A_147] : memref<8x19x512x512xf32, #tpu.memory_space<hbm>> -> memref<1x19x8x256xf32, #tpu.memory_space<hbm>>
      %dma_start3A_153 = tpu.memref_squeeze %dma_start3A_152 : memref<1x19x8x256xf32, #tpu.memory_space<hbm>> -> memref<19x8x256xf32, #tpu.memory_space<hbm>>
      tpu.enqueue_dma source(%dma_start3A_153 : memref<19x8x256xf32, #tpu.memory_space<hbm>>) target(%arg10 : memref<19x8x256xf32, #tpu.memory_space<vmem>>) target_semaphore(%arg16 : memref<!tpu.dma_semaphore, #tpu.memory_space<semaphore_mem>>)
      %dma_wait3A_154 = arith.constant 0 : i32
      %dma_wait3A_155 = arith.constant 0 : i32
      %dma_wait3A_156 = arith.constant 0 : i32
      %dma_wait3A_157 = arith.constant 0 : i32
      %dma_wait3A_158 = tpu.memref_slice %arg2[%dma_wait3A_154, %dma_wait3A_155, %dma_wait3A_156, %dma_wait3A_157] : memref<8x19x512x512xf32, #tpu.memory_space<hbm>> -> memref<1x19x8x256xf32, #tpu.memory_space<hbm>>
      %dma_wait3A_159 = tpu.memref_squeeze %dma_wait3A_158 : memref<1x19x8x256xf32, #tpu.memory_space<hbm>> -> memref<19x8x256xf32, #tpu.memory_space<hbm>>
      %dma_wait3A_160 = arith.constant 0 : i32
      %dma_wait3A_161 = arith.constant 0 : i32
      %dma_wait3A_162 = arith.constant 0 : i32
      %dma_wait3A_163 = tpu.memref_slice %arg2[%dma_wait3A_154, %dma_wait3A_160, %dma_wait3A_161, %dma_wait3A_162] : memref<8x19x512x512xf32, #tpu.memory_space<hbm>> -> memref<1x19x8x256xf32, #tpu.memory_space<hbm>>
      %dma_wait3A_164 = tpu.memref_squeeze %dma_wait3A_163 : memref<1x19x8x256xf32, #tpu.memory_space<hbm>> -> memref<19x8x256xf32, #tpu.memory_space<hbm>>
      tpu.wait_dma2 semaphore(%arg15 : memref<!tpu.dma_semaphore, #tpu.memory_space<semaphore_mem>>) src(%dma_wait3A_164 : memref<19x8x256xf32, #tpu.memory_space<hbm>>) dst(%arg9 : memref<19x8x256xf32, #tpu.memory_space<vmem>>)
      %ge3A = arith.constant 1 : i32
      %ge3A_165 = arith.cmpi sge, %scan3A_99, %ge3A : i32
      %convert_element_type3A = arith.extui %ge3A_165 : i1 to i32
      %cond3A = arith.constant 0 : i32
      %cond3A_166 = arith.cmpi ne, %convert_element_type3A, %cond3A : i32
      scf.if %cond3A_166 {
        %dma_wait3A_317 = arith.constant 0 : i32
        %dma_wait3A_318 = arith.constant 0 : i32
        %dma_wait3A_319 = arith.constant 0 : i32
        %dma_wait3A_320 = arith.constant 0 : i32
        %dma_wait3A_321 = tpu.memref_slice %arg4[%dma_wait3A_317, %dma_wait3A_318, %dma_wait3A_319, %dma_wait3A_320] : memref<8x1x512x512xf32, #tpu.memory_space<hbm>> -> memref<1x1x8x256xf32, #tpu.memory_space<hbm>>
        %dma_wait3A_322 = tpu.memref_squeeze %dma_wait3A_321 : memref<1x1x8x256xf32, #tpu.memory_space<hbm>> -> memref<8x256xf32, #tpu.memory_space<hbm>>
        %dma_wait3A_323 = arith.constant 0 : i32
        %dma_wait3A_324 = arith.constant 0 : i32
        %dma_wait3A_325 = tpu.memref_slice %arg4[%dma_wait3A_317, %dma_wait3A_318, %dma_wait3A_323, %dma_wait3A_324] : memref<8x1x512x512xf32, #tpu.memory_space<hbm>> -> memref<1x1x8x256xf32, #tpu.memory_space<hbm>>
        %dma_wait3A_326 = tpu.memref_squeeze %dma_wait3A_325 : memref<1x1x8x256xf32, #tpu.memory_space<hbm>> -> memref<8x256xf32, #tpu.memory_space<hbm>>
        tpu.wait_dma2 semaphore(%arg17 : memref<!tpu.dma_semaphore, #tpu.memory_space<semaphore_mem>>) src(%arg11 : memref<8x256xf32, #tpu.memory_space<vmem>>) dst(%dma_wait3A_326 : memref<8x256xf32, #tpu.memory_space<hbm>>)
        %dma_wait3A_327 = arith.constant 0 : i32
        %dma_wait3A_328 = arith.constant 0 : i32
        %dma_wait3A_329 = arith.constant 0 : i32
        %dma_wait3A_330 = arith.constant 0 : i32
        %dma_wait3A_331 = tpu.memref_slice %arg5[%dma_wait3A_327, %dma_wait3A_328, %dma_wait3A_329, %dma_wait3A_330] : memref<8x1x512x512xf32, #tpu.memory_space<hbm>> -> memref<1x1x8x256xf32, #tpu.memory_space<hbm>>
        %dma_wait3A_332 = tpu.memref_squeeze %dma_wait3A_331 : memref<1x1x8x256xf32, #tpu.memory_space<hbm>> -> memref<8x256xf32, #tpu.memory_space<hbm>>
        %dma_wait3A_333 = arith.constant 0 : i32
        %dma_wait3A_334 = arith.constant 0 : i32
        %dma_wait3A_335 = tpu.memref_slice %arg5[%dma_wait3A_327, %dma_wait3A_328, %dma_wait3A_333, %dma_wait3A_334] : memref<8x1x512x512xf32, #tpu.memory_space<hbm>> -> memref<1x1x8x256xf32, #tpu.memory_space<hbm>>
        %dma_wait3A_336 = tpu.memref_squeeze %dma_wait3A_335 : memref<1x1x8x256xf32, #tpu.memory_space<hbm>> -> memref<8x256xf32, #tpu.memory_space<hbm>>
        tpu.wait_dma2 semaphore(%arg19 : memref<!tpu.dma_semaphore, #tpu.memory_space<semaphore_mem>>) src(%arg13 : memref<8x256xf32, #tpu.memory_space<vmem>>) dst(%dma_wait3A_336 : memref<8x256xf32, #tpu.memory_space<hbm>>)
      } else {
      }
      %jit3A_167 = arith.constant 2 : i32
      %div3A_168 = arith.divsi %mul3A_101, %jit3A_167 : i32
      %sign3A_169 = arith.constant 0 : i32
      %sign3A_170 = arith.cmpi sgt, %mul3A_101, %sign3A_169 : i32
      %sign3A_171 = arith.extui %sign3A_170 : i1 to i32
      %sign3A_172 = arith.constant 0 : i32
      %sign3A_173 = arith.cmpi slt, %mul3A_101, %sign3A_172 : i32
      %sign3A_174 = arith.extui %sign3A_173 : i1 to i32
      %sign3A_175 = arith.subi %sign3A_171, %sign3A_174 : i32
      %sign3A_176 = arith.constant 0 : i32
      %sign3A_177 = arith.cmpi sgt, %jit3A_167, %sign3A_176 : i32
      %sign3A_178 = arith.extui %sign3A_177 : i1 to i32
      %sign3A_179 = arith.constant 0 : i32
      %sign3A_180 = arith.cmpi slt, %jit3A_167, %sign3A_179 : i32
      %sign3A_181 = arith.extui %sign3A_180 : i1 to i32
      %sign3A_182 = arith.subi %sign3A_178, %sign3A_181 : i32
      %ne3A_183 = arith.cmpi ne, %sign3A_175, %sign3A_182 : i32
      %rem3A_184 = arith.remsi %mul3A_101, %jit3A_167 : i32
      %ne3A_185 = arith.constant 0 : i32
      %ne3A_186 = arith.cmpi ne, %rem3A_184, %ne3A_185 : i32
      %and3A_187 = arith.andi %ne3A_183, %ne3A_186 : i1
      %sub3A_188 = arith.constant 1 : i32
      %sub3A_189 = arith.subi %div3A_168, %sub3A_188 : i32
      %select_n3A_190 = arith.select %and3A_187, %sub3A_189, %div3A_168 : i32
      %mul3A_191 = arith.constant 8 : i32
      %mul3A_192 = arith.muli %select_n3A_190, %mul3A_191 : i32
      %add3A_193 = arith.addi %mul3A_2, %mul3A_192 : i32
      %jit3A_194 = arith.constant 2 : i32
      %eq3A_195 = arith.constant 0 : i32
      %eq3A_196 = arith.cmpi eq, %jit3A_194, %eq3A_195 : i32
      %jit3A_197 = arith.constant 1 : i32
      %select_n3A_198 = arith.select %eq3A_196, %jit3A_197, %jit3A_194 : i32
      %rem3A_199 = arith.remsi %mul3A_101, %select_n3A_198 : i32
      %ne3A_200 = arith.constant 0 : i32
      %ne3A_201 = arith.cmpi ne, %rem3A_199, %ne3A_200 : i32
      %lt3A_202 = arith.constant 0 : i32
      %lt3A_203 = arith.cmpi slt, %rem3A_199, %lt3A_202 : i32
      %lt3A_204 = arith.constant 0 : i32
      %lt3A_205 = arith.cmpi slt, %select_n3A_198, %lt3A_204 : i32
      %ne3A_206 = arith.xori %lt3A_203, %lt3A_205 : i1
      %and3A_207 = arith.andi %ne3A_206, %ne3A_201 : i1
      %add3A_208 = arith.addi %rem3A_199, %select_n3A_198 : i32
      %select_n3A_209 = arith.select %and3A_207, %add3A_208, %rem3A_199 : i32
      %mul3A_210 = arith.constant 256 : i32
      %mul3A_211 = arith.muli %select_n3A_209, %mul3A_210 : i32
      %shift_right_arithmetic3A_212 = arith.constant 9 : i32
      %shift_right_arithmetic3A_213 = arith.shrsi %add3A_193, %shift_right_arithmetic3A_212 : i32
      %and3A_214 = arith.constant 511 : i32
      %and3A_215 = arith.andi %add3A_193, %and3A_214 : i32
      %multiple_of3A_216 = tpu.assume_multiple %and3A_215, 8 : i32
      %multiple_of3A_217 = tpu.assume_multiple %mul3A_211, 256 : i32
      %parallel_loop3A = arith.constant 0 : i32
      %parallel_loop3A_218 = arith.constant 128 : i32
      %parallel_loop3A_219 = arith.constant 1 : i32
      scf.for %parallel_loop3A_317 = %parallel_loop3A to %parallel_loop3A_218 step %parallel_loop3A_219  : i32 {
        %parallel_loop3A_318 = arith.constant 16 : i32
        %parallel_loop3A_319 = arith.divsi %parallel_loop3A_317, %parallel_loop3A_318 : i32
        %parallel_loop3A_320 = arith.constant 0 : i32
        %parallel_loop3A_321 = arith.cmpi sgt, %parallel_loop3A_317, %parallel_loop3A_320 : i32
        %parallel_loop3A_322 = arith.extui %parallel_loop3A_321 : i1 to i32
        %parallel_loop3A_323 = arith.constant 0 : i32
        %parallel_loop3A_324 = arith.cmpi slt, %parallel_loop3A_317, %parallel_loop3A_323 : i32
        %parallel_loop3A_325 = arith.extui %parallel_loop3A_324 : i1 to i32
        %parallel_loop3A_326 = arith.subi %parallel_loop3A_322, %parallel_loop3A_325 : i32
        %parallel_loop3A_327 = arith.constant 0 : i32
        %parallel_loop3A_328 = arith.cmpi sgt, %parallel_loop3A_318, %parallel_loop3A_327 : i32
        %parallel_loop3A_329 = arith.extui %parallel_loop3A_328 : i1 to i32
        %parallel_loop3A_330 = arith.constant 0 : i32
        %parallel_loop3A_331 = arith.cmpi slt, %parallel_loop3A_318, %parallel_loop3A_330 : i32
        %parallel_loop3A_332 = arith.extui %parallel_loop3A_331 : i1 to i32
        %parallel_loop3A_333 = arith.subi %parallel_loop3A_329, %parallel_loop3A_332 : i32
        %parallel_loop3A_334 = arith.cmpi ne, %parallel_loop3A_326, %parallel_loop3A_333 : i32
        %parallel_loop3A_335 = arith.remsi %parallel_loop3A_317, %parallel_loop3A_318 : i32
        %parallel_loop3A_336 = arith.constant 0 : i32
        %parallel_loop3A_337 = arith.cmpi ne, %parallel_loop3A_335, %parallel_loop3A_336 : i32
        %parallel_loop3A_338 = arith.andi %parallel_loop3A_334, %parallel_loop3A_337 : i1
        %parallel_loop3A_339 = arith.constant 1 : i32
        %parallel_loop3A_340 = arith.subi %parallel_loop3A_319, %parallel_loop3A_339 : i32
        %parallel_loop3A_341 = arith.select %parallel_loop3A_338, %parallel_loop3A_340, %parallel_loop3A_319 : i32
        %parallel_loop3A_342 = arith.constant 16 : i32
        %parallel_loop3A_343 = arith.constant 0 : i32
        %parallel_loop3A_344 = arith.cmpi eq, %parallel_loop3A_342, %parallel_loop3A_343 : i32
        %parallel_loop3A_345 = arith.constant 1 : i32
        %parallel_loop3A_346 = arith.select %parallel_loop3A_344, %parallel_loop3A_345, %parallel_loop3A_342 : i32
        %parallel_loop3A_347 = arith.remsi %parallel_loop3A_317, %parallel_loop3A_346 : i32
        %parallel_loop3A_348 = arith.constant 0 : i32
        %parallel_loop3A_349 = arith.cmpi ne, %parallel_loop3A_347, %parallel_loop3A_348 : i32
        %parallel_loop3A_350 = arith.constant 0 : i32
        %parallel_loop3A_351 = arith.cmpi slt, %parallel_loop3A_347, %parallel_loop3A_350 : i32
        %parallel_loop3A_352 = arith.constant 0 : i32
        %parallel_loop3A_353 = arith.cmpi slt, %parallel_loop3A_346, %parallel_loop3A_352 : i32
        %parallel_loop3A_354 = arith.xori %parallel_loop3A_351, %parallel_loop3A_353 : i1
        %parallel_loop3A_355 = arith.andi %parallel_loop3A_354, %parallel_loop3A_349 : i1
        %parallel_loop3A_356 = arith.addi %parallel_loop3A_347, %parallel_loop3A_346 : i32
        %parallel_loop3A_357 = arith.select %parallel_loop3A_355, %parallel_loop3A_356, %parallel_loop3A_347 : i32
        %parallel_loop3A_358 = arith.constant 16 : i32
        %parallel_loop3A_359 = arith.muli %parallel_loop3A_357, %parallel_loop3A_358 : i32
        %parallel_loop3A_360 = arith.constant 0 : i32
        %parallel_loop3A_361 = arith.index_cast %parallel_loop3A_360 : i32 to index
        %parallel_loop3A_362 = arith.index_cast %parallel_loop3A_341 : i32 to index
        %parallel_loop3A_363 = arith.index_cast %parallel_loop3A_359 : i32 to index
        %parallel_loop3A_364 = tpu.vector_load %arg9[%parallel_loop3A_361, %parallel_loop3A_362, %parallel_loop3A_363] {strides = array<i32>} : memref<19x8x256xf32, #tpu.memory_space<vmem>>, vector<16xf32>,
        %parallel_loop3A_365 = arith.constant 0 : i32
        %parallel_loop3A_366 = vector.broadcast %parallel_loop3A_365 : i32 to vector<16xi32>
        %parallel_loop3A_367 = arith.constant 1 : i32
        %parallel_loop3A_368 = arith.index_cast %parallel_loop3A_367 : i32 to index
        %parallel_loop3A_369 = arith.index_cast %parallel_loop3A_341 : i32 to index
        %parallel_loop3A_370 = arith.index_cast %parallel_loop3A_359 : i32 to index
        %parallel_loop3A_371 = tpu.vector_load %arg9[%parallel_loop3A_368, %parallel_loop3A_369, %parallel_loop3A_370] {strides = array<i32>} : memref<19x8x256xf32, #tpu.memory_space<vmem>>, vector<16xf32>,
        %parallel_loop3A_372 = arith.constant 1 : i32
        %parallel_loop3A_373 = vector.broadcast %parallel_loop3A_372 : i32 to vector<16xi32>
        %parallel_loop3A_374 = arith.cmpf ogt, %parallel_loop3A_371, %parallel_loop3A_364 : vector<16xf32>
        %parallel_loop3A_375 = arith.select %parallel_loop3A_374, %parallel_loop3A_371, %parallel_loop3A_364 : vector<16xi1>, vector<16xf32>
        %parallel_loop3A_376 = arith.select %parallel_loop3A_374, %parallel_loop3A_373, %parallel_loop3A_366 : vector<16xi1>, vector<16xi32>
        %parallel_loop3A_377 = arith.constant 2 : i32
        %parallel_loop3A_378 = arith.index_cast %parallel_loop3A_377 : i32 to index
        %parallel_loop3A_379 = arith.index_cast %parallel_loop3A_341 : i32 to index
        %parallel_loop3A_380 = arith.index_cast %parallel_loop3A_359 : i32 to index
        %parallel_loop3A_381 = tpu.vector_load %arg9[%parallel_loop3A_378, %parallel_loop3A_379, %parallel_loop3A_380] {strides = array<i32>} : memref<19x8x256xf32, #tpu.memory_space<vmem>>, vector<16xf32>,
        %parallel_loop3A_382 = arith.constant 2 : i32
        %parallel_loop3A_383 = vector.broadcast %parallel_loop3A_382 : i32 to vector<16xi32>
        %parallel_loop3A_384 = arith.constant 3 : i32
        %parallel_loop3A_385 = arith.index_cast %parallel_loop3A_384 : i32 to index
        %parallel_loop3A_386 = arith.index_cast %parallel_loop3A_341 : i32 to index
        %parallel_loop3A_387 = arith.index_cast %parallel_loop3A_359 : i32 to index
        %parallel_loop3A_388 = tpu.vector_load %arg9[%parallel_loop3A_385, %parallel_loop3A_386, %parallel_loop3A_387] {strides = array<i32>} : memref<19x8x256xf32, #tpu.memory_space<vmem>>, vector<16xf32>,
        %parallel_loop3A_389 = arith.constant 3 : i32
        %parallel_loop3A_390 = vector.broadcast %parallel_loop3A_389 : i32 to vector<16xi32>
        %parallel_loop3A_391 = arith.cmpf ogt, %parallel_loop3A_388, %parallel_loop3A_381 : vector<16xf32>
        %parallel_loop3A_392 = arith.select %parallel_loop3A_391, %parallel_loop3A_388, %parallel_loop3A_381 : vector<16xi1>, vector<16xf32>
        %parallel_loop3A_393 = arith.select %parallel_loop3A_391, %parallel_loop3A_390, %parallel_loop3A_383 : vector<16xi1>, vector<16xi32>
        %parallel_loop3A_394 = arith.cmpf ogt, %parallel_loop3A_392, %parallel_loop3A_375 : vector<16xf32>
        %parallel_loop3A_395 = arith.select %parallel_loop3A_394, %parallel_loop3A_392, %parallel_loop3A_375 : vector<16xi1>, vector<16xf32>
        %parallel_loop3A_396 = arith.select %parallel_loop3A_394, %parallel_loop3A_393, %parallel_loop3A_376 : vector<16xi1>, vector<16xi32>
        %parallel_loop3A_397 = arith.constant 4 : i32
        %parallel_loop3A_398 = arith.index_cast %parallel_loop3A_397 : i32 to index
        %parallel_loop3A_399 = arith.index_cast %parallel_loop3A_341 : i32 to index
        %parallel_loop3A_400 = arith.index_cast %parallel_loop3A_359 : i32 to index
        %parallel_loop3A_401 = tpu.vector_load %arg9[%parallel_loop3A_398, %parallel_loop3A_399, %parallel_loop3A_400] {strides = array<i32>} : memref<19x8x256xf32, #tpu.memory_space<vmem>>, vector<16xf32>,
        %parallel_loop3A_402 = arith.constant 4 : i32
        %parallel_loop3A_403 = vector.broadcast %parallel_loop3A_402 : i32 to vector<16xi32>
        %parallel_loop3A_404 = arith.constant 5 : i32
        %parallel_loop3A_405 = arith.index_cast %parallel_loop3A_404 : i32 to index
        %parallel_loop3A_406 = arith.index_cast %parallel_loop3A_341 : i32 to index
        %parallel_loop3A_407 = arith.index_cast %parallel_loop3A_359 : i32 to index
        %parallel_loop3A_408 = tpu.vector_load %arg9[%parallel_loop3A_405, %parallel_loop3A_406, %parallel_loop3A_407] {strides = array<i32>} : memref<19x8x256xf32, #tpu.memory_space<vmem>>, vector<16xf32>,
        %parallel_loop3A_409 = arith.constant 5 : i32
        %parallel_loop3A_410 = vector.broadcast %parallel_loop3A_409 : i32 to vector<16xi32>
        %parallel_loop3A_411 = arith.cmpf ogt, %parallel_loop3A_408, %parallel_loop3A_401 : vector<16xf32>
        %parallel_loop3A_412 = arith.select %parallel_loop3A_411, %parallel_loop3A_408, %parallel_loop3A_401 : vector<16xi1>, vector<16xf32>
        %parallel_loop3A_413 = arith.select %parallel_loop3A_411, %parallel_loop3A_410, %parallel_loop3A_403 : vector<16xi1>, vector<16xi32>
        %parallel_loop3A_414 = arith.constant 6 : i32
        %parallel_loop3A_415 = arith.index_cast %parallel_loop3A_414 : i32 to index
        %parallel_loop3A_416 = arith.index_cast %parallel_loop3A_341 : i32 to index
        %parallel_loop3A_417 = arith.index_cast %parallel_loop3A_359 : i32 to index
        %parallel_loop3A_418 = tpu.vector_load %arg9[%parallel_loop3A_415, %parallel_loop3A_416, %parallel_loop3A_417] {strides = array<i32>} : memref<19x8x256xf32, #tpu.memory_space<vmem>>, vector<16xf32>,
        %parallel_loop3A_419 = arith.constant 6 : i32
        %parallel_loop3A_420 = vector.broadcast %parallel_loop3A_419 : i32 to vector<16xi32>
        %parallel_loop3A_421 = arith.constant 7 : i32
        %parallel_loop3A_422 = arith.index_cast %parallel_loop3A_421 : i32 to index
        %parallel_loop3A_423 = arith.index_cast %parallel_loop3A_341 : i32 to index
        %parallel_loop3A_424 = arith.index_cast %parallel_loop3A_359 : i32 to index
        %parallel_loop3A_425 = tpu.vector_load %arg9[%parallel_loop3A_422, %parallel_loop3A_423, %parallel_loop3A_424] {strides = array<i32>} : memref<19x8x256xf32, #tpu.memory_space<vmem>>, vector<16xf32>,
        %parallel_loop3A_426 = arith.constant 7 : i32
        %parallel_loop3A_427 = vector.broadcast %parallel_loop3A_426 : i32 to vector<16xi32>
        %parallel_loop3A_428 = arith.constant 8 : i32
        %parallel_loop3A_429 = arith.index_cast %parallel_loop3A_428 : i32 to index
        %parallel_loop3A_430 = arith.index_cast %parallel_loop3A_341 : i32 to index
        %parallel_loop3A_431 = arith.index_cast %parallel_loop3A_359 : i32 to index
        %parallel_loop3A_432 = tpu.vector_load %arg9[%parallel_loop3A_429, %parallel_loop3A_430, %parallel_loop3A_431] {strides = array<i32>} : memref<19x8x256xf32, #tpu.memory_space<vmem>>, vector<16xf32>,
        %parallel_loop3A_433 = arith.constant 8 : i32
        %parallel_loop3A_434 = vector.broadcast %parallel_loop3A_433 : i32 to vector<16xi32>
        %parallel_loop3A_435 = arith.cmpf ogt, %parallel_loop3A_432, %parallel_loop3A_425 : vector<16xf32>
        %parallel_loop3A_436 = arith.select %parallel_loop3A_435, %parallel_loop3A_432, %parallel_loop3A_425 : vector<16xi1>, vector<16xf32>
        %parallel_loop3A_437 = arith.select %parallel_loop3A_435, %parallel_loop3A_434, %parallel_loop3A_427 : vector<16xi1>, vector<16xi32>
        %parallel_loop3A_438 = arith.cmpf ogt, %parallel_loop3A_436, %parallel_loop3A_418 : vector<16xf32>
        %parallel_loop3A_439 = arith.select %parallel_loop3A_438, %parallel_loop3A_436, %parallel_loop3A_418 : vector<16xi1>, vector<16xf32>
        %parallel_loop3A_440 = arith.select %parallel_loop3A_438, %parallel_loop3A_437, %parallel_loop3A_420 : vector<16xi1>, vector<16xi32>
        %parallel_loop3A_441 = arith.cmpf ogt, %parallel_loop3A_439, %parallel_loop3A_412 : vector<16xf32>
        %parallel_loop3A_442 = arith.select %parallel_loop3A_441, %parallel_loop3A_439, %parallel_loop3A_412 : vector<16xi1>, vector<16xf32>
        %parallel_loop3A_443 = arith.select %parallel_loop3A_441, %parallel_loop3A_440, %parallel_loop3A_413 : vector<16xi1>, vector<16xi32>
        %parallel_loop3A_444 = arith.cmpf ogt, %parallel_loop3A_442, %parallel_loop3A_395 : vector<16xf32>
        %parallel_loop3A_445 = arith.select %parallel_loop3A_444, %parallel_loop3A_442, %parallel_loop3A_395 : vector<16xi1>, vector<16xf32>
        %parallel_loop3A_446 = arith.select %parallel_loop3A_444, %parallel_loop3A_443, %parallel_loop3A_396 : vector<16xi1>, vector<16xi32>
        %parallel_loop3A_447 = arith.constant 9 : i32
        %parallel_loop3A_448 = arith.index_cast %parallel_loop3A_447 : i32 to index
        %parallel_loop3A_449 = arith.index_cast %parallel_loop3A_341 : i32 to index
        %parallel_loop3A_450 = arith.index_cast %parallel_loop3A_359 : i32 to index
        %parallel_loop3A_451 = tpu.vector_load %arg9[%parallel_loop3A_448, %parallel_loop3A_449, %parallel_loop3A_450] {strides = array<i32>} : memref<19x8x256xf32, #tpu.memory_space<vmem>>, vector<16xf32>,
        %parallel_loop3A_452 = arith.constant 9 : i32
        %parallel_loop3A_453 = vector.broadcast %parallel_loop3A_452 : i32 to vector<16xi32>
        %parallel_loop3A_454 = arith.constant 10 : i32
        %parallel_loop3A_455 = arith.index_cast %parallel_loop3A_454 : i32 to index
        %parallel_loop3A_456 = arith.index_cast %parallel_loop3A_341 : i32 to index
        %parallel_loop3A_457 = arith.index_cast %parallel_loop3A_359 : i32 to index
        %parallel_loop3A_458 = tpu.vector_load %arg9[%parallel_loop3A_455, %parallel_loop3A_456, %parallel_loop3A_457] {strides = array<i32>} : memref<19x8x256xf32, #tpu.memory_space<vmem>>, vector<16xf32>,
        %parallel_loop3A_459 = arith.constant 10 : i32
        %parallel_loop3A_460 = vector.broadcast %parallel_loop3A_459 : i32 to vector<16xi32>
        %parallel_loop3A_461 = arith.cmpf ogt, %parallel_loop3A_458, %parallel_loop3A_451 : vector<16xf32>
        %parallel_loop3A_462 = arith.select %parallel_loop3A_461, %parallel_loop3A_458, %parallel_loop3A_451 : vector<16xi1>, vector<16xf32>
        %parallel_loop3A_463 = arith.select %parallel_loop3A_461, %parallel_loop3A_460, %parallel_loop3A_453 : vector<16xi1>, vector<16xi32>
        %parallel_loop3A_464 = arith.constant 11 : i32
        %parallel_loop3A_465 = arith.index_cast %parallel_loop3A_464 : i32 to index
        %parallel_loop3A_466 = arith.index_cast %parallel_loop3A_341 : i32 to index
        %parallel_loop3A_467 = arith.index_cast %parallel_loop3A_359 : i32 to index
        %parallel_loop3A_468 = tpu.vector_load %arg9[%parallel_loop3A_465, %parallel_loop3A_466, %parallel_loop3A_467] {strides = array<i32>} : memref<19x8x256xf32, #tpu.memory_space<vmem>>, vector<16xf32>,
        %parallel_loop3A_469 = arith.constant 11 : i32
        %parallel_loop3A_470 = vector.broadcast %parallel_loop3A_469 : i32 to vector<16xi32>
        %parallel_loop3A_471 = arith.constant 12 : i32
        %parallel_loop3A_472 = arith.index_cast %parallel_loop3A_471 : i32 to index
        %parallel_loop3A_473 = arith.index_cast %parallel_loop3A_341 : i32 to index
        %parallel_loop3A_474 = arith.index_cast %parallel_loop3A_359 : i32 to index
        %parallel_loop3A_475 = tpu.vector_load %arg9[%parallel_loop3A_472, %parallel_loop3A_473, %parallel_loop3A_474] {strides = array<i32>} : memref<19x8x256xf32, #tpu.memory_space<vmem>>, vector<16xf32>,
        %parallel_loop3A_476 = arith.constant 12 : i32
        %parallel_loop3A_477 = vector.broadcast %parallel_loop3A_476 : i32 to vector<16xi32>
        %parallel_loop3A_478 = arith.constant 13 : i32
        %parallel_loop3A_479 = arith.index_cast %parallel_loop3A_478 : i32 to index
        %parallel_loop3A_480 = arith.index_cast %parallel_loop3A_341 : i32 to index
        %parallel_loop3A_481 = arith.index_cast %parallel_loop3A_359 : i32 to index
        %parallel_loop3A_482 = tpu.vector_load %arg9[%parallel_loop3A_479, %parallel_loop3A_480, %parallel_loop3A_481] {strides = array<i32>} : memref<19x8x256xf32, #tpu.memory_space<vmem>>, vector<16xf32>,
        %parallel_loop3A_483 = arith.constant 13 : i32
        %parallel_loop3A_484 = vector.broadcast %parallel_loop3A_483 : i32 to vector<16xi32>
        %parallel_loop3A_485 = arith.cmpf ogt, %parallel_loop3A_482, %parallel_loop3A_475 : vector<16xf32>
        %parallel_loop3A_486 = arith.select %parallel_loop3A_485, %parallel_loop3A_482, %parallel_loop3A_475 : vector<16xi1>, vector<16xf32>
        %parallel_loop3A_487 = arith.select %parallel_loop3A_485, %parallel_loop3A_484, %parallel_loop3A_477 : vector<16xi1>, vector<16xi32>
        %parallel_loop3A_488 = arith.cmpf ogt, %parallel_loop3A_486, %parallel_loop3A_468 : vector<16xf32>
        %parallel_loop3A_489 = arith.select %parallel_loop3A_488, %parallel_loop3A_486, %parallel_loop3A_468 : vector<16xi1>, vector<16xf32>
        %parallel_loop3A_490 = arith.select %parallel_loop3A_488, %parallel_loop3A_487, %parallel_loop3A_470 : vector<16xi1>, vector<16xi32>
        %parallel_loop3A_491 = arith.cmpf ogt, %parallel_loop3A_489, %parallel_loop3A_462 : vector<16xf32>
        %parallel_loop3A_492 = arith.select %parallel_loop3A_491, %parallel_loop3A_489, %parallel_loop3A_462 : vector<16xi1>, vector<16xf32>
        %parallel_loop3A_493 = arith.select %parallel_loop3A_491, %parallel_loop3A_490, %parallel_loop3A_463 : vector<16xi1>, vector<16xi32>
        %parallel_loop3A_494 = arith.constant 14 : i32
        %parallel_loop3A_495 = arith.index_cast %parallel_loop3A_494 : i32 to index
        %parallel_loop3A_496 = arith.index_cast %parallel_loop3A_341 : i32 to index
        %parallel_loop3A_497 = arith.index_cast %parallel_loop3A_359 : i32 to index
        %parallel_loop3A_498 = tpu.vector_load %arg9[%parallel_loop3A_495, %parallel_loop3A_496, %parallel_loop3A_497] {strides = array<i32>} : memref<19x8x256xf32, #tpu.memory_space<vmem>>, vector<16xf32>,
        %parallel_loop3A_499 = arith.constant 14 : i32
        %parallel_loop3A_500 = vector.broadcast %parallel_loop3A_499 : i32 to vector<16xi32>
        %parallel_loop3A_501 = arith.constant 15 : i32
        %parallel_loop3A_502 = arith.index_cast %parallel_loop3A_501 : i32 to index
        %parallel_loop3A_503 = arith.index_cast %parallel_loop3A_341 : i32 to index
        %parallel_loop3A_504 = arith.index_cast %parallel_loop3A_359 : i32 to index
        %parallel_loop3A_505 = tpu.vector_load %arg9[%parallel_loop3A_502, %parallel_loop3A_503, %parallel_loop3A_504] {strides = array<i32>} : memref<19x8x256xf32, #tpu.memory_space<vmem>>, vector<16xf32>,
        %parallel_loop3A_506 = arith.constant 15 : i32
        %parallel_loop3A_507 = vector.broadcast %parallel_loop3A_506 : i32 to vector<16xi32>
        %parallel_loop3A_508 = arith.cmpf ogt, %parallel_loop3A_505, %parallel_loop3A_498 : vector<16xf32>
        %parallel_loop3A_509 = arith.select %parallel_loop3A_508, %parallel_loop3A_505, %parallel_loop3A_498 : vector<16xi1>, vector<16xf32>
        %parallel_loop3A_510 = arith.select %parallel_loop3A_508, %parallel_loop3A_507, %parallel_loop3A_500 : vector<16xi1>, vector<16xi32>
        %parallel_loop3A_511 = arith.constant 16 : i32
        %parallel_loop3A_512 = arith.index_cast %parallel_loop3A_511 : i32 to index
        %parallel_loop3A_513 = arith.index_cast %parallel_loop3A_341 : i32 to index
        %parallel_loop3A_514 = arith.index_cast %parallel_loop3A_359 : i32 to index
        %parallel_loop3A_515 = tpu.vector_load %arg9[%parallel_loop3A_512, %parallel_loop3A_513, %parallel_loop3A_514] {strides = array<i32>} : memref<19x8x256xf32, #tpu.memory_space<vmem>>, vector<16xf32>,
        %parallel_loop3A_516 = arith.constant 16 : i32
        %parallel_loop3A_517 = vector.broadcast %parallel_loop3A_516 : i32 to vector<16xi32>
        %parallel_loop3A_518 = arith.constant 17 : i32
        %parallel_loop3A_519 = arith.index_cast %parallel_loop3A_518 : i32 to index
        %parallel_loop3A_520 = arith.index_cast %parallel_loop3A_341 : i32 to index
        %parallel_loop3A_521 = arith.index_cast %parallel_loop3A_359 : i32 to index
        %parallel_loop3A_522 = tpu.vector_load %arg9[%parallel_loop3A_519, %parallel_loop3A_520, %parallel_loop3A_521] {strides = array<i32>} : memref<19x8x256xf32, #tpu.memory_space<vmem>>, vector<16xf32>,
        %parallel_loop3A_523 = arith.constant 17 : i32
        %parallel_loop3A_524 = vector.broadcast %parallel_loop3A_523 : i32 to vector<16xi32>
        %parallel_loop3A_525 = arith.constant 18 : i32
        %parallel_loop3A_526 = arith.index_cast %parallel_loop3A_525 : i32 to index
        %parallel_loop3A_527 = arith.index_cast %parallel_loop3A_341 : i32 to index
        %parallel_loop3A_528 = arith.index_cast %parallel_loop3A_359 : i32 to index
        %parallel_loop3A_529 = tpu.vector_load %arg9[%parallel_loop3A_526, %parallel_loop3A_527, %parallel_loop3A_528] {strides = array<i32>} : memref<19x8x256xf32, #tpu.memory_space<vmem>>, vector<16xf32>,
        %parallel_loop3A_530 = arith.constant 18 : i32
        %parallel_loop3A_531 = vector.broadcast %parallel_loop3A_530 : i32 to vector<16xi32>
        %parallel_loop3A_532 = arith.cmpf ogt, %parallel_loop3A_529, %parallel_loop3A_522 : vector<16xf32>
        %parallel_loop3A_533 = arith.select %parallel_loop3A_532, %parallel_loop3A_529, %parallel_loop3A_522 : vector<16xi1>, vector<16xf32>
        %parallel_loop3A_534 = arith.select %parallel_loop3A_532, %parallel_loop3A_531, %parallel_loop3A_524 : vector<16xi1>, vector<16xi32>
        %parallel_loop3A_535 = arith.cmpf ogt, %parallel_loop3A_533, %parallel_loop3A_515 : vector<16xf32>
        %parallel_loop3A_536 = arith.select %parallel_loop3A_535, %parallel_loop3A_533, %parallel_loop3A_515 : vector<16xi1>, vector<16xf32>
        %parallel_loop3A_537 = arith.select %parallel_loop3A_535, %parallel_loop3A_534, %parallel_loop3A_517 : vector<16xi1>, vector<16xi32>
        %parallel_loop3A_538 = arith.cmpf ogt, %parallel_loop3A_536, %parallel_loop3A_509 : vector<16xf32>
        %parallel_loop3A_539 = arith.select %parallel_loop3A_538, %parallel_loop3A_536, %parallel_loop3A_509 : vector<16xi1>, vector<16xf32>
        %parallel_loop3A_540 = arith.select %parallel_loop3A_538, %parallel_loop3A_537, %parallel_loop3A_510 : vector<16xi1>, vector<16xi32>
        %parallel_loop3A_541 = arith.cmpf ogt, %parallel_loop3A_539, %parallel_loop3A_492 : vector<16xf32>
        %parallel_loop3A_542 = arith.select %parallel_loop3A_541, %parallel_loop3A_539, %parallel_loop3A_492 : vector<16xi1>, vector<16xf32>
        %parallel_loop3A_543 = arith.select %parallel_loop3A_541, %parallel_loop3A_540, %parallel_loop3A_493 : vector<16xi1>, vector<16xi32>
        %parallel_loop3A_544 = arith.cmpf ogt, %parallel_loop3A_542, %parallel_loop3A_445 : vector<16xf32>
        %parallel_loop3A_545 = arith.select %parallel_loop3A_544, %parallel_loop3A_542, %parallel_loop3A_445 : vector<16xi1>, vector<16xf32>
        %parallel_loop3A_546 = arith.select %parallel_loop3A_544, %parallel_loop3A_543, %parallel_loop3A_446 : vector<16xi1>, vector<16xi32>
        %parallel_loop3A_547 = tpu.vector_load_idx %arg7[%parallel_loop3A_546] : memref<32xf32, #tpu.memory_space<vmem>>[vector<16xi32>], vector<16xf32>,
        %parallel_loop3A_548 = arith.index_cast %parallel_loop3A_341 : i32 to index
        %parallel_loop3A_549 = arith.index_cast %parallel_loop3A_359 : i32 to index
        %parallel_loop3A_550 = tpu.vector_load %arg11[%parallel_loop3A_548, %parallel_loop3A_549] {strides = array<i32>} : memref<8x256xf32, #tpu.memory_space<vmem>>, vector<16xf32>,
        tpu.vector_store %arg11[%parallel_loop3A_548, %parallel_loop3A_549], %parallel_loop3A_547 {strides = array<i32>} : memref<8x256xf32, #tpu.memory_space<vmem>>, vector<16xf32>,
        %parallel_loop3A_551 = tpu.vector_load_idx %arg8[%parallel_loop3A_546] : memref<32xf32, #tpu.memory_space<vmem>>[vector<16xi32>], vector<16xf32>,
        %parallel_loop3A_552 = arith.index_cast %parallel_loop3A_341 : i32 to index
        %parallel_loop3A_553 = arith.index_cast %parallel_loop3A_359 : i32 to index
        %parallel_loop3A_554 = tpu.vector_load %arg13[%parallel_loop3A_552, %parallel_loop3A_553] {strides = array<i32>} : memref<8x256xf32, #tpu.memory_space<vmem>>, vector<16xf32>,
        tpu.vector_store %arg13[%parallel_loop3A_552, %parallel_loop3A_553], %parallel_loop3A_551 {strides = array<i32>} : memref<8x256xf32, #tpu.memory_space<vmem>>, vector<16xf32>,
      } {sc.loop_unroll_factor = 2 : i64, sc.parallel_access}
      %dma_start3A_220 = arith.constant 0 : i32
      %dma_start3A_221 = tpu.memref_slice %arg4[%shift_right_arithmetic3A_213, %dma_start3A_220, %multiple_of3A_216, %multiple_of3A_217] : memref<8x1x512x512xf32, #tpu.memory_space<hbm>> -> memref<1x1x8x256xf32, #tpu.memory_space<hbm>>
      %dma_start3A_222 = tpu.memref_squeeze %dma_start3A_221 : memref<1x1x8x256xf32, #tpu.memory_space<hbm>> -> memref<8x256xf32, #tpu.memory_space<hbm>>
      %dma_start3A_223 = tpu.memref_slice %arg4[%shift_right_arithmetic3A_213, %dma_start3A_220, %multiple_of3A_216, %multiple_of3A_217] : memref<8x1x512x512xf32, #tpu.memory_space<hbm>> -> memref<1x1x8x256xf32, #tpu.memory_space<hbm>>
      %dma_start3A_224 = tpu.memref_squeeze %dma_start3A_223 : memref<1x1x8x256xf32, #tpu.memory_space<hbm>> -> memref<8x256xf32, #tpu.memory_space<hbm>>
      tpu.enqueue_dma source(%arg11 : memref<8x256xf32, #tpu.memory_space<vmem>>) target(%dma_start3A_224 : memref<8x256xf32, #tpu.memory_space<hbm>>) target_semaphore(%arg17 : memref<!tpu.dma_semaphore, #tpu.memory_space<semaphore_mem>>)
      %dma_start3A_225 = arith.constant 0 : i32
      %dma_start3A_226 = tpu.memref_slice %arg5[%shift_right_arithmetic3A_213, %dma_start3A_225, %multiple_of3A_216, %multiple_of3A_217] : memref<8x1x512x512xf32, #tpu.memory_space<hbm>> -> memref<1x1x8x256xf32, #tpu.memory_space<hbm>>
      %dma_start3A_227 = tpu.memref_squeeze %dma_start3A_226 : memref<1x1x8x256xf32, #tpu.memory_space<hbm>> -> memref<8x256xf32, #tpu.memory_space<hbm>>
      %dma_start3A_228 = tpu.memref_slice %arg5[%shift_right_arithmetic3A_213, %dma_start3A_225, %multiple_of3A_216, %multiple_of3A_217] : memref<8x1x512x512xf32, #tpu.memory_space<hbm>> -> memref<1x1x8x256xf32, #tpu.memory_space<hbm>>
      %dma_start3A_229 = tpu.memref_squeeze %dma_start3A_228 : memref<1x1x8x256xf32, #tpu.memory_space<hbm>> -> memref<8x256xf32, #tpu.memory_space<hbm>>
      tpu.enqueue_dma source(%arg13 : memref<8x256xf32, #tpu.memory_space<vmem>>) target(%dma_start3A_229 : memref<8x256xf32, #tpu.memory_space<hbm>>) target_semaphore(%arg19 : memref<!tpu.dma_semaphore, #tpu.memory_space<semaphore_mem>>)
      %lt3A_230 = arith.constant 7 : i32
      %lt3A_231 = arith.cmpi slt, %scan3A_99, %lt3A_230 : i32
      %convert_element_type3A_232 = arith.extui %lt3A_231 : i1 to i32
      %cond3A_233 = arith.constant 0 : i32
      %cond3A_234 = arith.cmpi ne, %convert_element_type3A_232, %cond3A_233 : i32
      scf.if %cond3A_234 {
        %add3A_317 = arith.constant 2 : i32
        %add3A_318 = arith.addi %mul3A_101, %add3A_317 : i32
        %jit3A_319 = arith.constant 2 : i32
        %div3A_320 = arith.divsi %add3A_318, %jit3A_319 : i32
        %sign3A_321 = arith.constant 0 : i32
        %sign3A_322 = arith.cmpi sgt, %add3A_318, %sign3A_321 : i32
        %sign3A_323 = arith.extui %sign3A_322 : i1 to i32
        %sign3A_324 = arith.constant 0 : i32
        %sign3A_325 = arith.cmpi slt, %add3A_318, %sign3A_324 : i32
        %sign3A_326 = arith.extui %sign3A_325 : i1 to i32
        %sign3A_327 = arith.subi %sign3A_323, %sign3A_326 : i32
        %sign3A_328 = arith.constant 0 : i32
        %sign3A_329 = arith.cmpi sgt, %jit3A_319, %sign3A_328 : i32
        %sign3A_330 = arith.extui %sign3A_329 : i1 to i32
        %sign3A_331 = arith.constant 0 : i32
        %sign3A_332 = arith.cmpi slt, %jit3A_319, %sign3A_331 : i32
        %sign3A_333 = arith.extui %sign3A_332 : i1 to i32
        %sign3A_334 = arith.subi %sign3A_330, %sign3A_333 : i32
        %ne3A_335 = arith.cmpi ne, %sign3A_327, %sign3A_334 : i32
        %rem3A_336 = arith.remsi %add3A_318, %jit3A_319 : i32
        %ne3A_337 = arith.constant 0 : i32
        %ne3A_338 = arith.cmpi ne, %rem3A_336, %ne3A_337 : i32
        %and3A_339 = arith.andi %ne3A_335, %ne3A_338 : i1
        %sub3A_340 = arith.constant 1 : i32
        %sub3A_341 = arith.subi %div3A_320, %sub3A_340 : i32
        %select_n3A_342 = arith.select %and3A_339, %sub3A_341, %div3A_320 : i32
        %mul3A_343 = arith.constant 8 : i32
        %mul3A_344 = arith.muli %select_n3A_342, %mul3A_343 : i32
        %add3A_345 = arith.addi %mul3A_2, %mul3A_344 : i32
        %jit3A_346 = arith.constant 2 : i32
        %eq3A_347 = arith.constant 0 : i32
        %eq3A_348 = arith.cmpi eq, %jit3A_346, %eq3A_347 : i32
        %jit3A_349 = arith.constant 1 : i32
        %select_n3A_350 = arith.select %eq3A_348, %jit3A_349, %jit3A_346 : i32
        %rem3A_351 = arith.remsi %add3A_318, %select_n3A_350 : i32
        %ne3A_352 = arith.constant 0 : i32
        %ne3A_353 = arith.cmpi ne, %rem3A_351, %ne3A_352 : i32
        %lt3A_354 = arith.constant 0 : i32
        %lt3A_355 = arith.cmpi slt, %rem3A_351, %lt3A_354 : i32
        %lt3A_356 = arith.constant 0 : i32
        %lt3A_357 = arith.cmpi slt, %select_n3A_350, %lt3A_356 : i32
        %ne3A_358 = arith.xori %lt3A_355, %lt3A_357 : i1
        %and3A_359 = arith.andi %ne3A_358, %ne3A_353 : i1
        %add3A_360 = arith.addi %rem3A_351, %select_n3A_350 : i32
        %select_n3A_361 = arith.select %and3A_359, %add3A_360, %rem3A_351 : i32
        %mul3A_362 = arith.constant 256 : i32
        %mul3A_363 = arith.muli %select_n3A_361, %mul3A_362 : i32
        %shift_right_arithmetic3A_364 = arith.constant 9 : i32
        %shift_right_arithmetic3A_365 = arith.shrsi %add3A_345, %shift_right_arithmetic3A_364 : i32
        %and3A_366 = arith.constant 511 : i32
        %and3A_367 = arith.andi %add3A_345, %and3A_366 : i32
        %multiple_of3A_368 = tpu.assume_multiple %and3A_367, 8 : i32
        %multiple_of3A_369 = tpu.assume_multiple %mul3A_363, 256 : i32
        %dma_start3A_370 = arith.constant 0 : i32
        %dma_start3A_371 = tpu.memref_slice %arg2[%shift_right_arithmetic3A_365, %dma_start3A_370, %multiple_of3A_368, %multiple_of3A_369] : memref<8x19x512x512xf32, #tpu.memory_space<hbm>> -> memref<1x19x8x256xf32, #tpu.memory_space<hbm>>
        %dma_start3A_372 = tpu.memref_squeeze %dma_start3A_371 : memref<1x19x8x256xf32, #tpu.memory_space<hbm>> -> memref<19x8x256xf32, #tpu.memory_space<hbm>>
        %dma_start3A_373 = arith.constant 0 : i32
        %dma_start3A_374 = tpu.memref_slice %arg2[%shift_right_arithmetic3A_365, %dma_start3A_373, %multiple_of3A_368, %multiple_of3A_369] : memref<8x19x512x512xf32, #tpu.memory_space<hbm>> -> memref<1x19x8x256xf32, #tpu.memory_space<hbm>>
        %dma_start3A_375 = tpu.memref_squeeze %dma_start3A_374 : memref<1x19x8x256xf32, #tpu.memory_space<hbm>> -> memref<19x8x256xf32, #tpu.memory_space<hbm>>
        tpu.enqueue_dma source(%dma_start3A_375 : memref<19x8x256xf32, #tpu.memory_space<hbm>>) target(%arg9 : memref<19x8x256xf32, #tpu.memory_space<vmem>>) target_semaphore(%arg15 : memref<!tpu.dma_semaphore, #tpu.memory_space<semaphore_mem>>)
      } else {
      }
      %dma_wait3A_235 = arith.constant 0 : i32
      %dma_wait3A_236 = arith.constant 0 : i32
      %dma_wait3A_237 = arith.constant 0 : i32
      %dma_wait3A_238 = arith.constant 0 : i32
      %dma_wait3A_239 = tpu.memref_slice %arg2[%dma_wait3A_235, %dma_wait3A_236, %dma_wait3A_237, %dma_wait3A_238] : memref<8x19x512x512xf32, #tpu.memory_space<hbm>> -> memref<1x19x8x256xf32, #tpu.memory_space<hbm>>
      %dma_wait3A_240 = tpu.memref_squeeze %dma_wait3A_239 : memref<1x19x8x256xf32, #tpu.memory_space<hbm>> -> memref<19x8x256xf32, #tpu.memory_space<hbm>>
      %dma_wait3A_241 = arith.constant 0 : i32
      %dma_wait3A_242 = arith.constant 0 : i32
      %dma_wait3A_243 = arith.constant 0 : i32
      %dma_wait3A_244 = tpu.memref_slice %arg2[%dma_wait3A_235, %dma_wait3A_241, %dma_wait3A_242, %dma_wait3A_243] : memref<8x19x512x512xf32, #tpu.memory_space<hbm>> -> memref<1x19x8x256xf32, #tpu.memory_space<hbm>>
      %dma_wait3A_245 = tpu.memref_squeeze %dma_wait3A_244 : memref<1x19x8x256xf32, #tpu.memory_space<hbm>> -> memref<19x8x256xf32, #tpu.memory_space<hbm>>
      tpu.wait_dma2 semaphore(%arg16 : memref<!tpu.dma_semaphore, #tpu.memory_space<semaphore_mem>>) src(%dma_wait3A_245 : memref<19x8x256xf32, #tpu.memory_space<hbm>>) dst(%arg10 : memref<19x8x256xf32, #tpu.memory_space<vmem>>)
      %ge3A_246 = arith.constant 1 : i32
      %ge3A_247 = arith.cmpi sge, %scan3A_99, %ge3A_246 : i32
      %convert_element_type3A_248 = arith.extui %ge3A_247 : i1 to i32
      %cond3A_249 = arith.constant 0 : i32
      %cond3A_250 = arith.cmpi ne, %convert_element_type3A_248, %cond3A_249 : i32
      scf.if %cond3A_250 {
        %dma_wait3A_317 = arith.constant 0 : i32
        %dma_wait3A_318 = arith.constant 0 : i32
        %dma_wait3A_319 = arith.constant 0 : i32
        %dma_wait3A_320 = arith.constant 0 : i32
        %dma_wait3A_321 = tpu.memref_slice %arg4[%dma_wait3A_317, %dma_wait3A_318, %dma_wait3A_319, %dma_wait3A_320] : memref<8x1x512x512xf32, #tpu.memory_space<hbm>> -> memref<1x1x8x256xf32, #tpu.memory_space<hbm>>
        %dma_wait3A_322 = tpu.memref_squeeze %dma_wait3A_321 : memref<1x1x8x256xf32, #tpu.memory_space<hbm>> -> memref<8x256xf32, #tpu.memory_space<hbm>>
        %dma_wait3A_323 = arith.constant 0 : i32
        %dma_wait3A_324 = arith.constant 0 : i32
        %dma_wait3A_325 = tpu.memref_slice %arg4[%dma_wait3A_317, %dma_wait3A_318, %dma_wait3A_323, %dma_wait3A_324] : memref<8x1x512x512xf32, #tpu.memory_space<hbm>> -> memref<1x1x8x256xf32, #tpu.memory_space<hbm>>
        %dma_wait3A_326 = tpu.memref_squeeze %dma_wait3A_325 : memref<1x1x8x256xf32, #tpu.memory_space<hbm>> -> memref<8x256xf32, #tpu.memory_space<hbm>>
        tpu.wait_dma2 semaphore(%arg18 : memref<!tpu.dma_semaphore, #tpu.memory_space<semaphore_mem>>) src(%arg12 : memref<8x256xf32, #tpu.memory_space<vmem>>) dst(%dma_wait3A_326 : memref<8x256xf32, #tpu.memory_space<hbm>>)
        %dma_wait3A_327 = arith.constant 0 : i32
        %dma_wait3A_328 = arith.constant 0 : i32
        %dma_wait3A_329 = arith.constant 0 : i32
        %dma_wait3A_330 = arith.constant 0 : i32
        %dma_wait3A_331 = tpu.memref_slice %arg5[%dma_wait3A_327, %dma_wait3A_328, %dma_wait3A_329, %dma_wait3A_330] : memref<8x1x512x512xf32, #tpu.memory_space<hbm>> -> memref<1x1x8x256xf32, #tpu.memory_space<hbm>>
        %dma_wait3A_332 = tpu.memref_squeeze %dma_wait3A_331 : memref<1x1x8x256xf32, #tpu.memory_space<hbm>> -> memref<8x256xf32, #tpu.memory_space<hbm>>
        %dma_wait3A_333 = arith.constant 0 : i32
        %dma_wait3A_334 = arith.constant 0 : i32
        %dma_wait3A_335 = tpu.memref_slice %arg5[%dma_wait3A_327, %dma_wait3A_328, %dma_wait3A_333, %dma_wait3A_334] : memref<8x1x512x512xf32, #tpu.memory_space<hbm>> -> memref<1x1x8x256xf32, #tpu.memory_space<hbm>>
        %dma_wait3A_336 = tpu.memref_squeeze %dma_wait3A_335 : memref<1x1x8x256xf32, #tpu.memory_space<hbm>> -> memref<8x256xf32, #tpu.memory_space<hbm>>
        tpu.wait_dma2 semaphore(%arg20 : memref<!tpu.dma_semaphore, #tpu.memory_space<semaphore_mem>>) src(%arg14 : memref<8x256xf32, #tpu.memory_space<vmem>>) dst(%dma_wait3A_336 : memref<8x256xf32, #tpu.memory_space<hbm>>)
      } else {
      }
      %add3A_251 = arith.constant 1 : i32
      %add3A_252 = arith.addi %mul3A_101, %add3A_251 : i32
      %jit3A_253 = arith.constant 2 : i32
      %div3A_254 = arith.divsi %add3A_252, %jit3A_253 : i32
      %sign3A_255 = arith.constant 0 : i32
      %sign3A_256 = arith.cmpi sgt, %add3A_252, %sign3A_255 : i32
      %sign3A_257 = arith.extui %sign3A_256 : i1 to i32
      %sign3A_258 = arith.constant 0 : i32
      %sign3A_259 = arith.cmpi slt, %add3A_252, %sign3A_258 : i32
      %sign3A_260 = arith.extui %sign3A_259 : i1 to i32
      %sign3A_261 = arith.subi %sign3A_257, %sign3A_260 : i32
      %sign3A_262 = arith.constant 0 : i32
      %sign3A_263 = arith.cmpi sgt, %jit3A_253, %sign3A_262 : i32
      %sign3A_264 = arith.extui %sign3A_263 : i1 to i32
      %sign3A_265 = arith.constant 0 : i32
      %sign3A_266 = arith.cmpi slt, %jit3A_253, %sign3A_265 : i32
      %sign3A_267 = arith.extui %sign3A_266 : i1 to i32
      %sign3A_268 = arith.subi %sign3A_264, %sign3A_267 : i32
      %ne3A_269 = arith.cmpi ne, %sign3A_261, %sign3A_268 : i32
      %rem3A_270 = arith.remsi %add3A_252, %jit3A_253 : i32
      %ne3A_271 = arith.constant 0 : i32
      %ne3A_272 = arith.cmpi ne, %rem3A_270, %ne3A_271 : i32
      %and3A_273 = arith.andi %ne3A_269, %ne3A_272 : i1
      %sub3A_274 = arith.constant 1 : i32
      %sub3A_275 = arith.subi %div3A_254, %sub3A_274 : i32
      %select_n3A_276 = arith.select %and3A_273, %sub3A_275, %div3A_254 : i32
      %mul3A_277 = arith.constant 8 : i32
      %mul3A_278 = arith.muli %select_n3A_276, %mul3A_277 : i32
      %add3A_279 = arith.addi %mul3A_2, %mul3A_278 : i32
      %jit3A_280 = arith.constant 2 : i32
      %eq3A_281 = arith.constant 0 : i32
      %eq3A_282 = arith.cmpi eq, %jit3A_280, %eq3A_281 : i32
      %jit3A_283 = arith.constant 1 : i32
      %select_n3A_284 = arith.select %eq3A_282, %jit3A_283, %jit3A_280 : i32
      %rem3A_285 = arith.remsi %add3A_252, %select_n3A_284 : i32
      %ne3A_286 = arith.constant 0 : i32
      %ne3A_287 = arith.cmpi ne, %rem3A_285, %ne3A_286 : i32
      %lt3A_288 = arith.constant 0 : i32
      %lt3A_289 = arith.cmpi slt, %rem3A_285, %lt3A_288 : i32
      %lt3A_290 = arith.constant 0 : i32
      %lt3A_291 = arith.cmpi slt, %select_n3A_284, %lt3A_290 : i32
      %ne3A_292 = arith.xori %lt3A_289, %lt3A_291 : i1
      %and3A_293 = arith.andi %ne3A_292, %ne3A_287 : i1
      %add3A_294 = arith.addi %rem3A_285, %select_n3A_284 : i32
      %select_n3A_295 = arith.select %and3A_293, %add3A_294, %rem3A_285 : i32
      %mul3A_296 = arith.constant 256 : i32
      %mul3A_297 = arith.muli %select_n3A_295, %mul3A_296 : i32
      %shift_right_arithmetic3A_298 = arith.constant 9 : i32
      %shift_right_arithmetic3A_299 = arith.shrsi %add3A_279, %shift_right_arithmetic3A_298 : i32
      %and3A_300 = arith.constant 511 : i32
      %and3A_301 = arith.andi %add3A_279, %and3A_300 : i32
      %multiple_of3A_302 = tpu.assume_multiple %and3A_301, 8 : i32
      %multiple_of3A_303 = tpu.assume_multiple %mul3A_297, 256 : i32
      %parallel_loop3A_304 = arith.constant 0 : i32
      %parallel_loop3A_305 = arith.constant 128 : i32
      %parallel_loop3A_306 = arith.constant 1 : i32
      scf.for %parallel_loop3A_317 = %parallel_loop3A_304 to %parallel_loop3A_305 step %parallel_loop3A_306  : i32 {
        %parallel_loop3A_318 = arith.constant 16 : i32
        %parallel_loop3A_319 = arith.divsi %parallel_loop3A_317, %parallel_loop3A_318 : i32
        %parallel_loop3A_320 = arith.constant 0 : i32
        %parallel_loop3A_321 = arith.cmpi sgt, %parallel_loop3A_317, %parallel_loop3A_320 : i32
        %parallel_loop3A_322 = arith.extui %parallel_loop3A_321 : i1 to i32
        %parallel_loop3A_323 = arith.constant 0 : i32
        %parallel_loop3A_324 = arith.cmpi slt, %parallel_loop3A_317, %parallel_loop3A_323 : i32
        %parallel_loop3A_325 = arith.extui %parallel_loop3A_324 : i1 to i32
        %parallel_loop3A_326 = arith.subi %parallel_loop3A_322, %parallel_loop3A_325 : i32
        %parallel_loop3A_327 = arith.constant 0 : i32
        %parallel_loop3A_328 = arith.cmpi sgt, %parallel_loop3A_318, %parallel_loop3A_327 : i32
        %parallel_loop3A_329 = arith.extui %parallel_loop3A_328 : i1 to i32
        %parallel_loop3A_330 = arith.constant 0 : i32
        %parallel_loop3A_331 = arith.cmpi slt, %parallel_loop3A_318, %parallel_loop3A_330 : i32
        %parallel_loop3A_332 = arith.extui %parallel_loop3A_331 : i1 to i32
        %parallel_loop3A_333 = arith.subi %parallel_loop3A_329, %parallel_loop3A_332 : i32
        %parallel_loop3A_334 = arith.cmpi ne, %parallel_loop3A_326, %parallel_loop3A_333 : i32
        %parallel_loop3A_335 = arith.remsi %parallel_loop3A_317, %parallel_loop3A_318 : i32
        %parallel_loop3A_336 = arith.constant 0 : i32
        %parallel_loop3A_337 = arith.cmpi ne, %parallel_loop3A_335, %parallel_loop3A_336 : i32
        %parallel_loop3A_338 = arith.andi %parallel_loop3A_334, %parallel_loop3A_337 : i1
        %parallel_loop3A_339 = arith.constant 1 : i32
        %parallel_loop3A_340 = arith.subi %parallel_loop3A_319, %parallel_loop3A_339 : i32
        %parallel_loop3A_341 = arith.select %parallel_loop3A_338, %parallel_loop3A_340, %parallel_loop3A_319 : i32
        %parallel_loop3A_342 = arith.constant 16 : i32
        %parallel_loop3A_343 = arith.constant 0 : i32
        %parallel_loop3A_344 = arith.cmpi eq, %parallel_loop3A_342, %parallel_loop3A_343 : i32
        %parallel_loop3A_345 = arith.constant 1 : i32
        %parallel_loop3A_346 = arith.select %parallel_loop3A_344, %parallel_loop3A_345, %parallel_loop3A_342 : i32
        %parallel_loop3A_347 = arith.remsi %parallel_loop3A_317, %parallel_loop3A_346 : i32
        %parallel_loop3A_348 = arith.constant 0 : i32
        %parallel_loop3A_349 = arith.cmpi ne, %parallel_loop3A_347, %parallel_loop3A_348 : i32
        %parallel_loop3A_350 = arith.constant 0 : i32
        %parallel_loop3A_351 = arith.cmpi slt, %parallel_loop3A_347, %parallel_loop3A_350 : i32
        %parallel_loop3A_352 = arith.constant 0 : i32
        %parallel_loop3A_353 = arith.cmpi slt, %parallel_loop3A_346, %parallel_loop3A_352 : i32
        %parallel_loop3A_354 = arith.xori %parallel_loop3A_351, %parallel_loop3A_353 : i1
        %parallel_loop3A_355 = arith.andi %parallel_loop3A_354, %parallel_loop3A_349 : i1
        %parallel_loop3A_356 = arith.addi %parallel_loop3A_347, %parallel_loop3A_346 : i32
        %parallel_loop3A_357 = arith.select %parallel_loop3A_355, %parallel_loop3A_356, %parallel_loop3A_347 : i32
        %parallel_loop3A_358 = arith.constant 16 : i32
        %parallel_loop3A_359 = arith.muli %parallel_loop3A_357, %parallel_loop3A_358 : i32
        %parallel_loop3A_360 = arith.constant 0 : i32
        %parallel_loop3A_361 = arith.index_cast %parallel_loop3A_360 : i32 to index
        %parallel_loop3A_362 = arith.index_cast %parallel_loop3A_341 : i32 to index
        %parallel_loop3A_363 = arith.index_cast %parallel_loop3A_359 : i32 to index
        %parallel_loop3A_364 = tpu.vector_load %arg10[%parallel_loop3A_361, %parallel_loop3A_362, %parallel_loop3A_363] {strides = array<i32>} : memref<19x8x256xf32, #tpu.memory_space<vmem>>, vector<16xf32>,
        %parallel_loop3A_365 = arith.constant 0 : i32
        %parallel_loop3A_366 = vector.broadcast %parallel_loop3A_365 : i32 to vector<16xi32>
        %parallel_loop3A_367 = arith.constant 1 : i32
        %parallel_loop3A_368 = arith.index_cast %parallel_loop3A_367 : i32 to index
        %parallel_loop3A_369 = arith.index_cast %parallel_loop3A_341 : i32 to index
        %parallel_loop3A_370 = arith.index_cast %parallel_loop3A_359 : i32 to index
        %parallel_loop3A_371 = tpu.vector_load %arg10[%parallel_loop3A_368, %parallel_loop3A_369, %parallel_loop3A_370] {strides = array<i32>} : memref<19x8x256xf32, #tpu.memory_space<vmem>>, vector<16xf32>,
        %parallel_loop3A_372 = arith.constant 1 : i32
        %parallel_loop3A_373 = vector.broadcast %parallel_loop3A_372 : i32 to vector<16xi32>
        %parallel_loop3A_374 = arith.cmpf ogt, %parallel_loop3A_371, %parallel_loop3A_364 : vector<16xf32>
        %parallel_loop3A_375 = arith.select %parallel_loop3A_374, %parallel_loop3A_371, %parallel_loop3A_364 : vector<16xi1>, vector<16xf32>
        %parallel_loop3A_376 = arith.select %parallel_loop3A_374, %parallel_loop3A_373, %parallel_loop3A_366 : vector<16xi1>, vector<16xi32>
        %parallel_loop3A_377 = arith.constant 2 : i32
        %parallel_loop3A_378 = arith.index_cast %parallel_loop3A_377 : i32 to index
        %parallel_loop3A_379 = arith.index_cast %parallel_loop3A_341 : i32 to index
        %parallel_loop3A_380 = arith.index_cast %parallel_loop3A_359 : i32 to index
        %parallel_loop3A_381 = tpu.vector_load %arg10[%parallel_loop3A_378, %parallel_loop3A_379, %parallel_loop3A_380] {strides = array<i32>} : memref<19x8x256xf32, #tpu.memory_space<vmem>>, vector<16xf32>,
        %parallel_loop3A_382 = arith.constant 2 : i32
        %parallel_loop3A_383 = vector.broadcast %parallel_loop3A_382 : i32 to vector<16xi32>
        %parallel_loop3A_384 = arith.constant 3 : i32
        %parallel_loop3A_385 = arith.index_cast %parallel_loop3A_384 : i32 to index
        %parallel_loop3A_386 = arith.index_cast %parallel_loop3A_341 : i32 to index
        %parallel_loop3A_387 = arith.index_cast %parallel_loop3A_359 : i32 to index
        %parallel_loop3A_388 = tpu.vector_load %arg10[%parallel_loop3A_385, %parallel_loop3A_386, %parallel_loop3A_387] {strides = array<i32>} : memref<19x8x256xf32, #tpu.memory_space<vmem>>, vector<16xf32>,
        %parallel_loop3A_389 = arith.constant 3 : i32
        %parallel_loop3A_390 = vector.broadcast %parallel_loop3A_389 : i32 to vector<16xi32>
        %parallel_loop3A_391 = arith.cmpf ogt, %parallel_loop3A_388, %parallel_loop3A_381 : vector<16xf32>
        %parallel_loop3A_392 = arith.select %parallel_loop3A_391, %parallel_loop3A_388, %parallel_loop3A_381 : vector<16xi1>, vector<16xf32>
        %parallel_loop3A_393 = arith.select %parallel_loop3A_391, %parallel_loop3A_390, %parallel_loop3A_383 : vector<16xi1>, vector<16xi32>
        %parallel_loop3A_394 = arith.cmpf ogt, %parallel_loop3A_392, %parallel_loop3A_375 : vector<16xf32>
        %parallel_loop3A_395 = arith.select %parallel_loop3A_394, %parallel_loop3A_392, %parallel_loop3A_375 : vector<16xi1>, vector<16xf32>
        %parallel_loop3A_396 = arith.select %parallel_loop3A_394, %parallel_loop3A_393, %parallel_loop3A_376 : vector<16xi1>, vector<16xi32>
        %parallel_loop3A_397 = arith.constant 4 : i32
        %parallel_loop3A_398 = arith.index_cast %parallel_loop3A_397 : i32 to index
        %parallel_loop3A_399 = arith.index_cast %parallel_loop3A_341 : i32 to index
        %parallel_loop3A_400 = arith.index_cast %parallel_loop3A_359 : i32 to index
        %parallel_loop3A_401 = tpu.vector_load %arg10[%parallel_loop3A_398, %parallel_loop3A_399, %parallel_loop3A_400] {strides = array<i32>} : memref<19x8x256xf32, #tpu.memory_space<vmem>>, vector<16xf32>,
        %parallel_loop3A_402 = arith.constant 4 : i32
        %parallel_loop3A_403 = vector.broadcast %parallel_loop3A_402 : i32 to vector<16xi32>
        %parallel_loop3A_404 = arith.constant 5 : i32
        %parallel_loop3A_405 = arith.index_cast %parallel_loop3A_404 : i32 to index
        %parallel_loop3A_406 = arith.index_cast %parallel_loop3A_341 : i32 to index
        %parallel_loop3A_407 = arith.index_cast %parallel_loop3A_359 : i32 to index
        %parallel_loop3A_408 = tpu.vector_load %arg10[%parallel_loop3A_405, %parallel_loop3A_406, %parallel_loop3A_407] {strides = array<i32>} : memref<19x8x256xf32, #tpu.memory_space<vmem>>, vector<16xf32>,
        %parallel_loop3A_409 = arith.constant 5 : i32
        %parallel_loop3A_410 = vector.broadcast %parallel_loop3A_409 : i32 to vector<16xi32>
        %parallel_loop3A_411 = arith.cmpf ogt, %parallel_loop3A_408, %parallel_loop3A_401 : vector<16xf32>
        %parallel_loop3A_412 = arith.select %parallel_loop3A_411, %parallel_loop3A_408, %parallel_loop3A_401 : vector<16xi1>, vector<16xf32>
        %parallel_loop3A_413 = arith.select %parallel_loop3A_411, %parallel_loop3A_410, %parallel_loop3A_403 : vector<16xi1>, vector<16xi32>
        %parallel_loop3A_414 = arith.constant 6 : i32
        %parallel_loop3A_415 = arith.index_cast %parallel_loop3A_414 : i32 to index
        %parallel_loop3A_416 = arith.index_cast %parallel_loop3A_341 : i32 to index
        %parallel_loop3A_417 = arith.index_cast %parallel_loop3A_359 : i32 to index
        %parallel_loop3A_418 = tpu.vector_load %arg10[%parallel_loop3A_415, %parallel_loop3A_416, %parallel_loop3A_417] {strides = array<i32>} : memref<19x8x256xf32, #tpu.memory_space<vmem>>, vector<16xf32>,
        %parallel_loop3A_419 = arith.constant 6 : i32
        %parallel_loop3A_420 = vector.broadcast %parallel_loop3A_419 : i32 to vector<16xi32>
        %parallel_loop3A_421 = arith.constant 7 : i32
        %parallel_loop3A_422 = arith.index_cast %parallel_loop3A_421 : i32 to index
        %parallel_loop3A_423 = arith.index_cast %parallel_loop3A_341 : i32 to index
        %parallel_loop3A_424 = arith.index_cast %parallel_loop3A_359 : i32 to index
        %parallel_loop3A_425 = tpu.vector_load %arg10[%parallel_loop3A_422, %parallel_loop3A_423, %parallel_loop3A_424] {strides = array<i32>} : memref<19x8x256xf32, #tpu.memory_space<vmem>>, vector<16xf32>,
        %parallel_loop3A_426 = arith.constant 7 : i32
        %parallel_loop3A_427 = vector.broadcast %parallel_loop3A_426 : i32 to vector<16xi32>
        %parallel_loop3A_428 = arith.constant 8 : i32
        %parallel_loop3A_429 = arith.index_cast %parallel_loop3A_428 : i32 to index
        %parallel_loop3A_430 = arith.index_cast %parallel_loop3A_341 : i32 to index
        %parallel_loop3A_431 = arith.index_cast %parallel_loop3A_359 : i32 to index
        %parallel_loop3A_432 = tpu.vector_load %arg10[%parallel_loop3A_429, %parallel_loop3A_430, %parallel_loop3A_431] {strides = array<i32>} : memref<19x8x256xf32, #tpu.memory_space<vmem>>, vector<16xf32>,
        %parallel_loop3A_433 = arith.constant 8 : i32
        %parallel_loop3A_434 = vector.broadcast %parallel_loop3A_433 : i32 to vector<16xi32>
        %parallel_loop3A_435 = arith.cmpf ogt, %parallel_loop3A_432, %parallel_loop3A_425 : vector<16xf32>
        %parallel_loop3A_436 = arith.select %parallel_loop3A_435, %parallel_loop3A_432, %parallel_loop3A_425 : vector<16xi1>, vector<16xf32>
        %parallel_loop3A_437 = arith.select %parallel_loop3A_435, %parallel_loop3A_434, %parallel_loop3A_427 : vector<16xi1>, vector<16xi32>
        %parallel_loop3A_438 = arith.cmpf ogt, %parallel_loop3A_436, %parallel_loop3A_418 : vector<16xf32>
        %parallel_loop3A_439 = arith.select %parallel_loop3A_438, %parallel_loop3A_436, %parallel_loop3A_418 : vector<16xi1>, vector<16xf32>
        %parallel_loop3A_440 = arith.select %parallel_loop3A_438, %parallel_loop3A_437, %parallel_loop3A_420 : vector<16xi1>, vector<16xi32>
        %parallel_loop3A_441 = arith.cmpf ogt, %parallel_loop3A_439, %parallel_loop3A_412 : vector<16xf32>
        %parallel_loop3A_442 = arith.select %parallel_loop3A_441, %parallel_loop3A_439, %parallel_loop3A_412 : vector<16xi1>, vector<16xf32>
        %parallel_loop3A_443 = arith.select %parallel_loop3A_441, %parallel_loop3A_440, %parallel_loop3A_413 : vector<16xi1>, vector<16xi32>
        %parallel_loop3A_444 = arith.cmpf ogt, %parallel_loop3A_442, %parallel_loop3A_395 : vector<16xf32>
        %parallel_loop3A_445 = arith.select %parallel_loop3A_444, %parallel_loop3A_442, %parallel_loop3A_395 : vector<16xi1>, vector<16xf32>
        %parallel_loop3A_446 = arith.select %parallel_loop3A_444, %parallel_loop3A_443, %parallel_loop3A_396 : vector<16xi1>, vector<16xi32>
        %parallel_loop3A_447 = arith.constant 9 : i32
        %parallel_loop3A_448 = arith.index_cast %parallel_loop3A_447 : i32 to index
        %parallel_loop3A_449 = arith.index_cast %parallel_loop3A_341 : i32 to index
        %parallel_loop3A_450 = arith.index_cast %parallel_loop3A_359 : i32 to index
        %parallel_loop3A_451 = tpu.vector_load %arg10[%parallel_loop3A_448, %parallel_loop3A_449, %parallel_loop3A_450] {strides = array<i32>} : memref<19x8x256xf32, #tpu.memory_space<vmem>>, vector<16xf32>,
        %parallel_loop3A_452 = arith.constant 9 : i32
        %parallel_loop3A_453 = vector.broadcast %parallel_loop3A_452 : i32 to vector<16xi32>
        %parallel_loop3A_454 = arith.constant 10 : i32
        %parallel_loop3A_455 = arith.index_cast %parallel_loop3A_454 : i32 to index
        %parallel_loop3A_456 = arith.index_cast %parallel_loop3A_341 : i32 to index
        %parallel_loop3A_457 = arith.index_cast %parallel_loop3A_359 : i32 to index
        %parallel_loop3A_458 = tpu.vector_load %arg10[%parallel_loop3A_455, %parallel_loop3A_456, %parallel_loop3A_457] {strides = array<i32>} : memref<19x8x256xf32, #tpu.memory_space<vmem>>, vector<16xf32>,
        %parallel_loop3A_459 = arith.constant 10 : i32
        %parallel_loop3A_460 = vector.broadcast %parallel_loop3A_459 : i32 to vector<16xi32>
        %parallel_loop3A_461 = arith.cmpf ogt, %parallel_loop3A_458, %parallel_loop3A_451 : vector<16xf32>
        %parallel_loop3A_462 = arith.select %parallel_loop3A_461, %parallel_loop3A_458, %parallel_loop3A_451 : vector<16xi1>, vector<16xf32>
        %parallel_loop3A_463 = arith.select %parallel_loop3A_461, %parallel_loop3A_460, %parallel_loop3A_453 : vector<16xi1>, vector<16xi32>
        %parallel_loop3A_464 = arith.constant 11 : i32
        %parallel_loop3A_465 = arith.index_cast %parallel_loop3A_464 : i32 to index
        %parallel_loop3A_466 = arith.index_cast %parallel_loop3A_341 : i32 to index
        %parallel_loop3A_467 = arith.index_cast %parallel_loop3A_359 : i32 to index
        %parallel_loop3A_468 = tpu.vector_load %arg10[%parallel_loop3A_465, %parallel_loop3A_466, %parallel_loop3A_467] {strides = array<i32>} : memref<19x8x256xf32, #tpu.memory_space<vmem>>, vector<16xf32>,
        %parallel_loop3A_469 = arith.constant 11 : i32
        %parallel_loop3A_470 = vector.broadcast %parallel_loop3A_469 : i32 to vector<16xi32>
        %parallel_loop3A_471 = arith.constant 12 : i32
        %parallel_loop3A_472 = arith.index_cast %parallel_loop3A_471 : i32 to index
        %parallel_loop3A_473 = arith.index_cast %parallel_loop3A_341 : i32 to index
        %parallel_loop3A_474 = arith.index_cast %parallel_loop3A_359 : i32 to index
        %parallel_loop3A_475 = tpu.vector_load %arg10[%parallel_loop3A_472, %parallel_loop3A_473, %parallel_loop3A_474] {strides = array<i32>} : memref<19x8x256xf32, #tpu.memory_space<vmem>>, vector<16xf32>,
        %parallel_loop3A_476 = arith.constant 12 : i32
        %parallel_loop3A_477 = vector.broadcast %parallel_loop3A_476 : i32 to vector<16xi32>
        %parallel_loop3A_478 = arith.constant 13 : i32
        %parallel_loop3A_479 = arith.index_cast %parallel_loop3A_478 : i32 to index
        %parallel_loop3A_480 = arith.index_cast %parallel_loop3A_341 : i32 to index
        %parallel_loop3A_481 = arith.index_cast %parallel_loop3A_359 : i32 to index
        %parallel_loop3A_482 = tpu.vector_load %arg10[%parallel_loop3A_479, %parallel_loop3A_480, %parallel_loop3A_481] {strides = array<i32>} : memref<19x8x256xf32, #tpu.memory_space<vmem>>, vector<16xf32>,
        %parallel_loop3A_483 = arith.constant 13 : i32
        %parallel_loop3A_484 = vector.broadcast %parallel_loop3A_483 : i32 to vector<16xi32>
        %parallel_loop3A_485 = arith.cmpf ogt, %parallel_loop3A_482, %parallel_loop3A_475 : vector<16xf32>
        %parallel_loop3A_486 = arith.select %parallel_loop3A_485, %parallel_loop3A_482, %parallel_loop3A_475 : vector<16xi1>, vector<16xf32>
        %parallel_loop3A_487 = arith.select %parallel_loop3A_485, %parallel_loop3A_484, %parallel_loop3A_477 : vector<16xi1>, vector<16xi32>
        %parallel_loop3A_488 = arith.cmpf ogt, %parallel_loop3A_486, %parallel_loop3A_468 : vector<16xf32>
        %parallel_loop3A_489 = arith.select %parallel_loop3A_488, %parallel_loop3A_486, %parallel_loop3A_468 : vector<16xi1>, vector<16xf32>
        %parallel_loop3A_490 = arith.select %parallel_loop3A_488, %parallel_loop3A_487, %parallel_loop3A_470 : vector<16xi1>, vector<16xi32>
        %parallel_loop3A_491 = arith.cmpf ogt, %parallel_loop3A_489, %parallel_loop3A_462 : vector<16xf32>
        %parallel_loop3A_492 = arith.select %parallel_loop3A_491, %parallel_loop3A_489, %parallel_loop3A_462 : vector<16xi1>, vector<16xf32>
        %parallel_loop3A_493 = arith.select %parallel_loop3A_491, %parallel_loop3A_490, %parallel_loop3A_463 : vector<16xi1>, vector<16xi32>
        %parallel_loop3A_494 = arith.constant 14 : i32
        %parallel_loop3A_495 = arith.index_cast %parallel_loop3A_494 : i32 to index
        %parallel_loop3A_496 = arith.index_cast %parallel_loop3A_341 : i32 to index
        %parallel_loop3A_497 = arith.index_cast %parallel_loop3A_359 : i32 to index
        %parallel_loop3A_498 = tpu.vector_load %arg10[%parallel_loop3A_495, %parallel_loop3A_496, %parallel_loop3A_497] {strides = array<i32>} : memref<19x8x256xf32, #tpu.memory_space<vmem>>, vector<16xf32>,
        %parallel_loop3A_499 = arith.constant 14 : i32
        %parallel_loop3A_500 = vector.broadcast %parallel_loop3A_499 : i32 to vector<16xi32>
        %parallel_loop3A_501 = arith.constant 15 : i32
        %parallel_loop3A_502 = arith.index_cast %parallel_loop3A_501 : i32 to index
        %parallel_loop3A_503 = arith.index_cast %parallel_loop3A_341 : i32 to index
        %parallel_loop3A_504 = arith.index_cast %parallel_loop3A_359 : i32 to index
        %parallel_loop3A_505 = tpu.vector_load %arg10[%parallel_loop3A_502, %parallel_loop3A_503, %parallel_loop3A_504] {strides = array<i32>} : memref<19x8x256xf32, #tpu.memory_space<vmem>>, vector<16xf32>,
        %parallel_loop3A_506 = arith.constant 15 : i32
        %parallel_loop3A_507 = vector.broadcast %parallel_loop3A_506 : i32 to vector<16xi32>
        %parallel_loop3A_508 = arith.cmpf ogt, %parallel_loop3A_505, %parallel_loop3A_498 : vector<16xf32>
        %parallel_loop3A_509 = arith.select %parallel_loop3A_508, %parallel_loop3A_505, %parallel_loop3A_498 : vector<16xi1>, vector<16xf32>
        %parallel_loop3A_510 = arith.select %parallel_loop3A_508, %parallel_loop3A_507, %parallel_loop3A_500 : vector<16xi1>, vector<16xi32>
        %parallel_loop3A_511 = arith.constant 16 : i32
        %parallel_loop3A_512 = arith.index_cast %parallel_loop3A_511 : i32 to index
        %parallel_loop3A_513 = arith.index_cast %parallel_loop3A_341 : i32 to index
        %parallel_loop3A_514 = arith.index_cast %parallel_loop3A_359 : i32 to index
        %parallel_loop3A_515 = tpu.vector_load %arg10[%parallel_loop3A_512, %parallel_loop3A_513, %parallel_loop3A_514] {strides = array<i32>} : memref<19x8x256xf32, #tpu.memory_space<vmem>>, vector<16xf32>,
        %parallel_loop3A_516 = arith.constant 16 : i32
        %parallel_loop3A_517 = vector.broadcast %parallel_loop3A_516 : i32 to vector<16xi32>
        %parallel_loop3A_518 = arith.constant 17 : i32
        %parallel_loop3A_519 = arith.index_cast %parallel_loop3A_518 : i32 to index
        %parallel_loop3A_520 = arith.index_cast %parallel_loop3A_341 : i32 to index
        %parallel_loop3A_521 = arith.index_cast %parallel_loop3A_359 : i32 to index
        %parallel_loop3A_522 = tpu.vector_load %arg10[%parallel_loop3A_519, %parallel_loop3A_520, %parallel_loop3A_521] {strides = array<i32>} : memref<19x8x256xf32, #tpu.memory_space<vmem>>, vector<16xf32>,
        %parallel_loop3A_523 = arith.constant 17 : i32
        %parallel_loop3A_524 = vector.broadcast %parallel_loop3A_523 : i32 to vector<16xi32>
        %parallel_loop3A_525 = arith.constant 18 : i32
        %parallel_loop3A_526 = arith.index_cast %parallel_loop3A_525 : i32 to index
        %parallel_loop3A_527 = arith.index_cast %parallel_loop3A_341 : i32 to index
        %parallel_loop3A_528 = arith.index_cast %parallel_loop3A_359 : i32 to index
        %parallel_loop3A_529 = tpu.vector_load %arg10[%parallel_loop3A_526, %parallel_loop3A_527, %parallel_loop3A_528] {strides = array<i32>} : memref<19x8x256xf32, #tpu.memory_space<vmem>>, vector<16xf32>,
        %parallel_loop3A_530 = arith.constant 18 : i32
        %parallel_loop3A_531 = vector.broadcast %parallel_loop3A_530 : i32 to vector<16xi32>
        %parallel_loop3A_532 = arith.cmpf ogt, %parallel_loop3A_529, %parallel_loop3A_522 : vector<16xf32>
        %parallel_loop3A_533 = arith.select %parallel_loop3A_532, %parallel_loop3A_529, %parallel_loop3A_522 : vector<16xi1>, vector<16xf32>
        %parallel_loop3A_534 = arith.select %parallel_loop3A_532, %parallel_loop3A_531, %parallel_loop3A_524 : vector<16xi1>, vector<16xi32>
        %parallel_loop3A_535 = arith.cmpf ogt, %parallel_loop3A_533, %parallel_loop3A_515 : vector<16xf32>
        %parallel_loop3A_536 = arith.select %parallel_loop3A_535, %parallel_loop3A_533, %parallel_loop3A_515 : vector<16xi1>, vector<16xf32>
        %parallel_loop3A_537 = arith.select %parallel_loop3A_535, %parallel_loop3A_534, %parallel_loop3A_517 : vector<16xi1>, vector<16xi32>
        %parallel_loop3A_538 = arith.cmpf ogt, %parallel_loop3A_536, %parallel_loop3A_509 : vector<16xf32>
        %parallel_loop3A_539 = arith.select %parallel_loop3A_538, %parallel_loop3A_536, %parallel_loop3A_509 : vector<16xi1>, vector<16xf32>
        %parallel_loop3A_540 = arith.select %parallel_loop3A_538, %parallel_loop3A_537, %parallel_loop3A_510 : vector<16xi1>, vector<16xi32>
        %parallel_loop3A_541 = arith.cmpf ogt, %parallel_loop3A_539, %parallel_loop3A_492 : vector<16xf32>
        %parallel_loop3A_542 = arith.select %parallel_loop3A_541, %parallel_loop3A_539, %parallel_loop3A_492 : vector<16xi1>, vector<16xf32>
        %parallel_loop3A_543 = arith.select %parallel_loop3A_541, %parallel_loop3A_540, %parallel_loop3A_493 : vector<16xi1>, vector<16xi32>
        %parallel_loop3A_544 = arith.cmpf ogt, %parallel_loop3A_542, %parallel_loop3A_445 : vector<16xf32>
        %parallel_loop3A_545 = arith.select %parallel_loop3A_544, %parallel_loop3A_542, %parallel_loop3A_445 : vector<16xi1>, vector<16xf32>
        %parallel_loop3A_546 = arith.select %parallel_loop3A_544, %parallel_loop3A_543, %parallel_loop3A_446 : vector<16xi1>, vector<16xi32>
        %parallel_loop3A_547 = tpu.vector_load_idx %arg7[%parallel_loop3A_546] : memref<32xf32, #tpu.memory_space<vmem>>[vector<16xi32>], vector<16xf32>,
        %parallel_loop3A_548 = arith.index_cast %parallel_loop3A_341 : i32 to index
        %parallel_loop3A_549 = arith.index_cast %parallel_loop3A_359 : i32 to index
        %parallel_loop3A_550 = tpu.vector_load %arg12[%parallel_loop3A_548, %parallel_loop3A_549] {strides = array<i32>} : memref<8x256xf32, #tpu.memory_space<vmem>>, vector<16xf32>,
        tpu.vector_store %arg12[%parallel_loop3A_548, %parallel_loop3A_549], %parallel_loop3A_547 {strides = array<i32>} : memref<8x256xf32, #tpu.memory_space<vmem>>, vector<16xf32>,
        %parallel_loop3A_551 = tpu.vector_load_idx %arg8[%parallel_loop3A_546] : memref<32xf32, #tpu.memory_space<vmem>>[vector<16xi32>], vector<16xf32>,
        %parallel_loop3A_552 = arith.index_cast %parallel_loop3A_341 : i32 to index
        %parallel_loop3A_553 = arith.index_cast %parallel_loop3A_359 : i32 to index
        %parallel_loop3A_554 = tpu.vector_load %arg14[%parallel_loop3A_552, %parallel_loop3A_553] {strides = array<i32>} : memref<8x256xf32, #tpu.memory_space<vmem>>, vector<16xf32>,
        tpu.vector_store %arg14[%parallel_loop3A_552, %parallel_loop3A_553], %parallel_loop3A_551 {strides = array<i32>} : memref<8x256xf32, #tpu.memory_space<vmem>>, vector<16xf32>,
      } {sc.loop_unroll_factor = 2 : i64, sc.parallel_access}
      %dma_start3A_307 = arith.constant 0 : i32
      %dma_start3A_308 = tpu.memref_slice %arg4[%shift_right_arithmetic3A_299, %dma_start3A_307, %multiple_of3A_302, %multiple_of3A_303] : memref<8x1x512x512xf32, #tpu.memory_space<hbm>> -> memref<1x1x8x256xf32, #tpu.memory_space<hbm>>
      %dma_start3A_309 = tpu.memref_squeeze %dma_start3A_308 : memref<1x1x8x256xf32, #tpu.memory_space<hbm>> -> memref<8x256xf32, #tpu.memory_space<hbm>>
      %dma_start3A_310 = tpu.memref_slice %arg4[%shift_right_arithmetic3A_299, %dma_start3A_307, %multiple_of3A_302, %multiple_of3A_303] : memref<8x1x512x512xf32, #tpu.memory_space<hbm>> -> memref<1x1x8x256xf32, #tpu.memory_space<hbm>>
      %dma_start3A_311 = tpu.memref_squeeze %dma_start3A_310 : memref<1x1x8x256xf32, #tpu.memory_space<hbm>> -> memref<8x256xf32, #tpu.memory_space<hbm>>
      tpu.enqueue_dma source(%arg12 : memref<8x256xf32, #tpu.memory_space<vmem>>) target(%dma_start3A_311 : memref<8x256xf32, #tpu.memory_space<hbm>>) target_semaphore(%arg18 : memref<!tpu.dma_semaphore, #tpu.memory_space<semaphore_mem>>)
      %dma_start3A_312 = arith.constant 0 : i32
      %dma_start3A_313 = tpu.memref_slice %arg5[%shift_right_arithmetic3A_299, %dma_start3A_312, %multiple_of3A_302, %multiple_of3A_303] : memref<8x1x512x512xf32, #tpu.memory_space<hbm>> -> memref<1x1x8x256xf32, #tpu.memory_space<hbm>>
      %dma_start3A_314 = tpu.memref_squeeze %dma_start3A_313 : memref<1x1x8x256xf32, #tpu.memory_space<hbm>> -> memref<8x256xf32, #tpu.memory_space<hbm>>
      %dma_start3A_315 = tpu.memref_slice %arg5[%shift_right_arithmetic3A_299, %dma_start3A_312, %multiple_of3A_302, %multiple_of3A_303] : memref<8x1x512x512xf32, #tpu.memory_space<hbm>> -> memref<1x1x8x256xf32, #tpu.memory_space<hbm>>
      %dma_start3A_316 = tpu.memref_squeeze %dma_start3A_315 : memref<1x1x8x256xf32, #tpu.memory_space<hbm>> -> memref<8x256xf32, #tpu.memory_space<hbm>>
      tpu.enqueue_dma source(%arg14 : memref<8x256xf32, #tpu.memory_space<vmem>>) target(%dma_start3A_316 : memref<8x256xf32, #tpu.memory_space<hbm>>) target_semaphore(%arg20 : memref<!tpu.dma_semaphore, #tpu.memory_space<semaphore_mem>>)
    }
    %scan3A_59 = arith.constant 8 : i32
    %dma_wait3A = arith.constant 0 : i32
    %dma_wait3A_60 = arith.constant 0 : i32
    %dma_wait3A_61 = arith.constant 0 : i32
    %dma_wait3A_62 = arith.constant 0 : i32
    %dma_wait3A_63 = tpu.memref_slice %arg4[%dma_wait3A, %dma_wait3A_60, %dma_wait3A_61, %dma_wait3A_62] : memref<8x1x512x512xf32, #tpu.memory_space<hbm>> -> memref<1x1x8x256xf32, #tpu.memory_space<hbm>>
    %dma_wait3A_64 = tpu.memref_squeeze %dma_wait3A_63 : memref<1x1x8x256xf32, #tpu.memory_space<hbm>> -> memref<8x256xf32, #tpu.memory_space<hbm>>
    %dma_wait3A_65 = arith.constant 0 : i32
    %dma_wait3A_66 = arith.constant 0 : i32
    %dma_wait3A_67 = tpu.memref_slice %arg4[%dma_wait3A, %dma_wait3A_60, %dma_wait3A_65, %dma_wait3A_66] : memref<8x1x512x512xf32, #tpu.memory_space<hbm>> -> memref<1x1x8x256xf32, #tpu.memory_space<hbm>>
    %dma_wait3A_68 = tpu.memref_squeeze %dma_wait3A_67 : memref<1x1x8x256xf32, #tpu.memory_space<hbm>> -> memref<8x256xf32, #tpu.memory_space<hbm>>
    tpu.wait_dma2 semaphore(%arg17 : memref<!tpu.dma_semaphore, #tpu.memory_space<semaphore_mem>>) src(%arg11 : memref<8x256xf32, #tpu.memory_space<vmem>>) dst(%dma_wait3A_68 : memref<8x256xf32, #tpu.memory_space<hbm>>)
    %dma_wait3A_69 = arith.constant 0 : i32
    %dma_wait3A_70 = arith.constant 0 : i32
    %dma_wait3A_71 = arith.constant 0 : i32
    %dma_wait3A_72 = arith.constant 0 : i32
    %dma_wait3A_73 = tpu.memref_slice %arg5[%dma_wait3A_69, %dma_wait3A_70, %dma_wait3A_71, %dma_wait3A_72] : memref<8x1x512x512xf32, #tpu.memory_space<hbm>> -> memref<1x1x8x256xf32, #tpu.memory_space<hbm>>
    %dma_wait3A_74 = tpu.memref_squeeze %dma_wait3A_73 : memref<1x1x8x256xf32, #tpu.memory_space<hbm>> -> memref<8x256xf32, #tpu.memory_space<hbm>>
    %dma_wait3A_75 = arith.constant 0 : i32
    %dma_wait3A_76 = arith.constant 0 : i32
    %dma_wait3A_77 = tpu.memref_slice %arg5[%dma_wait3A_69, %dma_wait3A_70, %dma_wait3A_75, %dma_wait3A_76] : memref<8x1x512x512xf32, #tpu.memory_space<hbm>> -> memref<1x1x8x256xf32, #tpu.memory_space<hbm>>
    %dma_wait3A_78 = tpu.memref_squeeze %dma_wait3A_77 : memref<1x1x8x256xf32, #tpu.memory_space<hbm>> -> memref<8x256xf32, #tpu.memory_space<hbm>>
    tpu.wait_dma2 semaphore(%arg19 : memref<!tpu.dma_semaphore, #tpu.memory_space<semaphore_mem>>) src(%arg13 : memref<8x256xf32, #tpu.memory_space<vmem>>) dst(%dma_wait3A_78 : memref<8x256xf32, #tpu.memory_space<hbm>>)
    %dma_wait3A_79 = arith.constant 0 : i32
    %dma_wait3A_80 = arith.constant 0 : i32
    %dma_wait3A_81 = arith.constant 0 : i32
    %dma_wait3A_82 = arith.constant 0 : i32
    %dma_wait3A_83 = tpu.memref_slice %arg4[%dma_wait3A_79, %dma_wait3A_80, %dma_wait3A_81, %dma_wait3A_82] : memref<8x1x512x512xf32, #tpu.memory_space<hbm>> -> memref<1x1x8x256xf32, #tpu.memory_space<hbm>>
    %dma_wait3A_84 = tpu.memref_squeeze %dma_wait3A_83 : memref<1x1x8x256xf32, #tpu.memory_space<hbm>> -> memref<8x256xf32, #tpu.memory_space<hbm>>
    %dma_wait3A_85 = arith.constant 0 : i32
    %dma_wait3A_86 = arith.constant 0 : i32
    %dma_wait3A_87 = tpu.memref_slice %arg4[%dma_wait3A_79, %dma_wait3A_80, %dma_wait3A_85, %dma_wait3A_86] : memref<8x1x512x512xf32, #tpu.memory_space<hbm>> -> memref<1x1x8x256xf32, #tpu.memory_space<hbm>>
    %dma_wait3A_88 = tpu.memref_squeeze %dma_wait3A_87 : memref<1x1x8x256xf32, #tpu.memory_space<hbm>> -> memref<8x256xf32, #tpu.memory_space<hbm>>
    tpu.wait_dma2 semaphore(%arg18 : memref<!tpu.dma_semaphore, #tpu.memory_space<semaphore_mem>>) src(%arg12 : memref<8x256xf32, #tpu.memory_space<vmem>>) dst(%dma_wait3A_88 : memref<8x256xf32, #tpu.memory_space<hbm>>)
    %dma_wait3A_89 = arith.constant 0 : i32
    %dma_wait3A_90 = arith.constant 0 : i32
    %dma_wait3A_91 = arith.constant 0 : i32
    %dma_wait3A_92 = arith.constant 0 : i32
    %dma_wait3A_93 = tpu.memref_slice %arg5[%dma_wait3A_89, %dma_wait3A_90, %dma_wait3A_91, %dma_wait3A_92] : memref<8x1x512x512xf32, #tpu.memory_space<hbm>> -> memref<1x1x8x256xf32, #tpu.memory_space<hbm>>
    %dma_wait3A_94 = tpu.memref_squeeze %dma_wait3A_93 : memref<1x1x8x256xf32, #tpu.memory_space<hbm>> -> memref<8x256xf32, #tpu.memory_space<hbm>>
    %dma_wait3A_95 = arith.constant 0 : i32
    %dma_wait3A_96 = arith.constant 0 : i32
    %dma_wait3A_97 = tpu.memref_slice %arg5[%dma_wait3A_89, %dma_wait3A_90, %dma_wait3A_95, %dma_wait3A_96] : memref<8x1x512x512xf32, #tpu.memory_space<hbm>> -> memref<1x1x8x256xf32, #tpu.memory_space<hbm>>
    %dma_wait3A_98 = tpu.memref_squeeze %dma_wait3A_97 : memref<1x1x8x256xf32, #tpu.memory_space<hbm>> -> memref<8x256xf32, #tpu.memory_space<hbm>>
    tpu.wait_dma2 semaphore(%arg20 : memref<!tpu.dma_semaphore, #tpu.memory_space<semaphore_mem>>) src(%arg14 : memref<8x256xf32, #tpu.memory_space<vmem>>) dst(%dma_wait3A_98 : memref<8x256xf32, #tpu.memory_space<hbm>>)
    return
  }
}

module attributes {stable_mosaic.version = 14 : i64} {
  func.func @attention_affine_tc(%arg0: i32, %arg1: i32, %arg2: memref<19x2xf32, #tpu.memory_space<smem>>, %arg3: memref<1x19x128x512xf32, #tpu.memory_space<vmem>>, %arg4: memref<1x1x128x512xf32, #tpu.memory_space<vmem>>, %arg5: memref<1x1x128x512xf32, #tpu.memory_space<vmem>>) attributes {dimension_semantics = [#tpu.dimension_semantics<arbitrary>, #tpu.dimension_semantics<arbitrary>], iteration_bounds = array<i64: 4, 4>, scalar_prefetch = 0 : i64, scratch_operands = 0 : i64, tpu.core_type = #tpu.core_type<tc>, window_params = [{transform_indices = @transform_0, window_bounds = array<i64: 19, 2>}, {transform_indices = @transform_1, window_bounds = array<i64: 1, 19, 128, 512>}, {transform_indices = @transform_2, window_bounds = array<i64: 1, 1, 128, 512>}, {transform_indices = @transform_3, window_bounds = array<i64: 1, 1, 128, 512>}]} {
    %get3A = arith.constant 0 : index
    %get3A_0 = arith.constant 0 : index
    %get3A_1 = arith.constant 0 : index
    %get3A_2 = arith.constant 0 : index
    %get3A_3 = vector.load %arg3[%get3A, %get3A_0, %get3A_1, %get3A_2] : memref<1x19x128x512xf32, #tpu.memory_space<vmem>>, vector<1x1x128x512xf32>
    %get3A_4 = vector.shape_cast %get3A_3 : vector<1x1x128x512xf32> to vector<128x512xf32>
    %get3A_5 = arith.constant 0 : index
    %get3A_6 = arith.constant 0 : index
    %get3A_7 = memref.load %arg2[%get3A_5, %get3A_6] : memref<19x2xf32, #tpu.memory_space<smem>>
    %get3A_8 = arith.constant 0 : index
    %get3A_9 = arith.constant 1 : index
    %get3A_10 = memref.load %arg2[%get3A_8, %get3A_9] : memref<19x2xf32, #tpu.memory_space<smem>>
    %sub3A = arith.subf %get3A_7, %get3A_10 : f32
    %broadcast_in_dim3A = vector.broadcast %sub3A : f32 to vector<128x512xf32>
    %get3A_11 = arith.constant 0 : index
    %get3A_12 = arith.constant 1 : index
    %get3A_13 = arith.constant 0 : index
    %get3A_14 = arith.constant 0 : index
    %get3A_15 = vector.load %arg3[%get3A_11, %get3A_12, %get3A_13, %get3A_14] : memref<1x19x128x512xf32, #tpu.memory_space<vmem>>, vector<1x1x128x512xf32>
    %get3A_16 = vector.shape_cast %get3A_15 : vector<1x1x128x512xf32> to vector<128x512xf32>
    %gt3A = arith.cmpf ogt, %get3A_16, %get3A_4 : vector<128x512xf32>
    %select_n3A = arith.select %gt3A, %get3A_16, %get3A_4 : vector<128x512xi1>, vector<128x512xf32>
    %get3A_17 = arith.constant 1 : index
    %get3A_18 = arith.constant 0 : index
    %get3A_19 = memref.load %arg2[%get3A_17, %get3A_18] : memref<19x2xf32, #tpu.memory_space<smem>>
    %get3A_20 = arith.constant 1 : index
    %get3A_21 = arith.constant 1 : index
    %get3A_22 = memref.load %arg2[%get3A_20, %get3A_21] : memref<19x2xf32, #tpu.memory_space<smem>>
    %sub3A_23 = arith.subf %get3A_19, %get3A_22 : f32
    %broadcast_in_dim3A_24 = vector.broadcast %sub3A_23 : f32 to vector<128x512xf32>
    %select_n3A_25 = arith.select %gt3A, %broadcast_in_dim3A_24, %broadcast_in_dim3A : vector<128x512xi1>, vector<128x512xf32>
    %get3A_26 = arith.constant 0 : index
    %get3A_27 = arith.constant 2 : index
    %get3A_28 = arith.constant 0 : index
    %get3A_29 = arith.constant 0 : index
    %get3A_30 = vector.load %arg3[%get3A_26, %get3A_27, %get3A_28, %get3A_29] : memref<1x19x128x512xf32, #tpu.memory_space<vmem>>, vector<1x1x128x512xf32>
    %get3A_31 = vector.shape_cast %get3A_30 : vector<1x1x128x512xf32> to vector<128x512xf32>
    %gt3A_32 = arith.cmpf ogt, %get3A_31, %select_n3A : vector<128x512xf32>
    %select_n3A_33 = arith.select %gt3A_32, %get3A_31, %select_n3A : vector<128x512xi1>, vector<128x512xf32>
    %get3A_34 = arith.constant 2 : index
    %get3A_35 = arith.constant 0 : index
    %get3A_36 = memref.load %arg2[%get3A_34, %get3A_35] : memref<19x2xf32, #tpu.memory_space<smem>>
    %get3A_37 = arith.constant 2 : index
    %get3A_38 = arith.constant 1 : index
    %get3A_39 = memref.load %arg2[%get3A_37, %get3A_38] : memref<19x2xf32, #tpu.memory_space<smem>>
    %sub3A_40 = arith.subf %get3A_36, %get3A_39 : f32
    %broadcast_in_dim3A_41 = vector.broadcast %sub3A_40 : f32 to vector<128x512xf32>
    %select_n3A_42 = arith.select %gt3A_32, %broadcast_in_dim3A_41, %select_n3A_25 : vector<128x512xi1>, vector<128x512xf32>
    %get3A_43 = arith.constant 0 : index
    %get3A_44 = arith.constant 3 : index
    %get3A_45 = arith.constant 0 : index
    %get3A_46 = arith.constant 0 : index
    %get3A_47 = vector.load %arg3[%get3A_43, %get3A_44, %get3A_45, %get3A_46] : memref<1x19x128x512xf32, #tpu.memory_space<vmem>>, vector<1x1x128x512xf32>
    %get3A_48 = vector.shape_cast %get3A_47 : vector<1x1x128x512xf32> to vector<128x512xf32>
    %gt3A_49 = arith.cmpf ogt, %get3A_48, %select_n3A_33 : vector<128x512xf32>
    %select_n3A_50 = arith.select %gt3A_49, %get3A_48, %select_n3A_33 : vector<128x512xi1>, vector<128x512xf32>
    %get3A_51 = arith.constant 3 : index
    %get3A_52 = arith.constant 0 : index
    %get3A_53 = memref.load %arg2[%get3A_51, %get3A_52] : memref<19x2xf32, #tpu.memory_space<smem>>
    %get3A_54 = arith.constant 3 : index
    %get3A_55 = arith.constant 1 : index
    %get3A_56 = memref.load %arg2[%get3A_54, %get3A_55] : memref<19x2xf32, #tpu.memory_space<smem>>
    %sub3A_57 = arith.subf %get3A_53, %get3A_56 : f32
    %broadcast_in_dim3A_58 = vector.broadcast %sub3A_57 : f32 to vector<128x512xf32>
    %select_n3A_59 = arith.select %gt3A_49, %broadcast_in_dim3A_58, %select_n3A_42 : vector<128x512xi1>, vector<128x512xf32>
    %get3A_60 = arith.constant 0 : index
    %get3A_61 = arith.constant 4 : index
    %get3A_62 = arith.constant 0 : index
    %get3A_63 = arith.constant 0 : index
    %get3A_64 = vector.load %arg3[%get3A_60, %get3A_61, %get3A_62, %get3A_63] : memref<1x19x128x512xf32, #tpu.memory_space<vmem>>, vector<1x1x128x512xf32>
    %get3A_65 = vector.shape_cast %get3A_64 : vector<1x1x128x512xf32> to vector<128x512xf32>
    %gt3A_66 = arith.cmpf ogt, %get3A_65, %select_n3A_50 : vector<128x512xf32>
    %select_n3A_67 = arith.select %gt3A_66, %get3A_65, %select_n3A_50 : vector<128x512xi1>, vector<128x512xf32>
    %get3A_68 = arith.constant 4 : index
    %get3A_69 = arith.constant 0 : index
    %get3A_70 = memref.load %arg2[%get3A_68, %get3A_69] : memref<19x2xf32, #tpu.memory_space<smem>>
    %get3A_71 = arith.constant 4 : index
    %get3A_72 = arith.constant 1 : index
    %get3A_73 = memref.load %arg2[%get3A_71, %get3A_72] : memref<19x2xf32, #tpu.memory_space<smem>>
    %sub3A_74 = arith.subf %get3A_70, %get3A_73 : f32
    %broadcast_in_dim3A_75 = vector.broadcast %sub3A_74 : f32 to vector<128x512xf32>
    %select_n3A_76 = arith.select %gt3A_66, %broadcast_in_dim3A_75, %select_n3A_59 : vector<128x512xi1>, vector<128x512xf32>
    %get3A_77 = arith.constant 0 : index
    %get3A_78 = arith.constant 5 : index
    %get3A_79 = arith.constant 0 : index
    %get3A_80 = arith.constant 0 : index
    %get3A_81 = vector.load %arg3[%get3A_77, %get3A_78, %get3A_79, %get3A_80] : memref<1x19x128x512xf32, #tpu.memory_space<vmem>>, vector<1x1x128x512xf32>
    %get3A_82 = vector.shape_cast %get3A_81 : vector<1x1x128x512xf32> to vector<128x512xf32>
    %gt3A_83 = arith.cmpf ogt, %get3A_82, %select_n3A_67 : vector<128x512xf32>
    %select_n3A_84 = arith.select %gt3A_83, %get3A_82, %select_n3A_67 : vector<128x512xi1>, vector<128x512xf32>
    %get3A_85 = arith.constant 5 : index
    %get3A_86 = arith.constant 0 : index
    %get3A_87 = memref.load %arg2[%get3A_85, %get3A_86] : memref<19x2xf32, #tpu.memory_space<smem>>
    %get3A_88 = arith.constant 5 : index
    %get3A_89 = arith.constant 1 : index
    %get3A_90 = memref.load %arg2[%get3A_88, %get3A_89] : memref<19x2xf32, #tpu.memory_space<smem>>
    %sub3A_91 = arith.subf %get3A_87, %get3A_90 : f32
    %broadcast_in_dim3A_92 = vector.broadcast %sub3A_91 : f32 to vector<128x512xf32>
    %select_n3A_93 = arith.select %gt3A_83, %broadcast_in_dim3A_92, %select_n3A_76 : vector<128x512xi1>, vector<128x512xf32>
    %get3A_94 = arith.constant 0 : index
    %get3A_95 = arith.constant 6 : index
    %get3A_96 = arith.constant 0 : index
    %get3A_97 = arith.constant 0 : index
    %get3A_98 = vector.load %arg3[%get3A_94, %get3A_95, %get3A_96, %get3A_97] : memref<1x19x128x512xf32, #tpu.memory_space<vmem>>, vector<1x1x128x512xf32>
    %get3A_99 = vector.shape_cast %get3A_98 : vector<1x1x128x512xf32> to vector<128x512xf32>
    %gt3A_100 = arith.cmpf ogt, %get3A_99, %select_n3A_84 : vector<128x512xf32>
    %select_n3A_101 = arith.select %gt3A_100, %get3A_99, %select_n3A_84 : vector<128x512xi1>, vector<128x512xf32>
    %get3A_102 = arith.constant 6 : index
    %get3A_103 = arith.constant 0 : index
    %get3A_104 = memref.load %arg2[%get3A_102, %get3A_103] : memref<19x2xf32, #tpu.memory_space<smem>>
    %get3A_105 = arith.constant 6 : index
    %get3A_106 = arith.constant 1 : index
    %get3A_107 = memref.load %arg2[%get3A_105, %get3A_106] : memref<19x2xf32, #tpu.memory_space<smem>>
    %sub3A_108 = arith.subf %get3A_104, %get3A_107 : f32
    %broadcast_in_dim3A_109 = vector.broadcast %sub3A_108 : f32 to vector<128x512xf32>
    %select_n3A_110 = arith.select %gt3A_100, %broadcast_in_dim3A_109, %select_n3A_93 : vector<128x512xi1>, vector<128x512xf32>
    %get3A_111 = arith.constant 0 : index
    %get3A_112 = arith.constant 7 : index
    %get3A_113 = arith.constant 0 : index
    %get3A_114 = arith.constant 0 : index
    %get3A_115 = vector.load %arg3[%get3A_111, %get3A_112, %get3A_113, %get3A_114] : memref<1x19x128x512xf32, #tpu.memory_space<vmem>>, vector<1x1x128x512xf32>
    %get3A_116 = vector.shape_cast %get3A_115 : vector<1x1x128x512xf32> to vector<128x512xf32>
    %gt3A_117 = arith.cmpf ogt, %get3A_116, %select_n3A_101 : vector<128x512xf32>
    %select_n3A_118 = arith.select %gt3A_117, %get3A_116, %select_n3A_101 : vector<128x512xi1>, vector<128x512xf32>
    %get3A_119 = arith.constant 7 : index
    %get3A_120 = arith.constant 0 : index
    %get3A_121 = memref.load %arg2[%get3A_119, %get3A_120] : memref<19x2xf32, #tpu.memory_space<smem>>
    %get3A_122 = arith.constant 7 : index
    %get3A_123 = arith.constant 1 : index
    %get3A_124 = memref.load %arg2[%get3A_122, %get3A_123] : memref<19x2xf32, #tpu.memory_space<smem>>
    %sub3A_125 = arith.subf %get3A_121, %get3A_124 : f32
    %broadcast_in_dim3A_126 = vector.broadcast %sub3A_125 : f32 to vector<128x512xf32>
    %select_n3A_127 = arith.select %gt3A_117, %broadcast_in_dim3A_126, %select_n3A_110 : vector<128x512xi1>, vector<128x512xf32>
    %get3A_128 = arith.constant 0 : index
    %get3A_129 = arith.constant 8 : index
    %get3A_130 = arith.constant 0 : index
    %get3A_131 = arith.constant 0 : index
    %get3A_132 = vector.load %arg3[%get3A_128, %get3A_129, %get3A_130, %get3A_131] : memref<1x19x128x512xf32, #tpu.memory_space<vmem>>, vector<1x1x128x512xf32>
    %get3A_133 = vector.shape_cast %get3A_132 : vector<1x1x128x512xf32> to vector<128x512xf32>
    %gt3A_134 = arith.cmpf ogt, %get3A_133, %select_n3A_118 : vector<128x512xf32>
    %select_n3A_135 = arith.select %gt3A_134, %get3A_133, %select_n3A_118 : vector<128x512xi1>, vector<128x512xf32>
    %get3A_136 = arith.constant 8 : index
    %get3A_137 = arith.constant 0 : index
    %get3A_138 = memref.load %arg2[%get3A_136, %get3A_137] : memref<19x2xf32, #tpu.memory_space<smem>>
    %get3A_139 = arith.constant 8 : index
    %get3A_140 = arith.constant 1 : index
    %get3A_141 = memref.load %arg2[%get3A_139, %get3A_140] : memref<19x2xf32, #tpu.memory_space<smem>>
    %sub3A_142 = arith.subf %get3A_138, %get3A_141 : f32
    %broadcast_in_dim3A_143 = vector.broadcast %sub3A_142 : f32 to vector<128x512xf32>
    %select_n3A_144 = arith.select %gt3A_134, %broadcast_in_dim3A_143, %select_n3A_127 : vector<128x512xi1>, vector<128x512xf32>
    %get3A_145 = arith.constant 0 : index
    %get3A_146 = arith.constant 9 : index
    %get3A_147 = arith.constant 0 : index
    %get3A_148 = arith.constant 0 : index
    %get3A_149 = vector.load %arg3[%get3A_145, %get3A_146, %get3A_147, %get3A_148] : memref<1x19x128x512xf32, #tpu.memory_space<vmem>>, vector<1x1x128x512xf32>
    %get3A_150 = vector.shape_cast %get3A_149 : vector<1x1x128x512xf32> to vector<128x512xf32>
    %gt3A_151 = arith.cmpf ogt, %get3A_150, %select_n3A_135 : vector<128x512xf32>
    %select_n3A_152 = arith.select %gt3A_151, %get3A_150, %select_n3A_135 : vector<128x512xi1>, vector<128x512xf32>
    %get3A_153 = arith.constant 9 : index
    %get3A_154 = arith.constant 0 : index
    %get3A_155 = memref.load %arg2[%get3A_153, %get3A_154] : memref<19x2xf32, #tpu.memory_space<smem>>
    %get3A_156 = arith.constant 9 : index
    %get3A_157 = arith.constant 1 : index
    %get3A_158 = memref.load %arg2[%get3A_156, %get3A_157] : memref<19x2xf32, #tpu.memory_space<smem>>
    %sub3A_159 = arith.subf %get3A_155, %get3A_158 : f32
    %broadcast_in_dim3A_160 = vector.broadcast %sub3A_159 : f32 to vector<128x512xf32>
    %select_n3A_161 = arith.select %gt3A_151, %broadcast_in_dim3A_160, %select_n3A_144 : vector<128x512xi1>, vector<128x512xf32>
    %get3A_162 = arith.constant 0 : index
    %get3A_163 = arith.constant 10 : index
    %get3A_164 = arith.constant 0 : index
    %get3A_165 = arith.constant 0 : index
    %get3A_166 = vector.load %arg3[%get3A_162, %get3A_163, %get3A_164, %get3A_165] : memref<1x19x128x512xf32, #tpu.memory_space<vmem>>, vector<1x1x128x512xf32>
    %get3A_167 = vector.shape_cast %get3A_166 : vector<1x1x128x512xf32> to vector<128x512xf32>
    %gt3A_168 = arith.cmpf ogt, %get3A_167, %select_n3A_152 : vector<128x512xf32>
    %select_n3A_169 = arith.select %gt3A_168, %get3A_167, %select_n3A_152 : vector<128x512xi1>, vector<128x512xf32>
    %get3A_170 = arith.constant 10 : index
    %get3A_171 = arith.constant 0 : index
    %get3A_172 = memref.load %arg2[%get3A_170, %get3A_171] : memref<19x2xf32, #tpu.memory_space<smem>>
    %get3A_173 = arith.constant 10 : index
    %get3A_174 = arith.constant 1 : index
    %get3A_175 = memref.load %arg2[%get3A_173, %get3A_174] : memref<19x2xf32, #tpu.memory_space<smem>>
    %sub3A_176 = arith.subf %get3A_172, %get3A_175 : f32
    %broadcast_in_dim3A_177 = vector.broadcast %sub3A_176 : f32 to vector<128x512xf32>
    %select_n3A_178 = arith.select %gt3A_168, %broadcast_in_dim3A_177, %select_n3A_161 : vector<128x512xi1>, vector<128x512xf32>
    %get3A_179 = arith.constant 0 : index
    %get3A_180 = arith.constant 11 : index
    %get3A_181 = arith.constant 0 : index
    %get3A_182 = arith.constant 0 : index
    %get3A_183 = vector.load %arg3[%get3A_179, %get3A_180, %get3A_181, %get3A_182] : memref<1x19x128x512xf32, #tpu.memory_space<vmem>>, vector<1x1x128x512xf32>
    %get3A_184 = vector.shape_cast %get3A_183 : vector<1x1x128x512xf32> to vector<128x512xf32>
    %gt3A_185 = arith.cmpf ogt, %get3A_184, %select_n3A_169 : vector<128x512xf32>
    %select_n3A_186 = arith.select %gt3A_185, %get3A_184, %select_n3A_169 : vector<128x512xi1>, vector<128x512xf32>
    %get3A_187 = arith.constant 11 : index
    %get3A_188 = arith.constant 0 : index
    %get3A_189 = memref.load %arg2[%get3A_187, %get3A_188] : memref<19x2xf32, #tpu.memory_space<smem>>
    %get3A_190 = arith.constant 11 : index
    %get3A_191 = arith.constant 1 : index
    %get3A_192 = memref.load %arg2[%get3A_190, %get3A_191] : memref<19x2xf32, #tpu.memory_space<smem>>
    %sub3A_193 = arith.subf %get3A_189, %get3A_192 : f32
    %broadcast_in_dim3A_194 = vector.broadcast %sub3A_193 : f32 to vector<128x512xf32>
    %select_n3A_195 = arith.select %gt3A_185, %broadcast_in_dim3A_194, %select_n3A_178 : vector<128x512xi1>, vector<128x512xf32>
    %get3A_196 = arith.constant 0 : index
    %get3A_197 = arith.constant 12 : index
    %get3A_198 = arith.constant 0 : index
    %get3A_199 = arith.constant 0 : index
    %get3A_200 = vector.load %arg3[%get3A_196, %get3A_197, %get3A_198, %get3A_199] : memref<1x19x128x512xf32, #tpu.memory_space<vmem>>, vector<1x1x128x512xf32>
    %get3A_201 = vector.shape_cast %get3A_200 : vector<1x1x128x512xf32> to vector<128x512xf32>
    %gt3A_202 = arith.cmpf ogt, %get3A_201, %select_n3A_186 : vector<128x512xf32>
    %select_n3A_203 = arith.select %gt3A_202, %get3A_201, %select_n3A_186 : vector<128x512xi1>, vector<128x512xf32>
    %get3A_204 = arith.constant 12 : index
    %get3A_205 = arith.constant 0 : index
    %get3A_206 = memref.load %arg2[%get3A_204, %get3A_205] : memref<19x2xf32, #tpu.memory_space<smem>>
    %get3A_207 = arith.constant 12 : index
    %get3A_208 = arith.constant 1 : index
    %get3A_209 = memref.load %arg2[%get3A_207, %get3A_208] : memref<19x2xf32, #tpu.memory_space<smem>>
    %sub3A_210 = arith.subf %get3A_206, %get3A_209 : f32
    %broadcast_in_dim3A_211 = vector.broadcast %sub3A_210 : f32 to vector<128x512xf32>
    %select_n3A_212 = arith.select %gt3A_202, %broadcast_in_dim3A_211, %select_n3A_195 : vector<128x512xi1>, vector<128x512xf32>
    %get3A_213 = arith.constant 0 : index
    %get3A_214 = arith.constant 13 : index
    %get3A_215 = arith.constant 0 : index
    %get3A_216 = arith.constant 0 : index
    %get3A_217 = vector.load %arg3[%get3A_213, %get3A_214, %get3A_215, %get3A_216] : memref<1x19x128x512xf32, #tpu.memory_space<vmem>>, vector<1x1x128x512xf32>
    %get3A_218 = vector.shape_cast %get3A_217 : vector<1x1x128x512xf32> to vector<128x512xf32>
    %gt3A_219 = arith.cmpf ogt, %get3A_218, %select_n3A_203 : vector<128x512xf32>
    %select_n3A_220 = arith.select %gt3A_219, %get3A_218, %select_n3A_203 : vector<128x512xi1>, vector<128x512xf32>
    %get3A_221 = arith.constant 13 : index
    %get3A_222 = arith.constant 0 : index
    %get3A_223 = memref.load %arg2[%get3A_221, %get3A_222] : memref<19x2xf32, #tpu.memory_space<smem>>
    %get3A_224 = arith.constant 13 : index
    %get3A_225 = arith.constant 1 : index
    %get3A_226 = memref.load %arg2[%get3A_224, %get3A_225] : memref<19x2xf32, #tpu.memory_space<smem>>
    %sub3A_227 = arith.subf %get3A_223, %get3A_226 : f32
    %broadcast_in_dim3A_228 = vector.broadcast %sub3A_227 : f32 to vector<128x512xf32>
    %select_n3A_229 = arith.select %gt3A_219, %broadcast_in_dim3A_228, %select_n3A_212 : vector<128x512xi1>, vector<128x512xf32>
    %get3A_230 = arith.constant 0 : index
    %get3A_231 = arith.constant 14 : index
    %get3A_232 = arith.constant 0 : index
    %get3A_233 = arith.constant 0 : index
    %get3A_234 = vector.load %arg3[%get3A_230, %get3A_231, %get3A_232, %get3A_233] : memref<1x19x128x512xf32, #tpu.memory_space<vmem>>, vector<1x1x128x512xf32>
    %get3A_235 = vector.shape_cast %get3A_234 : vector<1x1x128x512xf32> to vector<128x512xf32>
    %gt3A_236 = arith.cmpf ogt, %get3A_235, %select_n3A_220 : vector<128x512xf32>
    %select_n3A_237 = arith.select %gt3A_236, %get3A_235, %select_n3A_220 : vector<128x512xi1>, vector<128x512xf32>
    %get3A_238 = arith.constant 14 : index
    %get3A_239 = arith.constant 0 : index
    %get3A_240 = memref.load %arg2[%get3A_238, %get3A_239] : memref<19x2xf32, #tpu.memory_space<smem>>
    %get3A_241 = arith.constant 14 : index
    %get3A_242 = arith.constant 1 : index
    %get3A_243 = memref.load %arg2[%get3A_241, %get3A_242] : memref<19x2xf32, #tpu.memory_space<smem>>
    %sub3A_244 = arith.subf %get3A_240, %get3A_243 : f32
    %broadcast_in_dim3A_245 = vector.broadcast %sub3A_244 : f32 to vector<128x512xf32>
    %select_n3A_246 = arith.select %gt3A_236, %broadcast_in_dim3A_245, %select_n3A_229 : vector<128x512xi1>, vector<128x512xf32>
    %get3A_247 = arith.constant 0 : index
    %get3A_248 = arith.constant 15 : index
    %get3A_249 = arith.constant 0 : index
    %get3A_250 = arith.constant 0 : index
    %get3A_251 = vector.load %arg3[%get3A_247, %get3A_248, %get3A_249, %get3A_250] : memref<1x19x128x512xf32, #tpu.memory_space<vmem>>, vector<1x1x128x512xf32>
    %get3A_252 = vector.shape_cast %get3A_251 : vector<1x1x128x512xf32> to vector<128x512xf32>
    %gt3A_253 = arith.cmpf ogt, %get3A_252, %select_n3A_237 : vector<128x512xf32>
    %select_n3A_254 = arith.select %gt3A_253, %get3A_252, %select_n3A_237 : vector<128x512xi1>, vector<128x512xf32>
    %get3A_255 = arith.constant 15 : index
    %get3A_256 = arith.constant 0 : index
    %get3A_257 = memref.load %arg2[%get3A_255, %get3A_256] : memref<19x2xf32, #tpu.memory_space<smem>>
    %get3A_258 = arith.constant 15 : index
    %get3A_259 = arith.constant 1 : index
    %get3A_260 = memref.load %arg2[%get3A_258, %get3A_259] : memref<19x2xf32, #tpu.memory_space<smem>>
    %sub3A_261 = arith.subf %get3A_257, %get3A_260 : f32
    %broadcast_in_dim3A_262 = vector.broadcast %sub3A_261 : f32 to vector<128x512xf32>
    %select_n3A_263 = arith.select %gt3A_253, %broadcast_in_dim3A_262, %select_n3A_246 : vector<128x512xi1>, vector<128x512xf32>
    %get3A_264 = arith.constant 0 : index
    %get3A_265 = arith.constant 16 : index
    %get3A_266 = arith.constant 0 : index
    %get3A_267 = arith.constant 0 : index
    %get3A_268 = vector.load %arg3[%get3A_264, %get3A_265, %get3A_266, %get3A_267] : memref<1x19x128x512xf32, #tpu.memory_space<vmem>>, vector<1x1x128x512xf32>
    %get3A_269 = vector.shape_cast %get3A_268 : vector<1x1x128x512xf32> to vector<128x512xf32>
    %gt3A_270 = arith.cmpf ogt, %get3A_269, %select_n3A_254 : vector<128x512xf32>
    %select_n3A_271 = arith.select %gt3A_270, %get3A_269, %select_n3A_254 : vector<128x512xi1>, vector<128x512xf32>
    %get3A_272 = arith.constant 16 : index
    %get3A_273 = arith.constant 0 : index
    %get3A_274 = memref.load %arg2[%get3A_272, %get3A_273] : memref<19x2xf32, #tpu.memory_space<smem>>
    %get3A_275 = arith.constant 16 : index
    %get3A_276 = arith.constant 1 : index
    %get3A_277 = memref.load %arg2[%get3A_275, %get3A_276] : memref<19x2xf32, #tpu.memory_space<smem>>
    %sub3A_278 = arith.subf %get3A_274, %get3A_277 : f32
    %broadcast_in_dim3A_279 = vector.broadcast %sub3A_278 : f32 to vector<128x512xf32>
    %select_n3A_280 = arith.select %gt3A_270, %broadcast_in_dim3A_279, %select_n3A_263 : vector<128x512xi1>, vector<128x512xf32>
    %get3A_281 = arith.constant 0 : index
    %get3A_282 = arith.constant 17 : index
    %get3A_283 = arith.constant 0 : index
    %get3A_284 = arith.constant 0 : index
    %get3A_285 = vector.load %arg3[%get3A_281, %get3A_282, %get3A_283, %get3A_284] : memref<1x19x128x512xf32, #tpu.memory_space<vmem>>, vector<1x1x128x512xf32>
    %get3A_286 = vector.shape_cast %get3A_285 : vector<1x1x128x512xf32> to vector<128x512xf32>
    %gt3A_287 = arith.cmpf ogt, %get3A_286, %select_n3A_271 : vector<128x512xf32>
    %select_n3A_288 = arith.select %gt3A_287, %get3A_286, %select_n3A_271 : vector<128x512xi1>, vector<128x512xf32>
    %get3A_289 = arith.constant 17 : index
    %get3A_290 = arith.constant 0 : index
    %get3A_291 = memref.load %arg2[%get3A_289, %get3A_290] : memref<19x2xf32, #tpu.memory_space<smem>>
    %get3A_292 = arith.constant 17 : index
    %get3A_293 = arith.constant 1 : index
    %get3A_294 = memref.load %arg2[%get3A_292, %get3A_293] : memref<19x2xf32, #tpu.memory_space<smem>>
    %sub3A_295 = arith.subf %get3A_291, %get3A_294 : f32
    %broadcast_in_dim3A_296 = vector.broadcast %sub3A_295 : f32 to vector<128x512xf32>
    %select_n3A_297 = arith.select %gt3A_287, %broadcast_in_dim3A_296, %select_n3A_280 : vector<128x512xi1>, vector<128x512xf32>
    %get3A_298 = arith.constant 0 : index
    %get3A_299 = arith.constant 18 : index
    %get3A_300 = arith.constant 0 : index
    %get3A_301 = arith.constant 0 : index
    %get3A_302 = vector.load %arg3[%get3A_298, %get3A_299, %get3A_300, %get3A_301] : memref<1x19x128x512xf32, #tpu.memory_space<vmem>>, vector<1x1x128x512xf32>
    %get3A_303 = vector.shape_cast %get3A_302 : vector<1x1x128x512xf32> to vector<128x512xf32>
    %gt3A_304 = arith.cmpf ogt, %get3A_303, %select_n3A_288 : vector<128x512xf32>
    %get3A_305 = arith.constant 18 : index
    %get3A_306 = arith.constant 0 : index
    %get3A_307 = memref.load %arg2[%get3A_305, %get3A_306] : memref<19x2xf32, #tpu.memory_space<smem>>
    %get3A_308 = arith.constant 18 : index
    %get3A_309 = arith.constant 1 : index
    %get3A_310 = memref.load %arg2[%get3A_308, %get3A_309] : memref<19x2xf32, #tpu.memory_space<smem>>
    %sub3A_311 = arith.subf %get3A_307, %get3A_310 : f32
    %broadcast_in_dim3A_312 = vector.broadcast %sub3A_311 : f32 to vector<128x512xf32>
    %select_n3A_313 = arith.select %gt3A_304, %broadcast_in_dim3A_312, %select_n3A_297 : vector<128x512xi1>, vector<128x512xf32>
    %neg3A = arith.constant 0.000000e+00 : f32
    %neg3A_314 = vector.broadcast %neg3A : f32 to vector<128x512xf32>
    %neg3A_315 = arith.subf %neg3A_314, %select_n3A_313 : vector<128x512xf32>
    %exp3A = math.exp %neg3A_315 : vector<128x512xf32>
    %add3A = arith.constant 1.000000e+00 : f32
    %add3A_316 = vector.broadcast %add3A : f32 to vector<128x512xf32>
    %add3A_317 = arith.addf %add3A_316, %exp3A : vector<128x512xf32>
    %div3A = arith.constant 1.000000e+00 : f32
    %div3A_318 = vector.broadcast %div3A : f32 to vector<128x512xf32>
    %div3A_319 = arith.divf %div3A_318, %add3A_317 : vector<128x512xf32>
    %swap3A = arith.constant 0 : index
    %swap3A_320 = arith.constant 0 : index
    %swap3A_321 = arith.constant 0 : index
    %swap3A_322 = arith.constant 0 : index
    %swap3A_323 = vector.load %arg4[%swap3A, %swap3A_320, %swap3A_321, %swap3A_322] : memref<1x1x128x512xf32, #tpu.memory_space<vmem>>, vector<1x1x128x512xf32>
    %swap3A_324 = vector.shape_cast %swap3A_323 : vector<1x1x128x512xf32> to vector<128x512xf32>
    %swap3A_325 = vector.shape_cast %div3A_319 : vector<128x512xf32> to vector<1x1x128x512xf32>
    tpu.vector_store %arg4[%swap3A, %swap3A_320, %swap3A_321, %swap3A_322], %swap3A_325 {strides = array<i32>} : memref<1x1x128x512xf32, #tpu.memory_space<vmem>>, vector<1x1x128x512xf32>,
    %exp3A_326 = math.exp %select_n3A_313 : vector<128x512xf32>
    %add3A_327 = arith.constant 1.000000e+00 : f32
    %add3A_328 = vector.broadcast %add3A_327 : f32 to vector<128x512xf32>
    %add3A_329 = arith.addf %add3A_328, %exp3A_326 : vector<128x512xf32>
    %div3A_330 = arith.constant 1.000000e+00 : f32
    %div3A_331 = vector.broadcast %div3A_330 : f32 to vector<128x512xf32>
    %div3A_332 = arith.divf %div3A_331, %add3A_329 : vector<128x512xf32>
    %swap3A_333 = arith.constant 0 : index
    %swap3A_334 = arith.constant 0 : index
    %swap3A_335 = arith.constant 0 : index
    %swap3A_336 = arith.constant 0 : index
    %swap3A_337 = vector.load %arg5[%swap3A_333, %swap3A_334, %swap3A_335, %swap3A_336] : memref<1x1x128x512xf32, #tpu.memory_space<vmem>>, vector<1x1x128x512xf32>
    %swap3A_338 = vector.shape_cast %swap3A_337 : vector<1x1x128x512xf32> to vector<128x512xf32>
    %swap3A_339 = vector.shape_cast %div3A_332 : vector<128x512xf32> to vector<1x1x128x512xf32>
    tpu.vector_store %arg5[%swap3A_333, %swap3A_334, %swap3A_335, %swap3A_336], %swap3A_339 {strides = array<i32>} : memref<1x1x128x512xf32, #tpu.memory_space<vmem>>, vector<1x1x128x512xf32>,
    return
  }
  func.func @transform_0(%arg0: i32, %arg1: i32) -> (i32, i32) {
    %c0_i32 = arith.constant 0 : i32
    %c0_i32_0 = arith.constant 0 : i32
    %c0_i32_1 = arith.constant 0 : i32
    return %c0_i32, %c0_i32_0 : i32, i32
  }
  func.func @transform_1(%arg0: i32, %arg1: i32) -> (i32, i32, i32, i32) {
    %add3A = arith.constant 4 : i32
    %add3A_0 = arith.addi %add3A, %arg0 : i32
    %c0_i32 = arith.constant 0 : i32
    %c0_i32_1 = arith.constant 0 : i32
    %c0_i32_2 = arith.constant 0 : i32
    return %add3A_0, %c0_i32, %arg1, %c0_i32_1 : i32, i32, i32, i32
  }
  func.func @transform_2(%arg0: i32, %arg1: i32) -> (i32, i32, i32, i32) {
    %c0_i32 = arith.constant 0 : i32
    %c0_i32_0 = arith.constant 0 : i32
    %c0_i32_1 = arith.constant 0 : i32
    return %arg0, %c0_i32, %arg1, %c0_i32_0 : i32, i32, i32, i32
  }
  func.func @transform_3(%arg0: i32, %arg1: i32) -> (i32, i32, i32, i32) {
    %c0_i32 = arith.constant 0 : i32
    %c0_i32_0 = arith.constant 0 : i32
    %c0_i32_1 = arith.constant 0 : i32
    return %arg0, %c0_i32, %arg1, %c0_i32_0 : i32, i32, i32, i32
  }
}

</mosaic_0001>

<sc_bundles>
// kernel: attention_affine_sc.3.cloned.1.call-start
scs
__scs_entry_jumppad:
0x0: {  	(pc) =	sbr.rel $0x88, $3  }
0x1: {  	(tag) =	ssettag $0x0;
	lr =	simm.s32 $0x1  }
0x2: {  	[smem:$0x3F9F] =	sst lr;
	_ =	strace $0xD0000000  }
0x3: {  	_ = 	snop  }
0x4: {  	_ = 	snop  }
0x5: {  	_ = 	snop  }
0x6: {  	_ = 	snop  }
0x7: {  	_ = 	snop  }
__scs_overlays_trampoline_lowered:
0x8: {  	[smem:$0x3FAE] =	sst s0  }
0x9: {  	[smem:$0x3FAF] =	sst s1  }
0xa: {  	[smem:$0x3FB0] =	sst s2  }
0xb: {  	[smem:$0x3FB1] =	sst s3  }
0xc: {  	[smem:$0x3FB2] =	sst s4  }
0xd: {  	[smem:$0x3FB3] =	sst s5  }
0xe: {  	[smem:$0x3FB4] =	sst s6  }
0xf: {  	[smem:$0x3FB5] =	sst s7  }
0x10: {  	[smem:$0x3FB6] =	sst s8  }
0x11: {  	[smem:$0x3FB7] =	sst s9;
	s0 =	simm.s32 @!p0 $0x0  }
0x12: {  	s1 =	sld [smem:$0x3F9D];
	s0 =	simm.s32 @p0 $0x1  }
0x13: {  	[smem:$0x3FB8] =	sst s0;
	s0 =	simm.s32 @!p1 $0x0  }
0x14: {  	s2 =	sld [smem:$0x3F9C];
	s0 =	simm.s32 @p1 $0x1  }
0x15: {  	[smem:$0x3FB9] =	sst s0;
	s0 =	simm.s32 @!p2 $0x0  }
0x16: {  	s3 =	sld [smem:$0x3FDB];
	s0 =	simm.s32 @p2 $0x1  }
0x17: {  	s4 =	simm.s32 $0x1BF5;
	[smem:$0x3FBB] =	sst s0  }
0x18: {  	s0 =	sld [smem:$0x3F9E];
	_ =	swait.ge [sflag:s4], $0x0  }
0x19: {  	s7 =	sld [smem:$0x3F9F]  }
0x1a: {  	s8 =	sadd.s32 $0xFFFFE003, lr  }
0x1b: {  	s9 =	sadd.s32 $0xFFFFFEF7, lr;
	s5 =	simm.s32 $0xFFFFFFFF;
	p2 =	slt.u32 s8, $0xFFFFF086  }
0x1c: {  	p1 =	slt.u32 s9, $0xF7A;
	s5 =	simm.s32 @!p2 $0x0  }
0x1d: {  	s5 =	simm.s32 @p1 $0x1;
	p0 =	seq.s32 s7, s2  }
0x1e: {  	s7 =	smul.u32 @!p0 $0xF7A, s2;
	p2 =	seq.s32 @!p0 s5, $0x0  }
0x1f: {  	s9 =	smul.u32 $0xF7A, s1;
	s8 =	simm.s32 @!p0 $0x1BF5;
	p2 =	por !p2, p0  }
0x20: {  	[sflag:s8] =	ssyncset.s32 @!p0 $0xFFFFF086;
	s6 =	sadd.s32 @!p0 s3, s7;
	s7 =	simm.s32 @!p0 $0x108  }
0x21: {  	s3 =	sadd.s32 s3, s9;
	s6 =	sadd.s32 @!p0 $0x88, s6;
	s7 =	simm.s32 @p2 $0x1082  }
0x22: {  	[simem:s7], [sflag:s8] =	dma.local @!p0 [hbm:s6], $0xF7A  }
0x23: {  	s9 =	sor.u32 $0xD0000000, s2;
	s6 =	simm.s32 $0x108;
	_ =	swait.ge @!p0 [sflag:s8], $0x0  }
0x24: {  	s3 =	sadd.s32 $0x88, s3;
	s6 =	simm.s32 @!p1 $0x1082;
	[sflag:s4] =	ssyncset.s32 $0xFFFFF086  }
0x25: {  	[simem:s6], [sflag:s4] =	dma.local [hbm:s3], $0xF7A  }
0x26: {  	[smem:$0x3F9F] =	sst s1;
	(tag) =	ssettag s2;
	_ =	strace s9  }
0x27: {  	s1 =	sld [smem:$0x3FAF]  }
0x28: {  	s2 =	sld [smem:$0x3FB0]  }
0x29: {  	s4 =	sld [smem:$0x3FB2]  }
0x2a: {  	p0 =	seq.s32 s5, $0x0;
	s5 =	sld [smem:$0x3FB3]  }
0x2b: {  	s6 =	sld [smem:$0x3FB4]  }
0x2c: {  	s7 =	sld [smem:$0x3FB5]  }
0x2d: {  	s3 =	simm.s32 $0x108;
	s8 =	sld [smem:$0x3FB6]  }
0x2e: {  	s3 =	simm.s32 @!p0 $0x1082;
	s9 =	sld [smem:$0x3FB7]  }
0x2f: {  	lr =	sadd.s32 s0, s3;
	s0 =	sld [smem:$0x3FAE]  }
0x30: {  	s3 =	sld [smem:$0x3FB1]  }
0x31: {  	[smem:$0x3FBA] =	sst s10  }
0x32: {  	s10 =	sld [smem:$0x3FB8];
	_ =	sdelay $0x3  }
0x33: {  	p0 =	seq.s32 s10, $0x1;
	s10 =	sld [smem:$0x3FBA];
	_ =	sdelay $0x3  }
0x34: {  	[smem:$0x3FBA] =	sst s10  }
0x35: {  	s10 =	sld [smem:$0x3FB9];
	_ =	sdelay $0x3  }
0x36: {  	p1 =	seq.s32 s10, $0x1;
	s10 =	sld [smem:$0x3FBA];
	_ =	sdelay $0x3  }
0x37: {  	[smem:$0x3FBA] =	sst s10  }
0x38: {  	s10 =	sld [smem:$0x3FBB]  }
0x39: {  	_ = 	snop;
	(pc) =	sbr.ind lr, $3  }
0x3a: {  	_ = 	snop  }
0x3b: {  	_ = 	snop  }
0x3c: {  	p2 =	seq.s32 s10, $0x1;
	s10 =	sld [smem:$0x3FBA]  }
0x3d: {  	_ =	shalt  }
0x3e: {  	_ =	shalt  }
0x3f: {  	_ =	shalt  }
0x40: {  	_ =	shalt  }
0x41: {  	_ =	shalt  }
0x42: {  	_ =	shalt  }
0x43: {  	_ =	shalt  }
0x44: {  	_ =	shalt  }
0x45: {  	_ =	shalt  }
0x46: {  	_ =	shalt  }
0x47: {  	_ =	shalt  }
0x48: {  	_ =	shalt  }
0x49: {  	_ =	shalt  }
0x4a: {  	_ =	shalt  }
0x4b: {  	_ =	shalt  }
0x4c: {  	_ =	shalt  }
0x4d: {  	_ =	shalt  }
0x4e: {  	_ =	shalt  }
0x4f: {  	_ =	shalt  }
0x50: {  	_ =	shalt  }
0x51: {  	_ =	shalt  }
0x52: {  	_ =	shalt  }
0x53: {  	_ =	shalt  }
0x54: {  	_ =	shalt  }
0x55: {  	_ =	shalt  }
0x56: {  	_ =	shalt  }
0x57: {  	_ =	shalt  }
0x58: {  	_ =	shalt  }
0x59: {  	_ =	shalt  }
0x5a: {  	_ =	shalt  }
0x5b: {  	_ =	shalt  }
0x5c: {  	_ =	shalt  }
0x5d: {  	_ =	shalt  }
0x5e: {  	_ =	shalt  }
0x5f: {  	_ =	shalt  }
0x60: {  	_ =	shalt  }
0x61: {  	_ =	shalt  }
0x62: {  	_ =	shalt  }
0x63: {  	_ =	shalt  }
0x64: {  	_ =	shalt  }
0x65: {  	_ =	shalt  }
0x66: {  	_ =	shalt  }
0x67: {  	_ =	shalt  }
0x68: {  	_ =	shalt  }
0x69: {  	_ =	shalt  }
0x6a: {  	_ =	shalt  }
0x6b: {  	_ =	shalt  }
0x6c: {  	_ =	shalt  }
0x6d: {  	_ =	shalt  }
0x6e: {  	_ =	shalt  }
0x6f: {  	_ =	shalt  }
0x70: {  	_ =	shalt  }
0x71: {  	_ =	shalt  }
0x72: {  	_ =	shalt  }
0x73: {  	_ =	shalt  }
0x74: {  	_ =	shalt  }
0x75: {  	_ =	shalt  }
0x76: {  	_ =	shalt  }
0x77: {  	_ =	shalt  }
0x78: {  	_ =	shalt  }
0x79: {  	_ =	shalt  }
0x7a: {  	_ =	shalt  }
0x7b: {  	_ =	shalt  }
0x7c: {  	_ =	shalt  }
0x7d: {  	_ =	shalt  }
0x7e: {  	_ =	shalt  }
0x7f: {  	_ =	shalt  }
0x80: {  	_ =	shalt  }
0x81: {  	_ =	shalt  }
0x82: {  	_ =	shalt  }
0x83: {  	_ =	shalt  }
0x84: {  	_ =	shalt  }
0x85: {  	_ =	shalt  }
0x86: {  	_ =	shalt  }
0x87: {  	_ =	shalt  }
.Lfunc_end0:
.L_simem_size_0:
called_computation_lowered:
.L_overlay_start_0:
0x88: {  	s2 =	sld [smem:$0x3FD9]  }
0x89: {  	s3 =	sld [smem:$0x3FFE];
	_ =	sdelay $0x1  }
0x8a: {  	s1 =	srdreg.scid  }
0x8b: {  	s0 =	sand.u32 $0x1, s1  }
0x8c: {  	s14 =	sshll.u32 s0, $0xA;
	s2 =	sadd.s32 s3, s2  }
0x8d: {  	s2 =	sadd.s32 s2, s14  }
0x8e: {  	[smem:$0x3FC6] =	sst s2  }
0x8f: {  	_ = 	snop  }
0x90: {  	s2 =	sld [smem:$0x3FD0];
	_ =	sdelay $0x2  }
0x91: {  	s4 =	simm.s32 $0xA;
	s5 =	simm.s32 $0x10;
	s15 =	sld [smem:$0x3FC9]  }
0x92: {  	[smem:s5], [sflag:s4] =	dma.local [hbm:s2], $0x1  }
0x93: {  	_ =	swait.eq [sflag:s4], $0x1  }
0x94: {  	[sflag:s4] =	ssyncset.done $0x0  }
0x95: {  	s16 =	sld [smem:$0x10];
	[sflag:s4] =	ssyncadd.s32 $0xFFFFFFFF  }
0x96: {  	s17 =	sld [smem:$0x11];
	(tm) =	ssettm $0x1  }
0x97: {  	s18 =	sld [smem:$0x3FFB];
	_ =	sdelay $0x3  }
0x98: {  	_ =	strace s18  }
0x99: {  	s5 =	sld [smem:$0x3FFC];
	_ =	sdelay $0x3  }
0x9a: {  	_ =	strace s5  }
0x9b: {  	s5 =	sld [smem:$0x3FFD];
	_ =	sdelay $0x3  }
0x9c: {  	_ =	strace s5  }
0x9d: {  	_ =	strace $0x8FFFFFFF  }
0x9e: {  	s19 =	sld [smem:$0x3FDB];
	_ =	sdelay $0x1  }
0x9f: {  	s6 =	simm.s32 $_scs_section_size  }
0xa0: {  	s7 =	simm.s32 $_size__tile_overlayer_lowered;
	s8 =	simm.s32 $_tile_overlayer_lowered  }
0xa1: {  	s22 =	simm.s32 $0x1BFF;
	s21 =	sshll.u32 s8, $0x1;
	s5 =	sadd.s32 s6, s19  }
0xa2: {  	s9 =	simm.s32 $0x0;
	s20 =	sshll.u32 s7, $0x1;
	s7 =	sadd.s32 s21, s5  }
0xa3: {  	[timem:s9], [sflag:s22] =	dma.local [hbm:s7], s20  }
0xa4: {  	_ =	swait.ge [sflag:s22], s20  }
0xa5: {  	s6 =	ssub.s32 $0x0, s20;
	[sflag:s22] =	ssyncset.done $0x0  }
0xa6: {  	[sflag:s22] =	ssyncadd.s32 s6;
	_ =	sdelay $0x1  }
0xa7: {  	s23 =	simm.s32 $0x1B8B  }
0xa8: {  	_ =	swait.ge [sflag:s23], $0x1  }
0xa9: {  	[sflag:s23] =	ssyncset.done $0x0  }
0xaa: {  	s25 =	simm.s32 $0x1B8E;
	s24 =	sld [smem:$0x3FFE];
	[sflag:s23] =	ssyncadd.s32 $0xFFFFFFFF  }
0xab: {  	s26 =	simm.s32 $execute0_lowered;
	[smem:$0x3FD2] =	sst s25  }
0xac: {  	s7 =	sshll.u32 s26, $0x1;
	_ =	strace $0x80000046;
	[dreg:$0x1] =	wrdreg $0xFFFFFFFF  }
0xad: {  	s28 =	simm.s32 $_size_execute0_lowered;
	s5 =	sadd.s32 s5, s7;
	[dreg:$0x0] =	wrdreg $0x0  }
0xae: {  	s7 =	sshll.u32 s28, $0x1;
	[dreg:$0x2] =	wrdreg s5  }
0xaf: {  	[dreg:$0x3] =	wrdreg s7  }
0xb0: {  	[dreg:$0x4] =	wrdreg $0xC0  }
0xb1: {  	_ =	task [dreg:s9], $0x5FFFF  }
0xb2: {  	[dreg:$0x1] =	wrdreg $0xFFFFFFFF  }
0xb3: {  	[dreg:$0x0] =	wrdreg $0x60  }
0xb4: {  	[dreg:$0x2] =	wrdreg s15  }
0xb5: {  	[dreg:$0x3] =	wrdreg s24  }
0xb6: {  	[dreg:$0x4] =	wrdreg s16  }
0xb7: {  	[dreg:$0x5] =	wrdreg s17  }
0xb8: {  	[dreg:$0x6] =	wrdreg $0x9  }
0xb9: {  	_ =	task.clear_ibuf [dreg:s9], $0x7FFFF;
	_ =	strace $0x90000046  }
0xba: {  	s29 =	simm.s32 $0x9;
	_ =	strace $0x80000048  }
0xbb: {  	_ =	swait.ge [sflag:s29], $0x1  }
0xbc: {  	[sflag:s29] =	ssyncadd.s32 $0xFFFFFFFF  }
0xbd: {  	_ =	strace $0x90000048  }
0xbe: {  	_ =	sfence  }
0xbf: {  	s30 =	sld [smem:$0x0];
	_ =	sdelay $0x2  }
0xc0: {  	s31 =	sshll.u32 s1, $0xD;
	s1 =	sshrl.u32 s1, $0x2  }
0xc1: {  	s3 =	sand.u32 $0x4000, s31;
	s1 =	sadd.s32 s1, s30  }
0xc2: {  	s0 =	sor.u32 s3, s0;
	s1 =	sshll.u32 s1, $0x11  }
0xc3: {  	s0 =	sor.u32 s1, s0  }
0xc4: {  	s0 =	sadd.s32 $0x8F2B, s0  }
0xc5: {  	[sflag:s0] =	ssyncadd.remote.s32 $0x1  }
0xc6: {  	_ =	sfence.sel $0xFFFF  }
0xc7: {  	[dreg:$0x0] =	wrdreg $0xFFFFFFFF;
	(pc) =	sbr.abs _section_cstart, $3  }
0xc8: {  	[dreg:$0x1] =	wrdreg $0xFFFFFFFF  }
0xc9: {  	_ =	task.clear_ibuf [dreg:s9], $0x2FFFF;
	_ =	strace $0x9FFFFFFF  }
0xca: {  	(tm) =	ssettm $0x7FFFFFFF  }
0xcb: {  	_ =	shalt  }
tec
execute0_lowered:
.L_overlay_start_1:
0x0: {  	(tag) =	ssettag $0x1  }
0x1: {  	s5 =	rddreg [dreg:$0x0]  }
0x2: {  	s0 =	rddreg [dreg:$0x1];
	s2 =	simm.s32 $0x0;
	s1 =	srdreg.scid  }
0x3: {  	s7 =	stileid.u32;
	[smem:$0x7FF] =	sst s2;
	s1 =	sand.u32 $0x1, s1  }
0x4: {  	s21 =	sshll.u32 s7, $0x7;
	s22 =	sshrl.u32 s7, $0x2;
	s0 =	sadd.s32 $0xE00, s0  }
0x5: {  	s25 =	sshll.u32 s7, $0xD;
	s28 =	sadd.s32 $0x100, s5;
	_ =	strace $0x80000047  }
0x6: {  	s3 =	sshll.u32 s1, $0x6;
	s1 =	ssub.s32 $0x2, s1;
	[dreg:$0x6] =	wrdreg s0  }
0x7: {  	s8 =	smul.u32 $0x4C0000, s22;
	[dreg:$0x9] =	wrdreg s28;
	s31 =	sshll.u32 s22, $0x12  }
0x8: {  	s2 =	sor.u32 s3, s21;
	s4 =	sshrl.u32 s1, $0x1;
	[dreg:$0xc] =	wrdreg s31  }
0x9: {  	v0 =	vlaneseq.u32;
	s6 =	sshll.u32 s2, $0x9;
	s23 =	ssub.s32 s1, s4;
	[dreg:$0x5] =	wrdreg s8  }
0xa: {  	v1 =	vimm.s32 $0x900;
	vm0 =	vcmask $0x300;
	vm1 =	vcmask $0x704;
	s26 =	sshll.u32 s2, $0x6;
	s4 =	sand.u32 $0x18000, s25;
	s30 =	sor.u32 $0x8, s2  }
0xb: {  	v3 =	vimm.s32 $0x901;
	v4 =	vimm.s32 $0x0;
	v5 =	vimm.s32 $0x2;
	s24 =	sand.u32 $0x38000, s6;
	s6 =	sand.u32 $0x7000, s26;
	[dreg:$0xb] =	wrdreg s30  }
0xc: {  	v6 =	vimm.s32 $0x4;
	v7 =	vimm.s32 $0x7;
	v8 =	vimm.s32 $0x9;
	s0 =	smax.u32 s23, $0x1;
	[dreg:$0x7] =	wrdreg s24;
	s1 =	sor.u32 s8, s24  }
0xd: {  	v9 =	vimm.s32 $0xC;
	v10 =	vimm.s32 $0xE;
	v0 =	vmul.u32 $0x80, v0;
	s29 =	sor.u32 s4, s6;
	[dreg:$0xd] =	wrdreg s0;
	s1 =	sshrl.u32 s1, $0x3  }
0xe: {  	v11 =	vimm.s32 $0x11;
	v2 =	vsel vm0, $0x800, v1;
	v3 =	vsel vm0, $0x801, v3;
	s22 =	simm.s32 $0xC80;
	[dreg:$0xa] =	wrdreg s29;
	s1 =	sadd.s32 s5, s1  }
0xf: {  	v2 =	vsel vm1, $0x880, v2;
	v3 =	vsel vm1, $0x881, v3;
	v1 =	vor.u32 $0x1, v0;
	s21 =	simm.s32 $0xC00;
	s2 =	simm.s32 $0x0;
	[dreg:$0x8] =	wrdreg s1  }
.LBB2_1:
0x10: {  	[dreg:$0xe] =	wrdreg s2  }
0x11: {  	s0 =	simm.s32 $0x0;
	s1 =	rddreg [dreg:$0x6];
	s28 =	simm.s32 $0x7  }
0x12: {  	[tilespmem:s0], [sflag:$0x7] =	stream.linear.gather [hbm4b:s1+s0], $0x980, $0x38;
	[tilespmem:$0x15D00] =	vst v63  }
0x13: {  	_ =	swait.ge [sflag:s28], $0x980  }
0x14: {  	[sflag:s28] =	ssyncset.done $0x0  }
0x15: {  	[sflag:s28] =	ssyncadd.s32 $0xFFFFF680  }
0x16: {  	v12 =	vld.idx.msk [tilespmem:v0+s0+$0x0], $0xffff  }
0x17: {  	v13 =	vld.idx.msk [tilespmem:v1+s0+$0x0], $0xffff;
	_ =	sdelay $0x4  }
0x18: {  	v14 =	vmax.f32 v12, v13  }
0x19: {  	v12 =	vsub.f32 v12, v14  }
0x1a: {  	v13 =	vsub.f32 v13, v14  }
0x1b: {  	v12 =	vmul.f32 $1.442695020e+00, v12  }
0x1c: {  	v13 =	vmul.f32 $1.442695020e+00, v13  }
0x1d: {  	(erf) = vpow2.f32 v12  }
0x1e: {  	(erf) = vpow2.f32 v13;
	_ =	sdelay $0x7  }
0x1f: {  	v12 =	vpop (erf)  }
0x20: {  	v13 =	vpop (erf)  }
0x21: {  	v61 =	vadd.f32 v13, v12;
	_ =	sdelay $0x1  }
0x22: {  	(erf) = vrcp.f32 v61;
	_ =	sdelay $0x8  }
0x23: {  	v14 =	vpop (erf)  }
0x24: {  	v12 =	vmul.f32 v14, v12  }
0x25: {  	v13 =	vmul.f32 v14, v13  }
0x26: {  	[tilespmem:$0xC00] =	vst v12  }
0x27: {  	[tilespmem:$0xC80] =	vst v13  }
0x28: {  	v12 =	vld.idx.msk [tilespmem:v2+s0+$0x0], $0xffff  }
0x29: {  	v13 =	vld.idx.msk [tilespmem:v3+s0+$0x0], $0xffff;
	_ =	sdelay $0x4  }
0x2a: {  	v62 =	vmax.f32 v12, v13  }
0x2b: {  	v12 =	vsub.f32 v12, v62  }
0x2c: {  	v13 =	vsub.f32 v13, v62  }
0x2d: {  	v12 =	vmul.f32 $1.442695020e+00, v12  }
0x2e: {  	v13 =	vmul.f32 $1.442695020e+00, v13  }
0x2f: {  	(erf) = vpow2.f32 v12  }
0x30: {  	(erf) = vpow2.f32 v13;
	_ =	sdelay $0x7  }
0x31: {  	v12 =	vpop (erf)  }
0x32: {  	v13 =	vpop (erf)  }
0x33: {  	v63 =	vadd.f32 v13, v12;
	_ =	sdelay $0x1  }
0x34: {  	(erf) = vrcp.f32 v63;
	_ =	sdelay $0x8  }
0x35: {  	v14 =	vpop (erf)  }
0x36: {  	v12 =	vmul.f32 v14, v12  }
0x37: {  	v13 =	vmul.f32 v14, v13  }
0x38: {  	s30 =	simm.s32 $0x800;
	s31 =	simm.s32 $0x40000;
	[tilespmem:$0xC10] =	vst v12  }
0x39: {  	s3 =	simm.s32 $0xD00;
	s7 =	simm.s32 $0x0;
	s29 =	rddreg [dreg:$0x8];
	[tilespmem:$0xC90] =	vst v13  }
0x3a: {  	[tilespmem:s3], [sflag:$0x1] =	stream.strided.gather [hbm4b:s29+s30], $0x9800, s31, s30, $0x38;
	[tilespmem:$0x15D00] =	vst v63  }
.LBB2_2:
0x3b: {  	s0 =	sshll.u32 s7, $0xC;
	s1 =	rddreg [dreg:$0x7]  }
0x3c: {  	s11 =	rddreg [dreg:$0x5];
	s1 =	sadd.s32 s1, s0  }
0x3d: {  	s12 =	rddreg [dreg:$0x9];
	s13 =	simm.s32 $0x800;
	s0 =	sor.u32 s11, s1  }
0x3e: {  	s2 =	simm.s32 $0x40000;
	s3 =	simm.s32 $0xA500;
	s0 =	sshrl.u32 s0, $0x3  }
0x3f: {  	s14 =	simm.s32 $0x1;
	[dreg:$0xf] =	wrdreg s1;
	s0 =	sadd.s32 s0, s12  }
0x40: {  	[tilespmem:s3], [sflag:$0x2] =	stream.strided.gather [hbm4b:s0+s13], $0x9800, s2, s13, $0x38;
	[tilespmem:$0x15D00] =	vst v63  }
0x41: {  	_ =	swait.ge [sflag:s14], $0x9800  }
0x42: {  	p0 =	seq.s32 s7, $0x0;
	[sflag:s14] =	ssyncset.done $0x0  }
0x43: {  	s0 =	simm.s32 @!p0 $0x3;
	[sflag:s14] =	ssyncadd.s32 $0xFFFF6800  }
0x44: {  	_ =	swait.ge @!p0 [sflag:s0], $0x800  }
0x45: {  	s15 =	simm.s32 $0x0;
	[sflag:s0] =	ssyncset.done @!p0 $0x0  }
0x46: {  	s16 =	sand.u32 $0x400, s15;
	[sflag:s0] =	ssyncadd.s32 @!p0 $0xFFFFF800;
	s0 =	simm.s32 @!p0 $0x5  }
0x47: {  	s1 =	sand.u32 $0x60, s15;
	s2 =	sand.u32 $0x380, s15;
	_ =	swait.ge @!p0 [sflag:s0], $0x800  }
0x48: {  	s15 =	sor.u32 $0x10, s1;
	s2 =	sor.u32 s2, s16;
	[sflag:s0] =	ssyncset.done @!p0 $0x0  }
0x49: {  	s8 =	sadd.s32 $0x1500, s2;
	s31 =	sor.u32 s15, s2;
	[sflag:s0] =	ssyncadd.s32 @!p0 $0xFFFFF800  }
0x4a: {  	s10 =	sadd.s32 $0x1D00, s2;
	s17 =	sor.u32 s15, s8;
	v13 =	vld [tilespmem:s31+$0xD00]  }
0x4b: {  	s11 =	sadd.s32 $0x2500, s2;
	s18 =	sor.u32 s15, s10;
	v14 =	vld [tilespmem:s17+$0x0]  }
0x4c: {  	s12 =	sadd.s32 $0x2D00, s2;
	s19 =	sor.u32 s15, s11;
	v15 =	vld [tilespmem:s18+$0x0]  }
0x4d: {  	s14 =	sadd.s32 $0x3500, s2;
	s20 =	sor.u32 s15, s12;
	v16 =	vld [tilespmem:s19+$0x0]  }
0x4e: {  	s6 =	sadd.s32 $0x5500, s2;
	s23 =	sor.u32 s15, s14;
	v18 =	vld [tilespmem:s20+$0x0]  }
0x4f: {  	s4 =	sadd.s32 $0x5D00, s2;
	s24 =	sor.u32 s15, s6;
	v21 =	vld [tilespmem:s23+$0x0]  }
0x50: {  	s3 =	sadd.s32 $0x8500, s2;
	s16 =	sor.u32 s15, s4;
	v23 =	vld [tilespmem:s24+$0x0]  }
0x51: {  	s28 =	sadd.s32 $0x6D00, s2;
	s26 =	sor.u32 s15, s3;
	v24 =	vld [tilespmem:s16+$0x0]  }
0x52: {  	s30 =	sor.u32 s15, s28;
	v26 =	vld [tilespmem:s26+$0x0]  }
0x53: {  	s8 =	sor.u32 s1, s8;
	v29 =	vld [tilespmem:s30+$0x0]  }
0x54: {  	s10 =	sor.u32 s1, s10;
	v12 =	vld [tilespmem:s8+$0x0]  }
0x55: {  	s11 =	sor.u32 s1, s11;
	v22 =	vld [tilespmem:s10+$0x0]  }
0x56: {  	s12 =	sor.u32 s1, s12;
	v39 =	vld [tilespmem:s11+$0x0]  }
0x57: {  	s6 =	sor.u32 s1, s6;
	v40 =	vld [tilespmem:s12+$0x0]  }
0x58: {  	s4 =	sor.u32 s1, s4;
	s0 =	sadd.s32 $0x7D00, s2;
	v46 =	vld [tilespmem:s6+$0x0]  }
0x59: {  	s25 =	sor.u32 s15, s0;
	v48 =	vld [tilespmem:s4+$0x0]  }
0x5a: {  	s17 =	sadd.s32 $0x4500, s2;
	s16 =	sor.u32 s1, s28;
	v25 =	vld [tilespmem:s25+$0x0]  }
0x5b: {  	s18 =	sadd.s32 $0x4D00, s2;
	s19 =	sor.u32 s15, s17;
	v20 =	vld [tilespmem:s16+$0x0]  }
0x5c: {  	s23 =	sadd.s32 $0x7500, s2;
	s29 =	sor.u32 s15, s18;
	v27 =	vld [tilespmem:s19+$0x0]  }
0x5d: {  	s24 =	sadd.s32 $0x9500, s2;
	s5 =	sor.u32 s15, s23;
	v28 =	vld [tilespmem:s29+$0x0]  }
0x5e: {  	s9 =	sor.u32 s15, s24;
	v30 =	vld [tilespmem:s5+$0x0]  }
0x5f: {  	s17 =	sor.u32 s1, s17;
	v31 =	vld [tilespmem:s9+$0x0]  }
0x60: {  	s20 =	sadd.s32 $0x6500, s2;
	s18 =	sor.u32 s1, s18;
	v17 =	vld [tilespmem:s17+$0x0]  }
0x61: {  	s28 =	sor.u32 s15, s20;
	v19 =	vld [tilespmem:s18+$0x0]  }
0x62: {  	s30 =	sor.u32 s1, s23;
	v34 =	vld [tilespmem:s28+$0x0]  }
0x63: {  	s29 =	sadd.s32 $0x9D00, s2;
	s5 =	sor.u32 s1, s24;
	v36 =	vld [tilespmem:s30+$0x0]  }
0x64: {  	s19 =	sadd.s32 $0x3D00, s2;
	s13 =	sor.u32 s15, s29;
	v37 =	vld [tilespmem:s5+$0x0]  }
0x65: {  	s26 =	sadd.s32 $0x8D00, s2;
	s25 =	sor.u32 s15, s19;
	v32 =	vld [tilespmem:s13+$0x0];
	vm1 =	vgt.f32 v14, v13  }
0x66: {  	s15 =	sor.u32 s15, s26;
	v33 =	vld [tilespmem:s25+$0x0];
	vm2 =	vgt.f32 v16, v15;
	vm3 =	vgt.f32 v21, v18;
	vm4 =	vgt.f32 v24, v23  }
0x67: {  	s9 =	sor.u32 s1, s29;
	v35 =	vld [tilespmem:s15+$0x0];
	vm7 =	vgt.f32 v26, v25;
	v42 =	vsel vm1, $0x1, v4;
	v43 =	vsel vm2, $0x3, v5  }
0x68: {  	v38 =	vld [tilespmem:s9+$0x0];
	s13 =	sor.u32 s1, s14;
	v45 =	vsel vm3, $0x5, v6;
	v13 =	vsel vm1, v14, v13;
	v47 =	vsel vm4, $0xA, v8  }
0x69: {  	s14 =	sor.u32 s1, s19;
	v41 =	vld [tilespmem:s13+$0x0];
	v14 =	vsel vm2, v16, v15;
	v18 =	vsel vm3, v21, v18;
	v21 =	vsel vm4, v24, v23  }
0x6a: {  	v44 =	vld [tilespmem:s14+$0x0];
	s14 =	sor.u32 s1, s2;
	vm5 =	vgt.f32 v28, v27;
	vm6 =	vgt.f32 v30, v29;
	v49 =	vsel vm7, $0xF, v10  }
0x6b: {  	s3 =	sor.u32 s1, s3;
	s0 =	sor.u32 s1, s0;
	s17 =	simm.s32 $0x20;
	v60 =	vld [tilespmem:s14+$0xD00];
	v23 =	vsel vm7, v26, v25;
	vm1 =	vgt.f32 v14, v13;
	vm4 =	vgt.f32 v19, v17  }
0x6c: {  	s18 =	simm.s32 $0x100;
	s15 =	sor.u32 s1, s20;
	s19 =	simm.s32 $0x10;
	v25 =	vld [tilespmem:s0+$0x0];
	v15 =	vsel vm5, v28, v27;
	v16 =	vsel vm5, $0x8, v7;
	v24 =	vsel vm6, v30, v29  }
0x6d: {  	s20 =	sand.u32 $0x400, s18;
	s23 =	sand.u32 $0x380, s19;
	s0 =	sand.u32 $0x60, s17;
	v27 =	vld [tilespmem:s15+$0x0];
	v26 =	vsel vm6, $0xD, v9;
	v30 =	vsel vm1, v43, v42;
	v13 =	vsel vm1, v14, v13  }
0x6e: {  	s16 =	sor.u32 s1, s26;
	s12 =	sor.u32 s23, s20;
	v29 =	vld [tilespmem:s3+$0x0];
	s18 =	sor.u32 $0x10, s0;
	v17 =	vsel vm4, v19, v17;
	vm0 =	vgt.f32 v32, v31;
	vm2 =	vgt.f32 v15, v33  }
0x6f: {  	s2 =	sadd.s32 $0x1500, s12;
	s4 =	sor.u32 s18, s12;
	v28 =	vsel vm0, v32, v31;
	v31 =	vld [tilespmem:s16+$0x0];
	v59 =	vsel vm0, $0x12, v11;
	vm0 =	vgt.f32 v24, v34  }
0x70: {  	s3 =	sadd.s32 $0x1D00, s12;
	s24 =	sor.u32 s18, s2;
	v33 =	vsel vm2, v15, v33;
	v16 =	vnsel vm2, $0x6, v16;
	v14 =	vld [tilespmem:s4+$0xD00];
	vm1 =	vgt.f32 v28, v35  }
0x71: {  	s6 =	sadd.s32 $0x2500, s12;
	s25 =	sor.u32 s18, s3;
	v15 =	vld [tilespmem:s24+$0x0];
	v24 =	vsel vm0, v24, v34;
	v26 =	vnsel vm0, $0xB, v26;
	vm0 =	vgt.f32 v33, v18  }
0x72: {  	s26 =	sor.u32 s18, s6;
	vm6 =	vgt.f32 v38, v37;
	s16 =	sadd.s32 $0x2D00, s12;
	v28 =	vsel vm1, v28, v35;
	v61 =	vsel vm0, v16, v45;
	v16 =	vld [tilespmem:s25+$0x0]  }
0x73: {  	s23 =	sadd.s32 $0x4D00, s12;
	s28 =	sor.u32 s18, s16;
	v32 =	vnsel vm1, $0x10, v59;
	vm1 =	vgt.f32 v24, v21;
	v33 =	vsel vm0, v33, v18;
	v18 =	vld [tilespmem:s26+$0x0]  }
0x74: {  	s17 =	sadd.s32 $0x3500, s12;
	vm5 =	vgt.f32 v17, v44;
	vm3 =	vgt.f32 v41, v40;
	s26 =	sor.u32 s18, s23;
	v24 =	vsel vm1, v24, v21;
	v21 =	vld [tilespmem:s28+$0x0]  }
0x75: {  	s29 =	sor.u32 s18, s17;
	v17 =	vsel vm5, v17, v44;
	vm14 =	vgt.f32 v12, v60;
	s25 =	sadd.s32 $0x6D00, s12;
	vm2 =	vgt.f32 v28, v23;
	v62 =	vld [tilespmem:s26+$0x0]  }
0x76: {  	s8 =	sadd.s32 $0x5500, s12;
	v51 =	vsel vm3, $0x5, v6;
	v12 =	vsel vm14, v12, v60;
	s28 =	sor.u32 s18, s25;
	v28 =	vsel vm2, v28, v23;
	v23 =	vld [tilespmem:s29+$0x0]  }
0x77: {  	s19 =	sadd.s32 $0x4500, s12;
	s30 =	sor.u32 s18, s8;
	vm0 =	vgt.f32 v33, v13;
	v26 =	vsel vm1, v26, v47;
	v63 =	vld [tilespmem:s28+$0x0];
	vm1 =	vgt.f32 v28, v24  }
0x78: {  	s10 =	sadd.s32 $0x5D00, s12;
	s20 =	sor.u32 s18, s19;
	vm7 =	vgt.f32 v29, v25;
	v32 =	vsel vm2, v32, v49;
	v28 =	vsel vm1, v28, v24;
	v24 =	vld [tilespmem:s30+$0x0]  }
0x79: {  	s1 =	sadd.s32 $0x7D00, s12;
	s5 =	sor.u32 s18, s10;
	v13 =	vsel vm0, v33, v13;
	v30 =	vsel vm0, v61, v30;
	v26 =	vsel vm1, v32, v26;
	v32 =	vld [tilespmem:s20+$0x0]  }
0x7a: {  	s15 =	sadd.s32 $0x8500, s12;
	s9 =	sor.u32 s18, s1;
	vm2 =	vgt.f32 v36, v20;
	v25 =	vsel vm7, v29, v25;
	vm0 =	vgt.f32 v28, v13;
	v28 =	vld [tilespmem:s5+$0x0]  }
0x7b: {  	s13 =	sor.u32 s18, s15;
	s29 =	sadd.s32 $0x7500, s12;
	v49 =	vsel vm14, $0x1, v4;
	v19 =	vsel vm2, v36, v20;
	v13 =	vsel vm0, v26, v30;
	v26 =	vld [tilespmem:s9+$0x0]  }
0x7c: {  	v52 =	vsel vm7, $0xF, v10;
	v20 =	vsel vm6, v38, v37;
	vm9 =	vgt.f32 v19, v27;
	s30 =	sadd.s32 $0x9500, s12;
	s5 =	sor.u32 s18, s29;
	v30 =	vld [tilespmem:s13+$0x0]  }
0x7d: {  	vm1 =	vgt.f32 v48, v46;
	v19 =	vsel vm9, v19, v27;
	v27 =	vsel vm3, v41, v40;
	v29 =	vld [tilespmem:s5+$0x0];
	s9 =	sor.u32 s18, s30  }
0x7e: {  	s19 =	sor.u32 s0, s19;
	v47 =	vsel vm2, $0xD, v9;
	v46 =	vsel vm1, v48, v46;
	vm8 =	vgt.f32 v17, v27;
	v36 =	vld [tilespmem:s9+$0x0]  }
0x7f: {  	s23 =	sor.u32 s0, s23;
	s11 =	sor.u32 s0, s25;
	s25 =	sadd.s32 $0x3D00, s12;
	vm13 =	vgt.f32 v20, v31;
	vm10 =	vgt.f32 v19, v46;
	v27 =	vsel vm8, v17, v27;
	v17 =	vld [tilespmem:s19+$0x0]  }
0x80: {  	s26 =	sor.u32 s18, s25;
	v20 =	vsel vm13, v20, v31;
	vm0 =	vgt.f32 v39, v22;
	s13 =	sadd.s32 $0x9D00, s12;
	v35 =	vsel vm10, v19, v46;
	v19 =	vld [tilespmem:s23+$0x0]  }
0x81: {  	v48 =	vsel vm6, $0x12, v11;
	vm11 =	vgt.f32 v20, v25;
	v22 =	vsel vm0, v39, v22;
	s20 =	sor.u32 s18, s13;
	v39 =	vld [tilespmem:s26+$0x0]  }
0x82: {  	v37 =	vnsel vm9, $0xB, v47;
	v38 =	vnsel vm13, $0x10, v48;
	v20 =	vsel vm11, v20, v25;
	s9 =	sor.u32 s0, s30;
	v31 =	vld [tilespmem:s20+$0x0]  }
0x83: {  	v25 =	vsel vm4, $0x8, v7;
	v50 =	vsel vm0, $0x3, v5;
	v38 =	vsel vm11, v38, v52;
	s23 =	sor.u32 s0, s17;
	v54 =	vld [tilespmem:s9+$0x0]  }
0x84: {  	s19 =	sadd.s32 $0x6500, s12;
	vm12 =	vgt.f32 v22, v12;
	vm4 =	vgt.f32 v20, v35;
	v25 =	vnsel vm5, $0x6, v25;
	v60 =	vld [tilespmem:s23+$0x0]  }
0x85: {  	s28 =	sor.u32 s18, s19;
	v12 =	vsel vm12, v22, v12;
	v22 =	vld [tilespmem:s11+$0x0];
	v25 =	vsel vm8, v25, v51;
	v20 =	vsel vm4, v20, v35  }
0x86: {  	s20 =	sor.u32 s0, s16;
	v42 =	vld [tilespmem:s28+$0x0];
	v53 =	vsel vm12, v50, v49;
	vm2 =	vgt.f32 v27, v12;
	vm3 =	vgt.f32 v28, v24  }
0x87: {  	s5 =	sor.u32 s0, s29;
	s29 =	sor.u32 s0, s19;
	v59 =	vld [tilespmem:s20+$0x0];
	v12 =	vsel vm2, v27, v12;
	v27 =	vsel vm1, $0xA, v8;
	vm1 =	vgt.f32 v18, v16  }
0x88: {  	s30 =	sor.u32 s0, s15;
	s11 =	sadd.s32 $0x8D00, s12;
	v49 =	vld [tilespmem:s29+$0x0];
	vm5 =	vgt.f32 v29, v63;
	vm6 =	vgt.f32 v30, v26;
	v24 =	vsel vm3, v28, v24  }
0x89: {  	v50 =	vld [tilespmem:s30+$0x0];
	s18 =	sor.u32 s18, s11;
	v27 =	vsel vm10, v37, v27;
	vm0 =	vgt.f32 v20, v12;
	v12 =	vsel vm2, v25, v53  }
0x8a: {  	s26 =	sor.u32 s0, s8;
	v44 =	vld [tilespmem:s18+$0x0];
	vm2 =	vgt.f32 v23, v21;
	v57 =	vsel vm1, $0x3, v5;
	v16 =	vsel vm1, v18, v16  }
0x8b: {  	v28 =	vld [tilespmem:s26+$0x0];
	v61 =	vsel vm6, $0xF, v10;
	v26 =	vsel vm6, v30, v26;
	v30 =	vsel vm5, $0xD, v9  }
0x8c: {  	s13 =	sor.u32 s0, s13;
	v37 =	vld [tilespmem:s5+$0x0];
	v29 =	vsel vm5, v29, v63;
	vm8 =	vgt.f32 v19, v17;
	v20 =	vsel vm4, v38, v27  }
0x8d: {  	s18 =	sor.u32 s0, s6;
	v25 =	vld [tilespmem:s13+$0x0];
	vm4 =	vgt.f32 v62, v32;
	vm7 =	vgt.f32 v31, v36;
	v58 =	vsel vm2, $0x5, v6  }
0x8e: {  	s28 =	sor.u32 s0, s10;
	v56 =	vld [tilespmem:s18+$0x0];
	v18 =	vsel vm2, v23, v21;
	v12 =	vsel vm0, v20, v12;
	vm0 =	vgt.f32 v15, v14  }
0x8f: {  	s15 =	sor.u32 s0, s12;
	v63 =	vld [tilespmem:s28+$0x0];
	v21 =	vsel vm4, v62, v32;
	v23 =	vsel vm4, $0x8, v7;
	v31 =	vsel vm7, v31, v36  }
0x90: {  	s3 =	sor.u32 s0, s3;
	v53 =	vld [tilespmem:s15+$0xD00];
	v48 =	vsel vm7, $0x12, v11;
	vm2 =	vgt.f32 v29, v42;
	vm4 =	vgt.f32 v60, v59  }
0x91: {  	s2 =	sor.u32 s0, s2;
	s1 =	sor.u32 s0, s1;
	s8 =	simm.s32 $0x40;
	v27 =	vld [tilespmem:s3+$0x0];
	v55 =	vsel vm0, $0x1, v4;
	v14 =	vsel vm0, v15, v14;
	v15 =	vsel vm3, $0xA, v8  }
0x92: {  	s9 =	simm.s32 $0x200;
	s10 =	simm.s32 $0x20;
	s5 =	sor.u32 s0, s11;
	v20 =	vld [tilespmem:s2+$0x0];
	vm1 =	vgt.f32 v21, v39;
	v30 =	vnsel vm2, $0xB, v30;
	vm0 =	vgt.f32 v16, v14  }
0x93: {  	s11 =	sand.u32 $0x380, s10;
	s2 =	sand.u32 $0x400, s9;
	v29 =	vsel vm2, v29, v42;
	v23 =	vnsel vm1, $0x6, v23;
	v14 =	vsel vm0, v16, v14;
	v16 =	vld [tilespmem:s1+$0x0];
	s1 =	sand.u32 $0x60, s8  }
0x94: {  	s25 =	sor.u32 s0, s25;
	v51 =	vld [tilespmem:s5+$0x0];
	s12 =	sor.u32 s11, s2;
	v21 =	vsel vm1, v21, v39;
	v35 =	vsel vm0, v57, v55;
	vm0 =	vgt.f32 v31, v44;
	s23 =	sor.u32 $0x10, s1  }
0x95: {  	v62 =	vld [tilespmem:s25+$0x0];
	vm1 =	vgt.f32 v21, v18;
	s8 =	sadd.s32 $0x1500, s12;
	vm6 =	vgt.f32 v25, v54;
	vm3 =	vgt.f32 v63, v28;
	s0 =	sor.u32 s23, s12  }
0x96: {  	s10 =	sadd.s32 $0x1D00, s12;
	v55 =	vsel vm8, $0x8, v7;
	v52 =	vsel vm1, v23, v58;
	v23 =	vsel vm1, v21, v18;
	s13 =	sor.u32 s23, s8;
	v18 =	vld [tilespmem:s0+$0xD00]  }
0x97: {  	s11 =	sadd.s32 $0x6D00, s12;
	v34 =	vnsel vm0, $0x10, v48;
	v31 =	vsel vm0, v31, v44;
	vm1 =	vgt.f32 v23, v14;
	s16 =	sor.u32 s23, s10;
	v21 =	vld [tilespmem:s13+$0x0]  }
0x98: {  	vm0 =	vgt.f32 v29, v24;
	vm2 =	vgt.f32 v31, v26;
	s9 =	sor.u32 s23, s11;
	v14 =	vsel vm1, v23, v14;
	v23 =	vld [tilespmem:s16+$0x0]  }
0x99: {  	s17 =	sadd.s32 $0x2500, s12;
	v25 =	vsel vm6, v25, v54;
	v24 =	vsel vm0, v29, v24;
	s11 =	sor.u32 s1, s11;
	v26 =	vsel vm2, v31, v26;
	v32 =	vld [tilespmem:s9+$0x0]  }
0x9a: {  	s3 =	sadd.s32 $0x2D00, s12;
	v54 =	vsel vm4, v60, v59;
	v15 =	vsel vm0, v30, v15;
	s18 =	sor.u32 s23, s17;
	v44 =	vld [tilespmem:s11+$0x0];
	vm0 =	vgt.f32 v26, v24  }
0x9b: {  	v28 =	vsel vm3, v63, v28;
	s19 =	sor.u32 s23, s3;
	v29 =	vsel vm2, v34, v61;
	s13 =	sadd.s32 $0x4500, s12;
	v26 =	vsel vm0, v26, v24;
	v24 =	vld [tilespmem:s18+$0x0]  }
0x9c: {  	v59 =	vsel vm4, $0x5, v6;
	vm13 =	vgt.f32 v25, v51;
	s30 =	sor.u32 s23, s13;
	v15 =	vsel vm0, v29, v15;
	v29 =	vld [tilespmem:s19+$0x0]  }
0x9d: {  	s6 =	sadd.s32 $0x3500, s12;
	vm14 =	vgt.f32 v20, v53;
	v30 =	vsel vm1, v52, v35;
	vm2 =	vgt.f32 v37, v22;
	s13 =	sor.u32 s1, s13;
	v33 =	vld [tilespmem:s30+$0x0]  }
0x9e: {  	s2 =	sadd.s32 $0x5500, s12;
	s20 =	sor.u32 s23, s6;
	vm1 =	vgt.f32 v56, v27;
	v25 =	vsel vm13, v25, v51;
	v20 =	vsel vm14, v20, v53;
	v39 =	vld [tilespmem:s13+$0x0]  }
0x9f: {  	s24 =	sor.u32 s23, s2;
	s16 =	sadd.s32 $0x5D00, s12;
	v57 =	vsel vm14, $0x1, v4;
	vm0 =	vgt.f32 v26, v14;
	v14 =	vsel vm8, v19, v17;
	v19 =	vld [tilespmem:s20+$0x0]  }
0xa0: {  	s25 =	sor.u32 s23, s16;
	v27 =	vsel vm1, v56, v27;
	s18 =	sadd.s32 $0x7D00, s12;
	vm7 =	vgt.f32 v50, v16;
	v17 =	vsel vm2, v37, v22;
	v22 =	vld [tilespmem:s24+$0x0]  }
0xa1: {  	v58 =	vsel vm1, $0x3, v5;
	s19 =	sadd.s32 $0x8500, s12;
	vm15 =	vgt.f32 v27, v20;
	v26 =	vld [tilespmem:s25+$0x0];
	s26 =	sor.u32 s23, s18;
	v16 =	vsel vm7, v50, v16  }
0xa2: {  	s30 =	sadd.s32 $0x7500, s12;
	s28 =	sor.u32 s23, s19;
	v20 =	vsel vm15, v27, v20;
	v27 =	vsel vm2, $0xD, v9;
	v60 =	vsel vm7, $0xF, v10;
	v31 =	vld [tilespmem:s26+$0x0]  }
0xa3: {  	s20 =	sor.u32 s23, s30;
	vm5 =	vgt.f32 v14, v62;
	vm10 =	vgt.f32 v17, v49;
	v34 =	vld [tilespmem:s28+$0x0];
	vm12 =	vgt.f32 v25, v16  }
0xa4: {  	s8 =	sor.u32 s1, s8;
	s24 =	sadd.s32 $0x4D00, s12;
	v56 =	vld [tilespmem:s20+$0x0];
	v30 =	vsel vm0, v15, v30;
	v14 =	vsel vm5, v14, v62;
	v17 =	vsel vm10, v17, v49  }
0xa5: {  	s5 =	sor.u32 s23, s24;
	v15 =	vld [tilespmem:s8+$0x0];
	v16 =	vsel vm12, v25, v16;
	v36 =	vnsel vm5, $0x6, v55;
	v27 =	vnsel vm10, $0xB, v27  }
0xa6: {  	s26 =	sadd.s32 $0x9500, s12;
	s24 =	sor.u32 s1, s24;
	v35 =	vld [tilespmem:s5+$0x0];
	vm0 =	vgt.f32 v21, v18;
	vm9 =	vgt.f32 v14, v54;
	vm11 =	vgt.f32 v17, v28  }
0xa7: {  	s28 =	sadd.s32 $0x9D00, s12;
	s25 =	sor.u32 s23, s26;
	v42 =	vld [tilespmem:s24+$0x0];
	v21 =	vsel vm0, v21, v18;
	v14 =	vsel vm9, v14, v54;
	v17 =	vsel vm11, v17, v28  }
0xa8: {  	s5 =	sor.u32 s23, s28;
	v25 =	vld [tilespmem:s25+$0x0];
	v28 =	vsel vm6, $0x12, v11;
	v36 =	vsel vm9, v36, v59;
	vm2 =	vgt.f32 v14, v20  }
0xa9: {  	s3 =	sor.u32 s1, s3;
	s24 =	sadd.s32 $0x6500, s12;
	v38 =	vld [tilespmem:s5+$0x0];
	vm6 =	vgt.f32 v16, v17;
	v28 =	vnsel vm13, $0x10, v28;
	v14 =	vsel vm2, v14, v20  }
0xaa: {  	s11 =	sadd.s32 $0x8D00, s12;
	s20 =	sor.u32 s23, s24;
	v18 =	vld [tilespmem:s3+$0x0];
	v20 =	vsel vm3, $0xA, v8;
	v16 =	vsel vm6, v16, v17;
	v17 =	vsel vm15, v58, v57  }
0xab: {  	s25 =	sor.u32 s23, s11;
	v61 =	vld [tilespmem:s20+$0x0];
	v28 =	vsel vm12, v28, v60;
	vm3 =	vgt.f32 v26, v22;
	vm5 =	vgt.f32 v56, v32  }
0xac: {  	s29 =	sadd.s32 $0x3D00, s12;
	v62 =	vld [tilespmem:s25+$0x0];
	v20 =	vsel vm11, v27, v20;
	vm1 =	vgt.f32 v16, v14;
	v14 =	vsel vm2, v36, v17  }
0xad: {  	s9 =	sor.u32 s23, s29;
	v58 =	vld.idx.msk [tilespmem:v30+s21+$0x0], $0xffff;
	vm2 =	vgt.f32 v19, v29;
	vm4 =	vgt.f32 v35, v33;
	v53 =	vsel vm3, $0xA, v8  }
0xae: {  	s5 =	sor.u32 s1, s26;
	v27 =	vld [tilespmem:s9+$0x0];
	v26 =	vsel vm3, v26, v22;
	v22 =	vsel vm5, v56, v32;
	v56 =	vsel vm5, $0xD, v9  }
0xaf: {  	s17 =	sor.u32 s1, s17;
	v36 =	vld [tilespmem:s5+$0x0];
	v16 =	vsel vm6, v28, v20;
	vm6 =	vgt.f32 v34, v31;
	v20 =	vsel vm0, $0x1, v4  }
0xb0: {  	s30 =	sor.u32 s1, s30;
	v17 =	vld [tilespmem:s17+$0x0];
	vm7 =	vgt.f32 v38, v25;
	v52 =	vsel vm2, $0x5, v6;
	v33 =	vsel vm4, v35, v33  }
0xb1: {  	s9 =	sor.u32 s1, s28;
	v28 =	vld [tilespmem:s30+$0x0];
	v55 =	vsel vm4, $0x8, v7;
	v14 =	vsel vm1, v16, v14;
	vm1 =	vgt.f32 v24, v23  }
0xb2: {  	v41 =	vld [tilespmem:s9+$0x0];
	v54 =	vsel vm6, $0xF, v10;
	v31 =	vsel vm6, v34, v31;
	v25 =	vsel vm7, v38, v25  }
0xb3: {  	s13 =	sor.u32 s1, s10;
	v59 =	vsel vm7, $0x12, v11;
	v23 =	vsel vm1, v24, v23;
	v24 =	vsel vm2, v19, v29;
	v29 =	vld.idx.msk [tilespmem:v13+s21+$0x0], $0xffff  }
0xb4: {  	s20 =	sor.u32 s1, s6;
	v16 =	vld [tilespmem:s13+$0x0];
	v63 =	vsel vm1, $0x3, v5;
	vm2 =	vgt.f32 v25, v62;
	vm0 =	vgt.f32 v23, v21  }
0xb5: {  	v19 =	vld [tilespmem:s20+$0x0];
	v60 =	vnsel vm2, $0x10, v59;
	v25 =	vsel vm2, v25, v62;
	v57 =	vsel vm0, v63, v20  }
0xb6: {  	s23 =	sor.u32 s1, s29;
	v62 =	vld.idx.msk [tilespmem:v12+s21+$0x0], $0xffff;
	vm1 =	vgt.f32 v33, v27;
	v23 =	vsel vm0, v23, v21;
	vm0 =	vgt.f32 v22, v61  }
0xb7: {  	s2 =	sor.u32 s1, s2;
	v21 =	vld [tilespmem:s23+$0x0];
	vm2 =	vgt.f32 v25, v31;
	v27 =	vsel vm1, v33, v27;
	v32 =	vnsel vm0, $0xB, v56  }
0xb8: {  	v20 =	vld [tilespmem:s2+$0x0];
	v61 =	vsel vm0, v22, v61;
	v25 =	vsel vm2, v25, v31;
	v63 =	vsel vm2, v60, v54;
	[tilespmem:s31+$0x13D00] =	vst v29  }
0xb9: {  	[tilespmem:s4+$0x13D00] =	vst v58;
	vm0 =	vgt.f32 v61, v26;
	v29 =	vnsel vm1, $0x6, v55;
	vm1 =	vgt.f32 v27, v24;
	v13 =	vld.idx.msk [tilespmem:v13+s22+$0x0], $0xffff  }
0xba: {  	s25 =	sor.u32 s1, s16;
	v31 =	vld.idx.msk [tilespmem:v30+s22+$0x0], $0xffff;
	v26 =	vsel vm0, v61, v26;
	v30 =	vsel vm0, v32, v53;
	v27 =	vsel vm1, v27, v24  }
0xbb: {  	s26 =	sor.u32 s1, s24;
	v22 =	vld [tilespmem:s25+$0x0];
	v29 =	vsel vm1, v29, v52;
	vm0 =	vgt.f32 v25, v26;
	vm1 =	vgt.f32 v27, v23  }
0xbc: {  	s28 =	sor.u32 s1, s18;
	v24 =	vld [tilespmem:s26+$0x0];
	v25 =	vsel vm0, v25, v26;
	v27 =	vsel vm1, v27, v23;
	v26 =	vsel vm1, v29, v57  }
0xbd: {  	s29 =	sor.u32 s1, s19;
	v23 =	vld [tilespmem:s28+$0x0];
	v29 =	vsel vm0, v63, v30;
	vm1 =	vgt.f32 v42, v39;
	vm0 =	vgt.f32 v25, v27  }
0xbe: {  	s30 =	sor.u32 s1, s11;
	v27 =	vld [tilespmem:s29+$0x0];
	v30 =	vsel vm1, v42, v39;
	[tilespmem:s31+$0x14D00] =	vst v13;
	v13 =	vsel vm0, v29, v26  }
0xbf: {  	s18 =	simm.s32 $0x300;
	vm2 =	vgt.f32 v28, v44;
	vm4 =	vgt.f32 v41, v36;
	[tilespmem:s14+$0x13D00] =	vst v62;
	vm3 =	vgt.f32 v30, v21;
	s31 =	sor.u32 s1, s12;
	v26 =	vld [tilespmem:s30+$0x0]  }
0xc0: {  	[tilespmem:s4+$0x14D00] =	vst v31;
	s4 =	simm.s32 $0x60;
	s1 =	simm.s32 $0x4;
	v29 =	vsel vm2, v28, v44;
	vm0 =	vgt.f32 v17, v16;
	v28 =	vsel vm4, v41, v36;
	s12 =	simm.s32 $0x30;
	v25 =	vld [tilespmem:s31+$0xD00]  }
.LBB2_3:
0xc1: {  	s23 =	sand.u32 $0x60, s4;
	s2 =	sand.u32 $0x400, s18;
	s3 =	sand.u32 $0x380, s12;
	vm6 =	vgt.f32 v19, v18;
	vm5 =	vgt.f32 v22, v20;
	vm9 =	vgt.f32 v29, v24;
	v31 =	vld.idx.msk [tilespmem:v14+s21+$0x0], $0xffff  }
0xc2: {  	v32 =	vsel vm0, v17, v16;
	v21 =	vsel vm3, v30, v21;
	s2 =	sor.u32 s3, s2;
	s30 =	sor.u32 $0x10, s23;
	v24 =	vsel vm9, v29, v24;
	v29 =	vld.idx.msk [tilespmem:v12+s22+$0x0], $0xffff  }
0xc3: {  	v19 =	vsel vm6, v19, v18;
	v20 =	vsel vm5, v22, v20;
	s3 =	sor.u32 s23, s2;
	s6 =	sadd.s32 $0x1500, s2;
	s11 =	sor.u32 s30, s2;
	vm7 =	vgt.f32 v27, v23;
	v22 =	vld.idx.msk [tilespmem:v13+s21+$0x0], $0xffff  }
0xc4: {  	v12 =	vmovc v14;
	s8 =	sadd.s32 $0x1D00, s2;
	vm8 =	vgt.f32 v21, v19;
	s19 =	sor.u32 s23, s6;
	v16 =	vld [tilespmem:s11+$0xD00];
	s6 =	sor.u32 s30, s6;
	v23 =	vsel vm7, v27, v23;
	vm14 =	vgt.f32 v28, v26  }
0xc5: {  	s10 =	sadd.s32 $0x2500, s2;
	vm10 =	vgt.f32 v24, v20;
	s24 =	sor.u32 s23, s8;
	v17 =	vld [tilespmem:s6+$0x0];
	s6 =	sor.u32 s30, s8;
	vm13 =	vgt.f32 v15, v25;
	v14 =	vsel vm14, v28, v26  }
0xc6: {  	s29 =	sor.u32 s23, s10;
	v21 =	vsel vm8, v21, v19;
	s8 =	sadd.s32 $0x2D00, s2;
	v18 =	vld [tilespmem:s6+$0x0];
	s6 =	sor.u32 s30, s10;
	v25 =	vsel vm13, v15, v25;
	vm11 =	vgt.f32 v14, v23  }
0xc7: {  	v20 =	vsel vm10, v24, v20;
	s16 =	sor.u32 s23, s8;
	s10 =	sadd.s32 $0x3500, s2;
	v15 =	vld [tilespmem:s6+$0x0];
	s6 =	sor.u32 s30, s8;
	vm12 =	vgt.f32 v32, v25;
	v14 =	vsel vm11, v14, v23;
	[tilespmem:s15+$0x13D00] =	vst v31  }
0xc8: {  	v24 =	vsel vm1, $0x8, v7;
	s17 =	sor.u32 s23, s10;
	v19 =	vld [tilespmem:s6+$0x0];
	s6 =	sor.u32 s30, s10;
	v23 =	vsel vm12, v32, v25;
	v25 =	vsel vm2, $0xD, v9;
	[tilespmem:s14+$0x14D00] =	vst v29;
	s14 =	smov.u32 s15  }
0xc9: {  	v27 =	vsel vm4, $0x12, v11;
	s8 =	sadd.s32 $0x5500, s2;
	vm2 =	vgt.f32 v14, v20;
	s15 =	smov.u32 s31;
	s31 =	smov.u32 s3;
	v26 =	vld [tilespmem:s6+$0x0];
	vm1 =	vgt.f32 v21, v23;
	[tilespmem:s0+$0x13D00] =	vst v22  }
0xca: {  	s3 =	sor.u32 s23, s8;
	s10 =	sor.u32 s30, s8;
	s6 =	sadd.s32 $0x5D00, s2;
	v22 =	vnsel vm3, $0x6, v24;
	v24 =	vnsel vm9, $0xB, v25;
	v25 =	vnsel vm14, $0x10, v27;
	v13 =	vld.idx.msk [tilespmem:v13+s22+$0x0], $0xffff  }
0xcb: {  	v30 =	vsel vm6, $0x5, v6;
	s13 =	sadd.s32 $0x7D00, s2;
	v28 =	vsel vm13, $0x1, v4;
	v29 =	vsel vm0, $0x3, v5;
	s8 =	sor.u32 s23, s6;
	v27 =	vld [tilespmem:s10+$0x0];
	s10 =	sor.u32 s30, s6  }
0xcc: {  	s26 =	sadd.s32 $0x8500, s2;
	v32 =	vsel vm7, $0xF, v10;
	v21 =	vsel vm1, v21, v23;
	v23 =	vsel vm5, $0xA, v8;
	s6 =	sor.u32 s23, s13;
	s13 =	sor.u32 s30, s13;
	v31 =	vld [tilespmem:s10+$0x0]  }
0xcd: {  	s28 =	sadd.s32 $0x4500, s2;
	v14 =	vsel vm2, v14, v20;
	v22 =	vsel vm8, v22, v30;
	v23 =	vsel vm10, v24, v23;
	s10 =	sor.u32 s23, s26;
	v33 =	vld [tilespmem:s13+$0x0];
	s13 =	sor.u32 s30, s26  }
0xce: {  	s20 =	sadd.s32 $0x4D00, s2;
	v25 =	vsel vm11, v25, v32;
	v24 =	vsel vm12, v29, v28;
	vm0 =	vgt.f32 v14, v21;
	s26 =	sor.u32 s23, s28;
	s28 =	sor.u32 s30, s28;
	v20 =	vld [tilespmem:s13+$0x0]  }
0xcf: {  	s25 =	sadd.s32 $0x6D00, s2;
	v14 =	vsel vm1, v22, v24;
	v22 =	vsel vm2, v25, v23;
	s13 =	sor.u32 s23, s20;
	s20 =	sor.u32 s30, s20;
	v21 =	vld [tilespmem:s28+$0x0]  }
0xd0: {  	s5 =	sadd.s32 $0x7500, s2;
	v14 =	vsel vm0, v22, v14;
	s28 =	sor.u32 s23, s25;
	v23 =	vld [tilespmem:s20+$0x0];
	s20 =	sor.u32 s30, s25;
	[tilespmem:s0+$0x14D00] =	vst v13  }
0xd1: {  	s25 =	sor.u32 s23, s5;
	s0 =	sadd.s32 $0x9500, s2;
	s5 =	sor.u32 s30, s5;
	v13 =	vld [tilespmem:s20+$0x0]  }
0xd2: {  	s9 =	sadd.s32 $0x9D00, s2;
	s20 =	sor.u32 s23, s0;
	s0 =	sor.u32 s30, s0;
	v22 =	vld [tilespmem:s5+$0x0]  }
0xd3: {  	s5 =	sor.u32 s23, s9;
	s9 =	sor.u32 s30, s9;
	v24 =	vld [tilespmem:s0+$0x0];
	s0 =	smov.u32 s11  }
0xd4: {  	v25 =	vld [tilespmem:s9+$0x0]  }
0xd5: {  	v28 =	vld [tilespmem:s26+$0x0]  }
0xd6: {  	s1 =	sadd.s32 $0x2, s1;
	vm0 =	vgt.f32 v17, v16;
	s9 =	sadd.s32 $0x3D00, s2;
	v29 =	vld [tilespmem:s13+$0x0]  }
0xd7: {  	p1 =	slt.u32 s1, $0x7E;
	vm2 =	vgt.f32 v15, v18;
	vm3 =	vgt.f32 v26, v19;
	vm1 =	vgt.f32 v31, v27;
	s11 =	sadd.s32 $0x6500, s2;
	s13 =	sor.u32 s30, s9;
	v32 =	vld [tilespmem:s28+$0x0]  }
0xd8: {  	vm6 =	vgt.f32 v20, v33;
	s26 =	sadd.s32 $0x8D00, s2;
	vm5 =	vgt.f32 v23, v21;
	s9 =	sor.u32 s23, s9;
	vm4 =	vgt.f32 v22, v13;
	v30 =	vld [tilespmem:s13+$0x0];
	s13 =	sor.u32 s30, s11  }
0xd9: {  	v35 =	vsel vm2, $0x3, v5;
	v34 =	vsel vm0, $0x1, v4;
	s2 =	sor.u32 s23, s26;
	s11 =	sor.u32 s23, s11;
	v36 =	vld [tilespmem:s13+$0x0];
	s13 =	sor.u32 s30, s26;
	vm7 =	vgt.f32 v25, v24  }
0xda: {  	v37 =	vsel vm3, $0x5, v6;
	v38 =	vsel vm1, $0xA, v8;
	v39 =	vsel vm6, $0xF, v10;
	v40 =	vld [tilespmem:s13+$0x0]  }
0xdb: {  	v42 =	vsel vm5, $0x8, v7;
	v43 =	vsel vm4, $0xD, v9;
	v44 =	vsel vm7, $0x12, v11;
	v41 =	vld [tilespmem:s25+$0x0]  }
0xdc: {  	v47 =	vsel vm2, v15, v18;
	v46 =	vsel vm0, v17, v16;
	v26 =	vsel vm3, v26, v19;
	v45 =	vld [tilespmem:s20+$0x0]  }
0xdd: {  	v19 =	vsel vm5, v23, v21;
	v23 =	vsel vm1, v31, v27;
	v27 =	vsel vm6, v20, v33;
	v48 =	vld [tilespmem:s5+$0x0]  }
0xde: {  	vm0 =	vgt.f32 v47, v46;
	v13 =	vsel vm4, v22, v13;
	v20 =	vsel vm7, v25, v24;
	v15 =	vld [tilespmem:s19+$0x0]  }
0xdf: {  	vm1 =	vgt.f32 v19, v30;
	vm2 =	vgt.f32 v13, v36;
	v16 =	vld [tilespmem:s24+$0x0];
	vm3 =	vgt.f32 v20, v40  }
0xe0: {  	v25 =	vsel vm0, v35, v34;
	v22 =	vnsel vm1, $0x6, v42;
	v24 =	vnsel vm2, $0xB, v43;
	v17 =	vld [tilespmem:s29+$0x0]  }
0xe1: {  	v31 =	vsel vm0, v47, v46;
	v30 =	vsel vm1, v19, v30;
	v33 =	vnsel vm3, $0x10, v44;
	v18 =	vld [tilespmem:s16+$0x0]  }
0xe2: {  	vm0 =	vgt.f32 v30, v26;
	v13 =	vsel vm2, v13, v36;
	v34 =	vsel vm3, v20, v40;
	v19 =	vld [tilespmem:s17+$0x0]  }
0xe3: {  	v35 =	vsel vm0, v22, v37;
	vm1 =	vgt.f32 v13, v23;
	vm2 =	vgt.f32 v34, v27;
	v21 =	vld [tilespmem:s9+$0x0]  }
0xe4: {  	v26 =	vsel vm0, v30, v26;
	v13 =	vsel vm1, v13, v23;
	v23 =	vsel vm2, v34, v27;
	v20 =	vld [tilespmem:s3+$0x0]  }
0xe5: {  	vm0 =	vgt.f32 v26, v31;
	v27 =	vsel vm1, v24, v38;
	vm1 =	vgt.f32 v23, v13;
	v22 =	vld [tilespmem:s8+$0x0]  }
.Ltmp0:
0xe6: {  	v26 =	vsel vm0, v26, v31;
	v30 =	vsel vm2, v33, v39;
	v13 =	vsel vm1, v23, v13;
	v24 =	vld [tilespmem:s11+$0x0];
	(pc) =	sbr.rel @p1 .LBB2_3-.Ltmp0, $4  }
0xe7: {  	v25 =	vsel vm0, v35, v25;
	v30 =	vsel vm1, v30, v27;
	vm0 =	vgt.f32 v13, v26;
	v23 =	vld [tilespmem:s6+$0x0]  }
0xe8: {  	vm2 =	vgt.f32 v41, v32;
	vm1 =	vgt.f32 v29, v28;
	v13 =	vsel vm0, v30, v25;
	v27 =	vld [tilespmem:s10+$0x0]  }
0xe9: {  	vm4 =	vgt.f32 v48, v45;
	v30 =	vsel vm1, v29, v28;
	v29 =	vsel vm2, v41, v32;
	v26 =	vld [tilespmem:s2+$0x0]  }
0xea: {  	s4 =	sadd.s32 $0x20, s4;
	s18 =	sadd.s32 $0x100, s18;
	s12 =	sadd.s32 $0x10, s12;
	vm0 =	vgt.f32 v17, v16;
	v28 =	vsel vm4, v48, v45;
	vm3 =	vgt.f32 v30, v21;
	v25 =	vld [tilespmem:s31+$0xD00]  }
0xeb: {  	vm6 =	vgt.f32 v19, v18;
	vm5 =	vgt.f32 v22, v20  }
0xec: {  	vm7 =	vgt.f32 v29, v24;
	v16 =	vsel vm0, v17, v16;
	v40 =	vsel vm3, v30, v21  }
0xed: {  	v47 =	vsel vm1, $0x8, v7;
	v48 =	vsel vm2, $0xD, v9;
	v49 =	vsel vm4, $0x12, v11  }
0xee: {  	v51 =	vsel vm0, $0x3, v5;
	v41 =	vsel vm7, v29, v24;
	v18 =	vsel vm6, v19, v18  }
0xef: {  	v42 =	vsel vm5, v22, v20;
	v20 =	vnsel vm7, $0xB, v48;
	v52 =	vsel vm6, $0x5, v6  }
0xf0: {  	v53 =	vsel vm5, $0xA, v8;
	vm8 =	vgt.f32 v27, v23;
	vm9 =	vgt.f32 v40, v18  }
0xf1: {  	vm12 =	vgt.f32 v41, v42;
	v43 =	vsel vm8, v27, v23;
	vm10 =	vgt.f32 v28, v26  }
0xf2: {  	v17 =	vsel vm9, v40, v18;
	v45 =	vsel vm12, v41, v42;
	v54 =	vsel vm8, $0xF, v10  }
0xf3: {  	vm11 =	vgt.f32 v15, v25;
	v44 =	vsel vm10, v28, v26;
	v21 =	vnsel vm10, $0x10, v49  }
0xf4: {  	v15 =	vsel vm11, v15, v25;
	vm13 =	vgt.f32 v44, v43;
	v50 =	vsel vm11, $0x1, v4  }
0xf5: {  	vm14 =	vgt.f32 v16, v15;
	v46 =	vsel vm13, v44, v43;
	v56 =	vsel vm13, v21, v54  }
0xf6: {  	v15 =	vsel vm14, v16, v15;
	vm4 =	vgt.f32 v46, v45;
	v16 =	vnsel vm3, $0x6, v47  }
0xf7: {  	v55 =	vsel vm14, v51, v50;
	vm1 =	vgt.f32 v17, v15;
	v16 =	vsel vm9, v16, v52  }
0xf8: {  	v18 =	vsel vm4, v46, v45;
	v15 =	vsel vm1, v17, v15;
	v17 =	vsel vm12, v20, v53  }
0xf9: {  	v57 =	vsel vm1, v16, v55;
	vm15 =	vgt.f32 v18, v15;
	v58 =	vsel vm4, v56, v17  }
0xfa: {  	v15 =	vsel vm15, v58, v57  }
0xfb: {  	v59 =	vld.idx.msk [tilespmem:v13+s21+$0x0], $0xffff  }
0xfc: {  	v60 =	vld.idx.msk [tilespmem:v14+s21+$0x0], $0xffff;
	_ =	sdelay $0x2  }
0xfd: {  	v61 =	vld.idx.msk [tilespmem:v15+s21+$0x0], $0xffff  }
0xfe: {  	v12 =	vld.idx.msk [tilespmem:v12+s22+$0x0], $0xffff;
	[tilespmem:s0+$0x13D00] =	vst v59  }
0xff: {  	[tilespmem:s15+$0x13D00] =	vst v60;
	v62 =	vld.idx.msk [tilespmem:v13+s22+$0x0], $0xffff  }
0x100: {  	v63 =	vld.idx.msk [tilespmem:v14+s22+$0x0], $0xffff;
	_ =	sdelay $0x1  }
0x101: {  	[tilespmem:s31+$0x13D00] =	vst v61  }
0x102: {  	[tilespmem:s14+$0x14D00] =	vst v12;
	v15 =	vld.idx.msk [tilespmem:v15+s22+$0x0], $0xffff  }
0x103: {  	[tilespmem:s0+$0x14D00] =	vst v62  }
0x104: {  	s29 =	rddreg [dreg:$0x2];
	[tilespmem:s15+$0x14D00] =	vst v63  }
0x105: {  	s28 =	sshll.u32 s7, $0x9;
	p1 =	sne.s32 s7, $0x7;
	s1 =	rddreg [dreg:$0xa]  }
.Ltmp1:
0x106: {  	s2 =	simm.s32 $0x0;
	s0 =	sadd.s32 s1, s28;
	(pc) =	sbr.rel @p1 .LBB2_6-.Ltmp1, $4  }
0x107: {  	s3 =	simm.s32 $0x13D00;
	s30 =	rddreg [dreg:$0x3];
	s1 =	sadd.s32 s29, s0;
	[tilespmem:s31+$0x14D00] =	vst v15  }
0x108: {  	[hbm4b:s1+s2] =	stream.linear.scatter [tilespmem:s3], [sflag:$0x3], $0x800, $0x38;
	[tilespmem:$0x15D00] =	vst v63  }
0x109: {  	s0 =	sadd.s32 s30, s0;
	s31 =	simm.s32 $0x14D00  }
0x10a: {  	[hbm4b:s0+s2] =	stream.linear.scatter [tilespmem:s31], [sflag:$0x5], $0x800, $0x38;
	[tilespmem:$0x15D00] =	vst v63  }
.Ltmp2:
0x10b: {  	(pc) =	sbr.rel .LBB2_7-.Ltmp2, $4  }
0x10c: {  	s0 =	simm.s32 $0x2  }
0x10d: {  	_ =	swait.ge [sflag:s0], $0x9800  }
0x10e: {  	[sflag:s0] =	ssyncset.done $0x0  }
0x10f: {  	[sflag:s0] =	ssyncadd.s32 $0xFFFF6800  }
.LBB2_6:
0x110: {  	s0 =	sshll.u32 s7, $0x3;
	s1 =	rddreg [dreg:$0xb]  }
0x111: {  	s0 =	sadd.s32 s0, s1  }
0x112: {  	s1 =	sshrl.u32 s0, $0x9  }
0x113: {  	s0 =	sshll.u32 s0, $0x9;
	s1 =	smul.u32 $0x4C0000, s1  }
0x114: {  	s0 =	sand.u32 $0x3F000, s0  }
0x115: {  	s29 =	rddreg [dreg:$0x0];
	s30 =	simm.s32 $0x800;
	s0 =	sor.u32 s0, s1  }
0x116: {  	s2 =	simm.s32 $0x40000;
	s3 =	simm.s32 $0xD00;
	s0 =	sshrl.u32 s0, $0x3  }
.Ltmp3:
0x117: {  	s31 =	simm.s32 $0x2;
	s0 =	sadd.s32 s29, s0;
	(pc) =	sbr.rel @p0 .LBB2_8-.Ltmp3, $4  }
0x118: {  	[tilespmem:s3], [sflag:$0x1] =	stream.strided.gather [hbm4b:s0+s30], $0x9800, s2, s30, $0x38;
	[tilespmem:$0x15D00] =	vst v63  }
0x119: {  	_ =	swait.ge [sflag:s31], $0x9800  }
0x11a: {  	[sflag:s31] =	ssyncset.done $0x0  }
0x11b: {  	[sflag:s31] =	ssyncadd.s32 $0xFFFF6800  }
.LBB2_7:
0x11c: {  	s0 =	simm.s32 $0x4  }
0x11d: {  	_ =	swait.ge [sflag:s0], $0x800  }
0x11e: {  	[sflag:s0] =	ssyncset.done $0x0  }
0x11f: {  	s31 =	simm.s32 $0x6;
	[sflag:s0] =	ssyncadd.s32 $0xFFFFF800  }
0x120: {  	_ =	swait.ge [sflag:s31], $0x800  }
0x121: {  	[sflag:s31] =	ssyncset.done $0x0  }
0x122: {  	[sflag:s31] =	ssyncadd.s32 $0xFFFFF800  }
.LBB2_8:
0x123: {  	s1 =	simm.s32 $0x0  }
0x124: {  	s0 =	sand.u32 $0x60, s1;
	s2 =	sand.u32 $0x400, s1;
	s1 =	sand.u32 $0x380, s1  }
0x125: {  	s1 =	sor.u32 s1, s2;
	s19 =	sor.u32 $0x10, s0  }
0x126: {  	s14 =	sadd.s32 $0xAD00, s1;
	s15 =	sor.u32 s19, s1  }
0x127: {  	s12 =	sadd.s32 $0xB500, s1;
	v12 =	vld [tilespmem:s15+$0xA500];
	s17 =	sor.u32 s19, s14  }
0x128: {  	s11 =	sadd.s32 $0xBD00, s1;
	s18 =	sor.u32 s19, s12;
	v13 =	vld [tilespmem:s17+$0x0]  }
0x129: {  	s10 =	sadd.s32 $0xC500, s1;
	s20 =	sor.u32 s19, s11;
	v14 =	vld [tilespmem:s18+$0x0]  }
0x12a: {  	s8 =	sadd.s32 $0xCD00, s1;
	s23 =	sor.u32 s19, s10;
	v15 =	vld [tilespmem:s20+$0x0]  }
0x12b: {  	s6 =	sadd.s32 $0xED00, s1;
	s24 =	sor.u32 s19, s8;
	v16 =	vld [tilespmem:s23+$0x0]  }
0x12c: {  	s4 =	sadd.s32 $0xF500, s1;
	s25 =	sor.u32 s19, s6;
	v17 =	vld [tilespmem:s24+$0x0]  }
0x12d: {  	s3 =	sadd.s32 $0x11500, s1;
	s5 =	sor.u32 s19, s4;
	v18 =	vld [tilespmem:s25+$0x0]  }
0x12e: {  	s2 =	sadd.s32 $0x11D00, s1;
	s26 =	sor.u32 s19, s3;
	v19 =	vld [tilespmem:s5+$0x0]  }
0x12f: {  	s9 =	sadd.s32 $0xDD00, s1;
	s28 =	sor.u32 s19, s2;
	v20 =	vld [tilespmem:s26+$0x0]  }
0x130: {  	s13 =	sadd.s32 $0xE500, s1;
	s16 =	sor.u32 s19, s9;
	v21 =	vld [tilespmem:s28+$0x0]  }
0x131: {  	s29 =	sor.u32 s19, s13;
	v22 =	vld [tilespmem:s16+$0x0]  }
0x132: {  	s9 =	sor.u32 s0, s9;
	v23 =	vld [tilespmem:s29+$0x0]  }
0x133: {  	s13 =	sor.u32 s0, s13;
	s5 =	sadd.s32 $0x10500, s1;
	v28 =	vld [tilespmem:s9+$0x0]  }
0x134: {  	s20 =	sadd.s32 $0x10D00, s1;
	v37 =	vld [tilespmem:s13+$0x0];
	s30 =	sor.u32 s19, s5  }
0x135: {  	s23 =	sadd.s32 $0x12D00, s1;
	s17 =	sor.u32 s19, s20;
	v24 =	vld [tilespmem:s30+$0x0]  }
0x136: {  	s24 =	sadd.s32 $0x13500, s1;
	s18 =	sor.u32 s19, s23;
	v25 =	vld [tilespmem:s17+$0x0]  }
0x137: {  	s16 =	sadd.s32 $0x12500, s1;
	s25 =	sor.u32 s19, s24;
	v26 =	vld [tilespmem:s18+$0x0]  }
0x138: {  	s29 =	sor.u32 s19, s16;
	v27 =	vld [tilespmem:s25+$0x0];
	vm0 =	vgt.f32 v13, v12;
	vm1 =	vgt.f32 v15, v14;
	vm2 =	vgt.f32 v17, v16  }
0x139: {  	s5 =	sor.u32 s0, s5;
	s18 =	sadd.s32 $0xD500, s1;
	v36 =	vld [tilespmem:s29+$0x0];
	vm3 =	vgt.f32 v19, v18;
	vm4 =	vgt.f32 v23, v22;
	vm6 =	vgt.f32 v21, v20  }
0x13a: {  	s17 =	sadd.s32 $0xFD00, s1;
	v41 =	vld [tilespmem:s5+$0x0];
	s26 =	sor.u32 s19, s18;
	v30 =	vsel vm0, $0x1, v4;
	v31 =	vsel vm1, $0x3, v5;
	v33 =	vsel vm2, $0x5, v6  }
0x13b: {  	s28 =	sor.u32 s19, s17;
	v29 =	vld [tilespmem:s26+$0x0];
	v34 =	vsel vm3, $0xA, v8;
	v35 =	vsel vm6, $0xF, v10;
	v38 =	vsel vm4, $0x8, v7  }
0x13c: {  	s30 =	sor.u32 s0, s20;
	v32 =	vld [tilespmem:s28+$0x0];
	v12 =	vsel vm0, v13, v12;
	v13 =	vsel vm1, v15, v14;
	v14 =	vsel vm2, v17, v16  }
0x13d: {  	s13 =	sor.u32 s0, s23;
	v15 =	vld [tilespmem:s30+$0x0];
	v16 =	vsel vm4, v23, v22;
	v17 =	vsel vm3, v19, v18;
	v18 =	vsel vm6, v21, v20  }
0x13e: {  	s19 =	sor.u32 s0, s24;
	v19 =	vld [tilespmem:s13+$0x0];
	vm5 =	vgt.f32 v25, v24;
	vm7 =	vgt.f32 v27, v26;
	vm0 =	vgt.f32 v13, v12  }
0x13f: {  	s20 =	sor.u32 s0, s14;
	v22 =	vld [tilespmem:s19+$0x0];
	v39 =	vsel vm5, $0xD, v9;
	v40 =	vsel vm7, $0x12, v11;
	v20 =	vsel vm5, v25, v24  }
0x140: {  	s23 =	sor.u32 s0, s12;
	v23 =	vld [tilespmem:s20+$0x0];
	v21 =	vsel vm7, v27, v26;
	v24 =	vsel vm0, v31, v30;
	v12 =	vsel vm0, v13, v12  }
0x141: {  	s25 =	sor.u32 s0, s10;
	v27 =	vld [tilespmem:s23+$0x0];
	vm1 =	vgt.f32 v16, v29;
	vm2 =	vgt.f32 v20, v32;
	vm3 =	vgt.f32 v21, v36  }
0x142: {  	s26 =	sor.u32 s0, s8;
	v30 =	vld [tilespmem:s25+$0x0];
	v25 =	vnsel vm1, $0x6, v38;
	v26 =	vnsel vm2, $0xB, v39;
	v13 =	vsel vm1, v16, v29  }
0x143: {  	s24 =	sor.u32 s0, s11;
	v31 =	vld [tilespmem:s26+$0x0];
	v16 =	vnsel vm3, $0x10, v40;
	v20 =	vsel vm2, v20, v32;
	v21 =	vsel vm3, v21, v36  }
0x144: {  	s28 =	sor.u32 s0, s18;
	v29 =	vld [tilespmem:s24+$0x0];
	vm0 =	vgt.f32 v13, v14;
	vm1 =	vgt.f32 v20, v17;
	vm2 =	vgt.f32 v21, v18  }
0x145: {  	s29 =	sor.u32 s0, s6;
	v13 =	vsel vm0, v13, v14;
	v14 =	vsel vm1, v20, v17;
	v17 =	vsel vm2, v21, v18;
	v18 =	vld [tilespmem:s28+$0x0]  }
0x146: {  	s4 =	sor.u32 s0, s4;
	s3 =	sor.u32 s0, s3;
	s14 =	sor.u32 s0, s1;
	v25 =	vsel vm0, v25, v33;
	v20 =	vsel vm1, v26, v34;
	v21 =	vld [tilespmem:s29+$0x0];
	vm0 =	vgt.f32 v13, v12  }
0x147: {  	s5 =	sor.u32 s0, s2;
	s30 =	sor.u32 s0, s17;
	s0 =	sor.u32 s0, s16;
	vm1 =	vgt.f32 v17, v14;
	v12 =	vsel vm0, v13, v12;
	v13 =	vsel vm2, v16, v35;
	v16 =	vld [tilespmem:s4+$0x0]  }
0x148: {  	v14 =	vsel vm1, v17, v14;
	v17 =	vsel vm0, v25, v24;
	v24 =	vld [tilespmem:s0+$0x0]  }
0x149: {  	s9 =	simm.s32 $0x10;
	s6 =	simm.s32 $0x20;
	s8 =	simm.s32 $0x100;
	v25 =	vld [tilespmem:s14+$0xA500]  }
0x14a: {  	s11 =	sand.u32 $0x380, s9;
	s10 =	sand.u32 $0x400, s8;
	s0 =	sand.u32 $0x60, s6;
	vm0 =	vgt.f32 v14, v12;
	v12 =	vld [tilespmem:s30+$0x0]  }
0x14b: {  	s1 =	sor.u32 s11, s10;
	v13 =	vsel vm1, v13, v20;
	v20 =	vld [tilespmem:s5+$0x0];
	s11 =	sor.u32 $0x10, s0  }
0x14c: {  	s6 =	sadd.s32 $0xAD00, s1;
	v14 =	vsel vm0, v13, v17;
	v17 =	vld [tilespmem:s3+$0x0];
	s4 =	sor.u32 s11, s1  }
0x14d: {  	s8 =	sadd.s32 $0xB500, s1;
	s12 =	sor.u32 s11, s6;
	v13 =	vld [tilespmem:s4+$0xA500]  }
0x14e: {  	s17 =	sadd.s32 $0xC500, s1;
	vm7 =	vgt.f32 v22, v19;
	s13 =	sor.u32 s11, s8;
	v50 =	vld [tilespmem:s12+$0x0]  }
0x14f: {  	v19 =	vsel vm7, v22, v19;
	s5 =	sadd.s32 $0x10500, s1;
	vm0 =	vgt.f32 v29, v27;
	s19 =	sor.u32 s11, s17;
	v22 =	vld [tilespmem:s13+$0x0]  }
0x150: {  	vm4 =	vgt.f32 v37, v28;
	s30 =	sor.u32 s11, s5;
	v27 =	vsel vm0, v29, v27;
	v29 =	vld [tilespmem:s19+$0x0]  }
0x151: {  	v28 =	vsel vm4, v37, v28;
	s10 =	sadd.s32 $0xBD00, s1;
	s5 =	sor.u32 s0, s5;
	v53 =	vld [tilespmem:s30+$0x0]  }
0x152: {  	s16 =	sor.u32 s11, s10;
	vm5 =	vgt.f32 v28, v18;
	s12 =	sadd.s32 $0xED00, s1;
	v62 =	vld [tilespmem:s5+$0x0]  }
0x153: {  	vm3 =	vgt.f32 v15, v41;
	s3 =	sadd.s32 $0x11D00, s1;
	v18 =	vsel vm5, v28, v18;
	v28 =	vld [tilespmem:s16+$0x0];
	s23 =	sor.u32 s11, s12;
	vm1 =	vgt.f32 v16, v21  }
0x154: {  	vm2 =	vgt.f32 v31, v30;
	s26 =	sor.u32 s11, s3;
	vm13 =	vgt.f32 v19, v24;
	v16 =	vsel vm1, v16, v21;
	v21 =	vld [tilespmem:s23+$0x0]  }
0x155: {  	s9 =	sadd.s32 $0xDD00, s1;
	v15 =	vsel vm3, v15, v41;
	v54 =	vsel vm2, $0x5, v6;
	v19 =	vsel vm13, v19, v24;
	v24 =	vld [tilespmem:s26+$0x0]  }
0x156: {  	s28 =	sor.u32 s11, s9;
	s13 =	sadd.s32 $0xE500, s1;
	v52 =	vsel vm0, $0x3, v5;
	vm14 =	vgt.f32 v23, v25;
	vm9 =	vgt.f32 v15, v12;
	v26 =	vld.idx.msk [tilespmem:v14+s21+$0x0], $0xffff  }
0x157: {  	s18 =	sadd.s32 $0xCD00, s1;
	s29 =	sor.u32 s11, s13;
	v23 =	vsel vm14, v23, v25;
	v12 =	vsel vm9, v15, v12;
	v15 =	vsel vm2, v31, v30;
	v30 =	vld [tilespmem:s28+$0x0]  }
0x158: {  	s20 =	sor.u32 s11, s18;
	s16 =	sadd.s32 $0xF500, s1;
	v25 =	vsel vm3, $0xD, v9;
	vm6 =	vgt.f32 v20, v17;
	vm12 =	vgt.f32 v27, v23;
	v31 =	vld [tilespmem:s29+$0x0]  }
0x159: {  	s2 =	sadd.s32 $0x11500, s1;
	s24 =	sor.u32 s11, s16;
	vm8 =	vgt.f32 v18, v15;
	v17 =	vsel vm6, v20, v17;
	v20 =	vld [tilespmem:s20+$0x0];
	vm10 =	vgt.f32 v12, v16  }
0x15a: {  	s25 =	sor.u32 s11, s2;
	s20 =	sadd.s32 $0x10D00, s1;
	v15 =	vsel vm8, v18, v15;
	v18 =	vld [tilespmem:s24+$0x0];
	vm11 =	vgt.f32 v19, v17;
	v12 =	vsel vm10, v12, v16  }
0x15b: {  	s26 =	sadd.s32 $0x13500, s1;
	v16 =	vld [tilespmem:s25+$0x0];
	s23 =	sor.u32 s11, s20;
	v17 =	vsel vm11, v19, v17;
	v19 =	vsel vm12, v27, v23;
	v27 =	vsel vm7, $0x12, v11  }
0x15c: {  	v51 =	vsel vm14, $0x1, v4;
	s28 =	sor.u32 s11, s26;
	v56 =	vsel vm6, $0xF, v10;
	v55 =	vld [tilespmem:s23+$0x0];
	s23 =	sadd.s32 $0xFD00, s1;
	v27 =	vnsel vm13, $0x10, v27  }
0x15d: {  	v25 =	vnsel vm9, $0xB, v25;
	s25 =	sadd.s32 $0x12D00, s1;
	vm3 =	vgt.f32 v15, v19;
	s30 =	sor.u32 s11, s23;
	[tilespmem:s15+$0x14500] =	vst v26;
	v26 =	vsel vm11, v27, v56;
	v27 =	vld [tilespmem:s28+$0x0]  }
0x15e: {  	v23 =	vsel vm4, $0x8, v7;
	s24 =	sor.u32 s11, s25;
	v15 =	vsel vm3, v15, v19;
	v19 =	vsel vm1, $0xA, v8;
	v57 =	vld [tilespmem:s30+$0x0]  }
0x15f: {  	vm4 =	vgt.f32 v17, v12;
	v23 =	vnsel vm5, $0x6, v23;
	v19 =	vsel vm10, v25, v19;
	v25 =	vld [tilespmem:s24+$0x0]  }
0x160: {  	s9 =	sor.u32 s0, s9;
	v23 =	vsel vm8, v23, v54;
	v12 =	vsel vm4, v17, v12;
	v17 =	vsel vm12, v52, v51;
	v14 =	vld.idx.msk [tilespmem:v14+s22+$0x0], $0xffff  }
0x161: {  	vm1 =	vgt.f32 v28, v22;
	s28 =	sor.u32 s0, s20;
	vm0 =	vgt.f32 v12, v15;
	v12 =	vsel vm3, v23, v17;
	v17 =	vld [tilespmem:s9+$0x0]  }
0x162: {  	s13 =	sor.u32 s0, s13;
	s24 =	sadd.s32 $0xD500, s1;
	vm2 =	vgt.f32 v20, v29;
	v44 =	vld [tilespmem:s28+$0x0];
	v22 =	vsel vm1, v28, v22  }
0x163: {  	s19 =	sadd.s32 $0x12500, s1;
	v15 =	vsel vm4, v26, v19;
	v19 =	vld [tilespmem:s13+$0x0];
	s29 =	sor.u32 s11, s24;
	vm3 =	vgt.f32 v18, v21;
	vm4 =	vgt.f32 v31, v30  }
0x164: {  	vm6 =	vgt.f32 v24, v16;
	v26 =	vsel vm1, $0x3, v5;
	s13 =	sor.u32 s11, s19;
	v12 =	vsel vm0, v15, v12;
	v15 =	vld [tilespmem:s29+$0x0]  }
0x165: {  	s30 =	sor.u32 s0, s26;
	v58 =	vsel vm2, $0x5, v6;
	v20 =	vsel vm2, v20, v29;
	vm0 =	vgt.f32 v50, v13;
	v61 =	vld [tilespmem:s13+$0x0]  }
0x166: {  	s11 =	sor.u32 s0, s8;
	vm5 =	vgt.f32 v55, v53;
	v59 =	vsel vm3, $0xA, v8;
	v18 =	vsel vm3, v18, v21;
	v21 =	vld [tilespmem:s30+$0x0]  }
0x167: {  	s26 =	sor.u32 s0, s24;
	v63 =	vsel vm4, $0x8, v7;
	v29 =	vsel vm4, v31, v30;
	v16 =	vsel vm6, v24, v16;
	v30 =	vld [tilespmem:s11+$0x0]  }
0x168: {  	s29 =	sor.u32 s0, s25;
	v47 =	vld [tilespmem:s26+$0x0];
	v23 =	vsel vm0, $0x1, v4;
	v13 =	vsel vm0, v50, v13;
	v24 =	vsel vm5, v55, v53  }
0x169: {  	s31 =	sor.u32 s0, s1;
	s13 =	sor.u32 s0, s10;
	v42 =	vsel vm5, $0xD, v9;
	v28 =	vld [tilespmem:s29+$0x0];
	vm0 =	vgt.f32 v22, v13;
	vm2 =	vgt.f32 v24, v57  }
0x16a: {  	s6 =	sor.u32 s0, s6;
	s5 =	simm.s32 $0x40;
	s20 =	sor.u32 s0, s17;
	v45 =	vld [tilespmem:s13+$0x0];
	vm7 =	vgt.f32 v27, v25;
	v23 =	vsel vm0, v26, v23;
	v31 =	vnsel vm2, $0xB, v42  }
0x16b: {  	s8 =	simm.s32 $0x20;
	s25 =	sor.u32 s0, s18;
	v13 =	vsel vm0, v22, v13;
	v25 =	vsel vm7, v27, v25;
	v27 =	vld [tilespmem:s6+$0x0];
	s6 =	simm.s32 $0x200;
	vm1 =	vgt.f32 v29, v15  }
0x16c: {  	s28 =	sor.u32 s0, s12;
	s10 =	sand.u32 $0x380, s8;
	v46 =	vld [tilespmem:s25+$0x0];
	v24 =	vsel vm2, v24, v57;
	vm3 =	vgt.f32 v25, v61;
	s9 =	sand.u32 $0x400, s6;
	v15 =	vsel vm1, v29, v15  }
0x16d: {  	s1 =	sand.u32 $0x60, s5;
	s30 =	sor.u32 s0, s23;
	v43 =	vsel vm7, $0x12, v11;
	v29 =	vld [tilespmem:s20+$0x0];
	v25 =	vsel vm3, v25, v61;
	s12 =	sor.u32 s10, s9;
	vm0 =	vgt.f32 v15, v20  }
0x16e: {  	s23 =	sor.u32 $0x10, s1;
	s29 =	sor.u32 s0, s16;
	v26 =	vnsel vm1, $0x6, v63;
	vm2 =	vgt.f32 v25, v16;
	s6 =	sadd.s32 $0xBD00, s12;
	v15 =	vsel vm0, v15, v20;
	v20 =	vld [tilespmem:s28+$0x0]  }
0x16f: {  	vm1 =	vgt.f32 v24, v18;
	vm7 =	vgt.f32 v21, v28;
	s10 =	sadd.s32 $0xC500, s12;
	v16 =	vsel vm2, v25, v16;
	v25 =	vld [tilespmem:s29+$0x0];
	s16 =	sor.u32 s23, s6  }
0x170: {  	v60 =	vsel vm6, $0xF, v10;
	v18 =	vsel vm1, v24, v18;
	v21 =	vsel vm7, v21, v28;
	s18 =	sor.u32 s23, s10;
	v28 =	vld [tilespmem:s16+$0x0]  }
0x171: {  	v22 =	vnsel vm3, $0x10, v43;
	v24 =	vsel vm1, v31, v59;
	vm1 =	vgt.f32 v16, v18;
	v51 =	vld [tilespmem:s18+$0x0]  }
0x172: {  	s3 =	sor.u32 s0, s3;
	v26 =	vsel vm0, v26, v58;
	vm0 =	vgt.f32 v15, v13;
	v16 =	vsel vm1, v16, v18;
	v18 =	vld [tilespmem:s30+$0x0]  }
0x173: {  	v13 =	vsel vm0, v15, v13;
	v15 =	vsel vm2, v22, v60;
	v22 =	vsel vm0, v26, v23;
	v23 =	vld [tilespmem:s3+$0x0]  }
0x174: {  	s2 =	sor.u32 s0, s2;
	v26 =	vld [tilespmem:s31+$0xA500]  }
0x175: {  	s0 =	sor.u32 s0, s19;
	s5 =	sadd.s32 $0x10500, s12;
	vm0 =	vgt.f32 v16, v13;
	v13 =	vld [tilespmem:s2+$0x0]  }
0x176: {  	s30 =	sor.u32 s23, s5;
	v15 =	vsel vm1, v15, v24;
	v24 =	vld [tilespmem:s0+$0x0]  }
0x177: {  	vm4 =	vgt.f32 v19, v17;
	s5 =	sor.u32 s1, s5;
	v58 =	vld [tilespmem:s30+$0x0]  }
0x178: {  	v17 =	vsel vm4, v19, v17;
	v38 =	vld [tilespmem:s5+$0x0]  }
0x179: {  	vm3 =	vgt.f32 v44, v62;
	vm5 =	vgt.f32 v17, v47;
	s3 =	sadd.s32 $0xB500, s12;
	s0 =	sor.u32 s23, s12;
	v22 =	vsel vm0, v15, v22;
	v15 =	vld.idx.msk [tilespmem:v12+s21+$0x0], $0xffff  }
0x17a: {  	v19 =	vsel vm3, v44, v62;
	v50 =	vsel vm5, v17, v47;
	s2 =	sadd.s32 $0xAD00, s12;
	s13 =	sor.u32 s23, s3;
	vm2 =	vgt.f32 v46, v29;
	v16 =	vld [tilespmem:s0+$0xA500]  }
0x17b: {  	s16 =	sadd.s32 $0x11D00, s12;
	s11 =	sor.u32 s23, s2;
	vm0 =	vgt.f32 v45, v30;
	v49 =	vld [tilespmem:s13+$0x0];
	v59 =	vsel vm2, $0x5, v6;
	vm1 =	vgt.f32 v25, v20  }
0x17c: {  	s17 =	sadd.s32 $0xCD00, s12;
	s26 =	sor.u32 s23, s16;
	v48 =	vld [tilespmem:s11+$0x0];
	v30 =	vsel vm0, v45, v30;
	v57 =	vsel vm0, $0x3, v5;
	vm9 =	vgt.f32 v19, v18  }
0x17d: {  	s19 =	sor.u32 s23, s17;
	v20 =	vsel vm1, v25, v20;
	v25 =	vld [tilespmem:s26+$0x0];
	vm14 =	vgt.f32 v27, v26;
	v18 =	vsel vm9, v19, v18  }
0x17e: {  	s11 =	sadd.s32 $0xE500, s12;
	v19 =	vsel vm2, v46, v29;
	vm6 =	vgt.f32 v23, v13;
	v29 =	vld [tilespmem:s19+$0x0];
	vm13 =	vgt.f32 v21, v24  }
0x17f: {  	s29 =	sor.u32 s23, s11;
	s11 =	sor.u32 s1, s11;
	s19 =	sadd.s32 $0xF500, s12;
	v56 =	vsel vm14, $0x1, v4;
	v31 =	vld.idx.msk [tilespmem:v22+s21+$0x0], $0xffff;
	vm8 =	vgt.f32 v50, v19;
	v13 =	vsel vm6, v23, v13  }
0x180: {  	s8 =	sadd.s32 $0x11500, s12;
	v33 =	vld [tilespmem:s11+$0x0];
	vm10 =	vgt.f32 v18, v20;
	s24 =	sor.u32 s23, s19;
	v21 =	vsel vm13, v21, v24;
	v23 =	vsel vm14, v27, v26  }
0x181: {  	s9 =	sadd.s32 $0xDD00, s12;
	s25 =	sor.u32 s23, s8;
	v19 =	vsel vm8, v50, v19;
	v24 =	vld [tilespmem:s24+$0x0];
	vm11 =	vgt.f32 v21, v13;
	vm12 =	vgt.f32 v30, v23  }
0x182: {  	s28 =	sor.u32 s23, s9;
	v18 =	vsel vm10, v18, v20;
	v20 =	vld [tilespmem:s25+$0x0];
	v13 =	vsel vm11, v21, v13;
	v21 =	vsel vm12, v30, v23  }
0x183: {  	v26 =	vsel vm3, $0xD, v9;
	v27 =	vsel vm7, $0x12, v11;
	s25 =	sadd.s32 $0x12D00, s12;
	v30 =	vld [tilespmem:s28+$0x0];
	vm3 =	vgt.f32 v19, v21  }
0x184: {  	v26 =	vnsel vm9, $0xB, v26;
	s28 =	sor.u32 s23, s25;
	v19 =	vsel vm3, v19, v21;
	v21 =	vsel vm1, $0xA, v8;
	[tilespmem:s4+$0x14500] =	vst v31;
	v31 =	vld [tilespmem:s29+$0x0]  }
0x185: {  	s18 =	sadd.s32 $0xED00, s12;
	v61 =	vsel vm6, $0xF, v10;
	v23 =	vsel vm4, $0x8, v7;
	v21 =	vsel vm10, v26, v21;
	v26 =	vld [tilespmem:s28+$0x0]  }
0x186: {  	s20 =	sor.u32 s23, s18;
	s26 =	sadd.s32 $0x13500, s12;
	v27 =	vnsel vm13, $0x10, v27;
	vm4 =	vgt.f32 v13, v18;
	v23 =	vnsel vm5, $0x6, v23;
	v17 =	vld.idx.msk [tilespmem:v22+s22+$0x0], $0xffff  }
0x187: {  	v27 =	vsel vm11, v27, v61;
	v23 =	vsel vm8, v23, v59;
	v13 =	vsel vm4, v13, v18;
	s29 =	sor.u32 s23, s26;
	v22 =	vld [tilespmem:s20+$0x0]  }
0x188: {  	s9 =	sor.u32 s1, s9;
	v18 =	vsel vm12, v57, v56;
	vm1 =	vgt.f32 v28, v49;
	vm2 =	vgt.f32 v29, v51;
	v62 =	vld [tilespmem:s29+$0x0]  }
0x189: {  	vm0 =	vgt.f32 v13, v19;
	v13 =	vsel vm3, v23, v18;
	v18 =	vsel vm4, v27, v21;
	v27 =	vld [tilespmem:s9+$0x0];
	s29 =	sor.u32 s1, s25  }
0x18a: {  	s3 =	sor.u32 s1, s3;
	v23 =	vsel vm1, $0x3, v5;
	v52 =	vsel vm2, $0x5, v6;
	v28 =	vsel vm1, v28, v49;
	s20 =	sadd.s32 $0x10D00, s12;
	v57 =	vld [tilespmem:s29+$0x0]  }
0x18b: {  	s9 =	sadd.s32 $0xD500, s12;
	vm6 =	vgt.f32 v25, v20;
	s24 =	sor.u32 s23, s20;
	v13 =	vsel vm0, v18, v13;
	vm0 =	vgt.f32 v48, v16;
	v18 =	vld [tilespmem:s3+$0x0]  }
0x18c: {  	v29 =	vsel vm2, v29, v51;
	s30 =	sor.u32 s23, s9;
	v54 =	vsel vm6, $0xF, v10;
	v60 =	vld [tilespmem:s24+$0x0];
	s24 =	sadd.s32 $0xFD00, s12;
	v35 =	vsel vm0, v48, v16  }
0x18d: {  	s11 =	sadd.s32 $0x12500, s12;
	v25 =	vsel vm6, v25, v20;
	v21 =	vld [tilespmem:s30+$0x0];
	v19 =	vsel vm0, $0x1, v4;
	s13 =	sor.u32 s23, s24;
	vm0 =	vgt.f32 v28, v35  }
0x18e: {  	s23 =	sor.u32 s23, s11;
	vm4 =	vgt.f32 v31, v30;
	v63 =	vld [tilespmem:s13+$0x0];
	v28 =	vsel vm0, v28, v35;
	vm3 =	vgt.f32 v24, v22  }
0x18f: {  	s6 =	sor.u32 s1, s6;
	v55 =	vld [tilespmem:s23+$0x0];
	vm7 =	vgt.f32 v62, v26;
	v46 =	vsel vm4, $0x8, v7;
	v30 =	vsel vm4, v31, v30  }
0x190: {  	s28 =	sor.u32 s1, s20;
	v20 =	vld [tilespmem:s6+$0x0];
	v31 =	vsel vm0, v23, v19;
	v53 =	vsel vm3, $0xA, v8;
	v56 =	vsel vm7, $0x12, v11  }
0x191: {  	s2 =	sor.u32 s1, s2;
	v45 =	vld [tilespmem:s28+$0x0];
	v24 =	vsel vm3, v24, v22;
	v26 =	vsel vm7, v62, v26;
	vm5 =	vgt.f32 v60, v58  }
0x192: {  	s30 =	sor.u32 s1, s26;
	v16 =	vld [tilespmem:s2+$0x0];
	vm1 =	vgt.f32 v30, v21;
	v47 =	vsel vm5, $0xD, v9;
	v22 =	vsel vm5, v60, v58  }
0x193: {  	v48 =	vld [tilespmem:s30+$0x0];
	s13 =	sor.u32 s1, s10;
	v58 =	vnsel vm1, $0x6, v46;
	v30 =	vsel vm1, v30, v21;
	vm2 =	vgt.f32 v22, v63  }
0x194: {  	s20 =	sor.u32 s1, s9;
	v19 =	vld [tilespmem:s13+$0x0];
	vm3 =	vgt.f32 v26, v55;
	vm0 =	vgt.f32 v30, v29;
	v59 =	vnsel vm2, $0xB, v47  }
0x195: {  	s17 =	sor.u32 s1, s17;
	v23 =	vld [tilespmem:s20+$0x0];
	v60 =	vnsel vm3, $0x10, v56;
	v61 =	vsel vm2, v22, v63;
	v26 =	vsel vm3, v26, v55  }
0x196: {  	s23 =	sor.u32 s1, s18;
	v21 =	vld [tilespmem:s17+$0x0];
	v32 =	vsel vm0, v58, v52;
	vm1 =	vgt.f32 v61, v24;
	vm2 =	vgt.f32 v26, v25  }
0x197: {  	s25 =	sor.u32 s1, s19;
	v22 =	vld [tilespmem:s23+$0x0];
	v29 =	vsel vm0, v30, v29;
	v30 =	vsel vm1, v61, v24;
	v25 =	vsel vm2, v26, v25  }
0x198: {  	s26 =	sor.u32 s1, s24;
	vm0 =	vgt.f32 v29, v28;
	v24 =	vld [tilespmem:s25+$0x0];
	v62 =	vsel vm1, v59, v53;
	vm1 =	vgt.f32 v25, v30  }
0x199: {  	s28 =	sor.u32 s1, s8;
	v26 =	vld [tilespmem:s26+$0x0];
	v28 =	vsel vm0, v29, v28;
	v29 =	vsel vm2, v60, v54;
	v30 =	vsel vm1, v25, v30  }
0x19a: {  	s29 =	sor.u32 s1, s16;
	v31 =	vsel vm0, v32, v31;
	v25 =	vld [tilespmem:s28+$0x0];
	v63 =	vsel vm1, v29, v62;
	vm0 =	vgt.f32 v30, v28  }
0x19b: {  	[tilespmem:s15+$0x15500] =	vst v14;
	s30 =	sor.u32 s1, s11;
	vm2 =	vgt.f32 v45, v38;
	vm1 =	vgt.f32 v33, v27;
	v29 =	vld [tilespmem:s29+$0x0];
	v14 =	vsel vm0, v63, v31  }
0x19c: {  	s15 =	sor.u32 s1, s12;
	[tilespmem:s14+$0x14500] =	vst v15;
	s12 =	simm.s32 $0x30;
	vm4 =	vgt.f32 v48, v57;
	v15 =	vsel vm2, v45, v38;
	v28 =	vld [tilespmem:s30+$0x0];
	v31 =	vsel vm1, v33, v27  }
0x19d: {  	s1 =	simm.s32 $0x4;
	s18 =	simm.s32 $0x300;
	[tilespmem:s4+$0x15500] =	vst v17;
	s4 =	simm.s32 $0x60;
	v30 =	vsel vm4, v48, v57;
	v27 =	vld [tilespmem:s15+$0xA500];
	vm0 =	vgt.f32 v20, v18;
	vm3 =	vgt.f32 v31, v23  }
.LBB2_9:
0x19e: {  	s23 =	sand.u32 $0x60, s4;
	s2 =	sand.u32 $0x400, s18;
	s3 =	sand.u32 $0x380, s12;
	vm6 =	vgt.f32 v21, v19;
	vm5 =	vgt.f32 v24, v22;
	vm9 =	vgt.f32 v15, v26;
	v32 =	vld.idx.msk [tilespmem:v13+s21+$0x0], $0xffff  }
0x19f: {  	v20 =	vsel vm0, v20, v18;
	v23 =	vsel vm3, v31, v23;
	s2 =	sor.u32 s3, s2;
	s30 =	sor.u32 $0x10, s23;
	v26 =	vsel vm9, v15, v26;
	v31 =	vld.idx.msk [tilespmem:v12+s22+$0x0], $0xffff  }
0x1a0: {  	v19 =	vsel vm6, v21, v19;
	v21 =	vsel vm5, v24, v22;
	s3 =	sor.u32 s23, s2;
	s5 =	sadd.s32 $0xAD00, s2;
	s11 =	sor.u32 s30, s2;
	vm7 =	vgt.f32 v29, v25;
	v22 =	vld.idx.msk [tilespmem:v14+s21+$0x0], $0xffff  }
0x1a1: {  	v12 =	vmovc v13;
	s6 =	sadd.s32 $0xB500, s2;
	vm8 =	vgt.f32 v23, v19;
	s19 =	sor.u32 s23, s5;
	v15 =	vld [tilespmem:s11+$0xA500];
	s5 =	sor.u32 s30, s5;
	v24 =	vsel vm7, v29, v25;
	vm14 =	vgt.f32 v30, v28  }
0x1a2: {  	s8 =	sadd.s32 $0xBD00, s2;
	vm10 =	vgt.f32 v26, v21;
	s24 =	sor.u32 s23, s6;
	v17 =	vld [tilespmem:s5+$0x0];
	s5 =	sor.u32 s30, s6;
	vm13 =	vgt.f32 v16, v27;
	v13 =	vsel vm14, v30, v28  }
0x1a3: {  	s29 =	sor.u32 s23, s8;
	v23 =	vsel vm8, v23, v19;
	s6 =	sadd.s32 $0xC500, s2;
	v18 =	vld [tilespmem:s5+$0x0];
	s5 =	sor.u32 s30, s8;
	v25 =	vsel vm13, v16, v27;
	vm11 =	vgt.f32 v13, v24  }
0x1a4: {  	v21 =	vsel vm10, v26, v21;
	s16 =	sor.u32 s23, s6;
	s8 =	sadd.s32 $0xCD00, s2;
	v16 =	vld [tilespmem:s5+$0x0];
	s5 =	sor.u32 s30, s6;
	vm12 =	vgt.f32 v20, v25;
	v13 =	vsel vm11, v13, v24;
	[tilespmem:s31+$0x14500] =	vst v32  }
0x1a5: {  	s17 =	sor.u32 s23, s8;
	v24 =	vsel vm1, $0x8, v7;
	v19 =	vld [tilespmem:s5+$0x0];
	s5 =	sor.u32 s30, s8;
	v20 =	vsel vm12, v20, v25;
	v25 =	vsel vm2, $0xD, v9;
	[tilespmem:s14+$0x15500] =	vst v31;
	s14 =	smov.u32 s31  }
0x1a6: {  	v27 =	vsel vm4, $0x12, v11;
	s6 =	sadd.s32 $0xED00, s2;
	vm2 =	vgt.f32 v13, v21;
	s31 =	smov.u32 s15;
	s15 =	smov.u32 s3;
	v26 =	vld [tilespmem:s5+$0x0];
	vm1 =	vgt.f32 v23, v20;
	[tilespmem:s0+$0x14500] =	vst v22  }
0x1a7: {  	s3 =	sor.u32 s23, s6;
	s6 =	sor.u32 s30, s6;
	s5 =	sadd.s32 $0xF500, s2;
	v22 =	vnsel vm3, $0x6, v24;
	v24 =	vnsel vm9, $0xB, v25;
	v25 =	vnsel vm14, $0x10, v27;
	v14 =	vld.idx.msk [tilespmem:v14+s22+$0x0], $0xffff  }
0x1a8: {  	s9 =	sadd.s32 $0x11500, s2;
	v29 =	vsel vm0, $0x3, v5;
	v30 =	vsel vm6, $0x5, v6;
	v28 =	vsel vm13, $0x1, v4;
	s8 =	sor.u32 s23, s5;
	s5 =	sor.u32 s30, s5;
	v27 =	vld [tilespmem:s6+$0x0]  }
0x1a9: {  	s13 =	sadd.s32 $0x11D00, s2;
	v32 =	vsel vm7, $0xF, v10;
	v20 =	vsel vm1, v23, v20;
	v23 =	vsel vm5, $0xA, v8;
	s6 =	sor.u32 s23, s9;
	v31 =	vld [tilespmem:s5+$0x0];
	s5 =	sor.u32 s30, s9  }
0x1aa: {  	s10 =	sor.u32 s23, s13;
	v13 =	vsel vm2, v13, v21;
	v22 =	vsel vm8, v22, v30;
	v23 =	vsel vm10, v24, v23;
	s9 =	sadd.s32 $0xDD00, s2;
	v33 =	vld [tilespmem:s5+$0x0];
	s5 =	sor.u32 s30, s13  }
0x1ab: {  	s20 =	sadd.s32 $0xE500, s2;
	v25 =	vsel vm11, v25, v32;
	v24 =	vsel vm12, v29, v28;
	vm0 =	vgt.f32 v13, v20;
	s13 =	sor.u32 s23, s9;
	s9 =	sor.u32 s30, s9;
	v21 =	vld [tilespmem:s5+$0x0]  }
0x1ac: {  	s25 =	sadd.s32 $0x10500, s2;
	v13 =	vsel vm1, v22, v24;
	v22 =	vsel vm2, v25, v23;
	s5 =	sor.u32 s23, s20;
	v20 =	vld [tilespmem:s9+$0x0];
	s9 =	sor.u32 s30, s20  }
0x1ad: {  	s26 =	sadd.s32 $0x10D00, s2;
	v13 =	vsel vm0, v22, v13;
	s20 =	sor.u32 s23, s25;
	v23 =	vld [tilespmem:s9+$0x0];
	s9 =	sor.u32 s30, s25;
	[tilespmem:s0+$0x15500] =	vst v14  }
0x1ae: {  	s25 =	sor.u32 s23, s26;
	s0 =	sadd.s32 $0x12D00, s2;
	v14 =	vld [tilespmem:s9+$0x0];
	s9 =	sor.u32 s30, s26  }
0x1af: {  	s28 =	sadd.s32 $0x13500, s2;
	s26 =	sor.u32 s23, s0;
	s0 =	sor.u32 s30, s0;
	v22 =	vld [tilespmem:s9+$0x0]  }
0x1b0: {  	s9 =	sor.u32 s23, s28;
	s28 =	sor.u32 s30, s28;
	v24 =	vld [tilespmem:s0+$0x0];
	s0 =	smov.u32 s11  }
0x1b1: {  	v25 =	vld [tilespmem:s28+$0x0]  }
0x1b2: {  	v28 =	vld [tilespmem:s13+$0x0]  }
0x1b3: {  	s1 =	sadd.s32 $0x2, s1;
	vm0 =	vgt.f32 v17, v15;
	s11 =	sadd.s32 $0xD500, s2;
	v30 =	vld [tilespmem:s5+$0x0]  }
0x1b4: {  	p0 =	slt.u32 s1, $0x7E;
	vm2 =	vgt.f32 v16, v18;
	vm3 =	vgt.f32 v26, v19;
	vm1 =	vgt.f32 v31, v27;
	s13 =	sor.u32 s30, s11;
	s5 =	sadd.s32 $0xFD00, s2;
	v32 =	vld [tilespmem:s20+$0x0]  }
0x1b5: {  	vm6 =	vgt.f32 v21, v33;
	s28 =	sadd.s32 $0x12500, s2;
	vm5 =	vgt.f32 v23, v20;
	s20 =	sor.u32 s23, s11;
	vm4 =	vgt.f32 v22, v14;
	v29 =	vld [tilespmem:s13+$0x0];
	s13 =	sor.u32 s30, s5  }
0x1b6: {  	v35 =	vsel vm2, $0x3, v5;
	v34 =	vsel vm0, $0x1, v4;
	s2 =	sor.u32 s23, s28;
	s11 =	sor.u32 s23, s5;
	s5 =	sor.u32 s30, s28;
	v36 =	vld [tilespmem:s13+$0x0];
	vm7 =	vgt.f32 v25, v24  }
0x1b7: {  	v37 =	vsel vm3, $0x5, v6;
	v38 =	vsel vm1, $0xA, v8;
	v39 =	vsel vm6, $0xF, v10;
	v40 =	vld [tilespmem:s5+$0x0]  }
0x1b8: {  	v42 =	vsel vm5, $0x8, v7;
	v43 =	vsel vm4, $0xD, v9;
	v44 =	vsel vm7, $0x12, v11;
	v41 =	vld [tilespmem:s25+$0x0]  }
0x1b9: {  	v15 =	vsel vm0, v17, v15;
	v17 =	vsel vm2, v16, v18;
	v26 =	vsel vm3, v26, v19;
	v45 =	vld [tilespmem:s26+$0x0]  }
0x1ba: {  	v27 =	vsel vm1, v31, v27;
	v31 =	vsel vm6, v21, v33;
	v23 =	vsel vm5, v23, v20;
	v46 =	vld [tilespmem:s9+$0x0]  }
0x1bb: {  	vm0 =	vgt.f32 v17, v15;
	v14 =	vsel vm4, v22, v14;
	v22 =	vsel vm7, v25, v24;
	v16 =	vld [tilespmem:s19+$0x0]  }
0x1bc: {  	vm1 =	vgt.f32 v23, v29;
	vm2 =	vgt.f32 v14, v36;
	v18 =	vld [tilespmem:s24+$0x0];
	vm3 =	vgt.f32 v22, v40  }
0x1bd: {  	v33 =	vsel vm0, v35, v34;
	v24 =	vnsel vm1, $0x6, v42;
	v25 =	vnsel vm2, $0xB, v43;
	v20 =	vld [tilespmem:s29+$0x0]  }
0x1be: {  	v15 =	vsel vm0, v17, v15;
	v17 =	vsel vm1, v23, v29;
	v29 =	vnsel vm3, $0x10, v44;
	v19 =	vld [tilespmem:s16+$0x0]  }
0x1bf: {  	vm0 =	vgt.f32 v17, v26;
	v14 =	vsel vm2, v14, v36;
	v34 =	vsel vm3, v22, v40;
	v21 =	vld [tilespmem:s17+$0x0]  }
0x1c0: {  	v35 =	vsel vm0, v24, v37;
	vm1 =	vgt.f32 v14, v27;
	vm2 =	vgt.f32 v34, v31;
	v23 =	vld [tilespmem:s20+$0x0]  }
0x1c1: {  	v17 =	vsel vm0, v17, v26;
	v14 =	vsel vm1, v14, v27;
	v27 =	vsel vm2, v34, v31;
	v22 =	vld [tilespmem:s3+$0x0]  }
0x1c2: {  	vm0 =	vgt.f32 v17, v15;
	v31 =	vsel vm1, v25, v38;
	vm1 =	vgt.f32 v27, v14;
	v24 =	vld [tilespmem:s8+$0x0]  }
.Ltmp4:
0x1c3: {  	v15 =	vsel vm0, v17, v15;
	v17 =	vsel vm2, v29, v39;
	v14 =	vsel vm1, v27, v14;
	v26 =	vld [tilespmem:s11+$0x0];
	(pc) =	sbr.rel @p0 .LBB2_9-.Ltmp4, $4  }
0x1c4: {  	v27 =	vsel vm0, v35, v33;
	v17 =	vsel vm1, v17, v31;
	vm0 =	vgt.f32 v14, v15;
	v25 =	vld [tilespmem:s6+$0x0]  }
0x1c5: {  	vm2 =	vgt.f32 v41, v32;
	vm1 =	vgt.f32 v30, v28;
	v14 =	vsel vm0, v17, v27;
	v29 =	vld [tilespmem:s10+$0x0]  }
0x1c6: {  	vm4 =	vgt.f32 v46, v45;
	v31 =	vsel vm1, v30, v28;
	v15 =	vsel vm2, v41, v32;
	v28 =	vld [tilespmem:s2+$0x0]  }
0x1c7: {  	s4 =	sadd.s32 $0x20, s4;
	s18 =	sadd.s32 $0x100, s18;
	s12 =	sadd.s32 $0x10, s12;
	v30 =	vsel vm4, v46, v45;
	vm0 =	vgt.f32 v20, v18;
	vm3 =	vgt.f32 v31, v23;
	v27 =	vld [tilespmem:s15+$0xA500]  }
0x1c8: {  	vm6 =	vgt.f32 v21, v19;
	vm5 =	vgt.f32 v24, v22  }
0x1c9: {  	vm7 =	vgt.f32 v15, v26;
	v17 =	vsel vm0, v20, v18;
	v42 =	vsel vm3, v31, v23  }
0x1ca: {  	v47 =	vsel vm1, $0x8, v7;
	v48 =	vsel vm2, $0xD, v9;
	v49 =	vsel vm4, $0x12, v11  }
0x1cb: {  	v51 =	vsel vm0, $0x3, v5;
	v15 =	vsel vm7, v15, v26;
	v19 =	vsel vm6, v21, v19  }
0x1cc: {  	v43 =	vsel vm5, v24, v22;
	v20 =	vnsel vm7, $0xB, v48;
	v52 =	vsel vm6, $0x5, v6  }
0x1cd: {  	v53 =	vsel vm5, $0xA, v8;
	vm8 =	vgt.f32 v29, v25;
	vm9 =	vgt.f32 v42, v19  }
0x1ce: {  	vm12 =	vgt.f32 v15, v43;
	v44 =	vsel vm8, v29, v25;
	vm10 =	vgt.f32 v30, v28  }
0x1cf: {  	v18 =	vsel vm9, v42, v19;
	v15 =	vsel vm12, v15, v43;
	v54 =	vsel vm8, $0xF, v10  }
0x1d0: {  	vm11 =	vgt.f32 v16, v27;
	v45 =	vsel vm10, v30, v28;
	v21 =	vnsel vm10, $0x10, v49  }
0x1d1: {  	v16 =	vsel vm11, v16, v27;
	vm13 =	vgt.f32 v45, v44;
	v50 =	vsel vm11, $0x1, v4  }
0x1d2: {  	vm14 =	vgt.f32 v17, v16;
	v46 =	vsel vm13, v45, v44;
	v56 =	vsel vm13, v21, v54  }
0x1d3: {  	v16 =	vsel vm14, v17, v16;
	vm4 =	vgt.f32 v46, v15;
	v17 =	vnsel vm3, $0x6, v47  }
0x1d4: {  	v55 =	vsel vm14, v51, v50;
	vm1 =	vgt.f32 v18, v16;
	v17 =	vsel vm9, v17, v52  }
0x1d5: {  	v15 =	vsel vm4, v46, v15;
	v16 =	vsel vm1, v18, v16;
	v18 =	vsel vm12, v20, v53  }
0x1d6: {  	v57 =	vsel vm1, v17, v55;
	vm15 =	vgt.f32 v15, v16;
	v58 =	vsel vm4, v56, v18  }
0x1d7: {  	v15 =	vsel vm15, v58, v57;
	_ =	sdelay $0x1  }
0x1d8: {  	v59 =	vld.idx.msk [tilespmem:v14+s21+$0x0], $0xffff  }
0x1d9: {  	v60 =	vld.idx.msk [tilespmem:v13+s21+$0x0], $0xffff  }
0x1da: {  	v12 =	vld.idx.msk [tilespmem:v12+s22+$0x0], $0xffff  }
0x1db: {  	v61 =	vld.idx.msk [tilespmem:v15+s21+$0x0], $0xffff;
	_ =	sdelay $0x1  }
0x1dc: {  	[tilespmem:s0+$0x14500] =	vst v59  }
0x1dd: {  	[tilespmem:s31+$0x14500] =	vst v60  }
0x1de: {  	[tilespmem:s14+$0x15500] =	vst v12;
	v62 =	vld.idx.msk [tilespmem:v14+s22+$0x0], $0xffff  }
0x1df: {  	v63 =	vld.idx.msk [tilespmem:v13+s22+$0x0], $0xffff;
	[tilespmem:s15+$0x14500] =	vst v61  }
0x1e0: {  	v15 =	vld.idx.msk [tilespmem:v15+s22+$0x0], $0xffff;
	s1 =	rddreg [dreg:$0xc]  }
0x1e1: {  	s2 =	rddreg [dreg:$0xf]  }
0x1e2: {  	s7 =	sadd.s32 $0x1, s7;
	s1 =	sadd.s32 s1, s2  }
0x1e3: {  	s28 =	rddreg [dreg:$0x2];
	p0 =	sne.s32 s7, $0x8;
	[tilespmem:s0+$0x15500] =	vst v62;
	s26 =	sshrl.u32 s1, $0x3  }
.Ltmp5:
0x1e4: {  	s29 =	simm.s32 $0x0;
	[tilespmem:s31+$0x15500] =	vst v63;
	s0 =	sor.u32 $0x100, s26;
	(pc) =	sbr.rel @p0 .LBB2_2-.Ltmp5, $4  }
0x1e5: {  	s3 =	simm.s32 $0x14500;
	s30 =	rddreg [dreg:$0x3];
	s1 =	sadd.s32 s28, s0;
	[tilespmem:s15+$0x15500] =	vst v15  }
0x1e6: {  	[hbm4b:s1+s29] =	stream.linear.scatter [tilespmem:s3], [sflag:$0x4], $0x800, $0x38;
	[tilespmem:$0x15D00] =	vst v63  }
0x1e7: {  	s31 =	simm.s32 $0x15500;
	s0 =	sadd.s32 s30, s0  }
0x1e8: {  	[hbm4b:s0+s29] =	stream.linear.scatter [tilespmem:s31], [sflag:$0x6], $0x800, $0x38;
	[tilespmem:$0x15D00] =	vst v63  }
0x1e9: {  	s0 =	simm.s32 $0x3  }
0x1ea: {  	_ =	swait.ge [sflag:s0], $0x800  }
0x1eb: {  	[sflag:s0] =	ssyncset.done $0x0  }
0x1ec: {  	s29 =	simm.s32 $0x5;
	[sflag:s0] =	ssyncadd.s32 $0xFFFFF800  }
0x1ed: {  	_ =	swait.ge [sflag:s29], $0x800  }
0x1ee: {  	[sflag:s29] =	ssyncset.done $0x0  }
0x1ef: {  	s30 =	simm.s32 $0x4;
	[sflag:s29] =	ssyncadd.s32 $0xFFFFF800  }
0x1f0: {  	_ =	swait.ge [sflag:s30], $0x800  }
0x1f1: {  	[sflag:s30] =	ssyncset.done $0x0  }
0x1f2: {  	s1 =	simm.s32 $0x6;
	[sflag:s30] =	ssyncadd.s32 $0xFFFFF800  }
0x1f3: {  	_ =	swait.ge [sflag:s1], $0x800  }
0x1f4: {  	s2 =	rddreg [dreg:$0xe]  }
0x1f5: {  	s31 =	rddreg [dreg:$0xd];
	s2 =	sadd.s32 $0x1, s2  }
0x1f6: {  	p0 =	sne.s32 s2, s31  }
.Ltmp6:
0x1f7: {  	_ = 	snop;
	(pc) =	sbr.rel @p0 .LBB2_1-.Ltmp6, $3  }
0x1f8: {  	_ =	sdelay $0x1  }
0x1f9: {  	[sflag:s1] =	ssyncset.done $0x0  }
0x1fa: {  	[sflag:s1] =	ssyncadd.s32 $0xFFFFF800  }
0x1fb: {  	_ =	sfence.sel $0x180000  }
0x1fc: {  	[bflag:$0x0] =	sbarrier.arrive $0xFFFF  }
0x1fd: {  	_ =	strace $0x90000047  }
0x1fe: {  	s0 =	stileid.u32;
	[bflag:$0x2] =	sbarrier.arrive $0xFFFF  }
0x1ff: {  	p0 =	sne.s32 s0, $0x0;
	s0 =	rddreg [dreg:$0x4]  }
0x200: {  	s0 =	sadd.s32 @!p0 $0x100000, s0  }
0x201: {  	[sflag:s0] =	ssyncadd.tile.s32 @!p0 $0x1;
	_ =	shalt  }
.Lfunc_end2:
_tile_overlayer_lowered:
.L_overlay_start_2:
0x202: {  	(tag) =	ssettag $0x2  }
0x203: {  	s0 =	rddreg [dreg:$0x0];
	s2 =	stileid.u32  }
0x204: {  	s1 =	rddreg [dreg:$0x1];
	p0 =	sne.s32 s2, $0x0  }
0x205: {  	s3 =	rddreg [dreg:$0x2];
	[bflag:$0x3] =	sbarrier.arrive $0xFFFF;
	s2 =	simm.s32 @!p0 $0x1C07  }
0x206: {  	[timem:s3], [sflag:s2] =	dma.local @!p0 [hbm:s0], s1  }
0x207: {  	s0 =	simm.s32 @!p0 $0x7  }
0x208: {  	_ =	swait.ge @!p0 [sflag:s0], s1  }
0x209: {  	s1 =	ssub.s32 @!p0 $0x0, s1;
	[sflag:s0] =	ssyncset.done @!p0 $0x0  }
0x20a: {  	[sflag:s0] =	ssyncadd.s32 @!p0 s1  }
0x20b: {  	[bflag:$0x3] =	sbarrier.arrive $0xFFFF  }
0x20c: {  	_ =	shalt  }

</sc_bundles>
